<compile_context>
chip_gen: v7x
topology: tpu7x:2x2x1
jax: 0.10.2.dev20260603
libtpu: 0.0.44.dev20260713+nightly
codegen_flags: <defaults>
</compile_context>

<pallas_src>
import functools

import jax
import jax.numpy as jnp
from jax import lax
from jax.experimental import pallas as pl
from jax.experimental.pallas import tpu as pltpu
from jax.experimental.pallas import tpu_sc as plsc

NSAMPLE = 16
RADIUS = 0.05
HMIN = -0.02
HMAX = 0.04
EPS = 1e-5

BM = 256


def _query_body(n_pts, xyzt_ref, cen_ref, rot_ref, triu_ref, idx_ref, pxyz_ref):
    b = pl.program_id(0)
    xyzt = xyzt_ref[0]
    cen = cen_ref[0]
    rot = rot_ref[0]

    def _bf(x):
        return x.astype(jnp.bfloat16).astype(jnp.float32)

    diff_b = [_bf(xyzt[c][None, :] - cen[:, c:c + 1]) for c in range(3)]
    p = []
    for d in range(3):
        acc = jnp.zeros((BM, n_pts), jnp.float32)
        for c in range(3):
            acc = acc + diff_b[c] * _bf(rot[:, 3 * c + d:3 * c + d + 1])
        p.append(acc)

    valid = ((p[1] * p[1] + p[2] * p[2]) < (RADIUS * RADIUS)) \
        & (p[0] > HMIN) & (p[0] < HMAX)

    rank = lax.dot_general(
        valid.astype(jnp.bfloat16), triu_ref[...],
        (((1,), (0,)), ((), ())),
        preferred_element_type=jnp.float32).astype(jnp.int32)
    count = rank[:, n_pts - 1:n_pts]

    iota = lax.broadcasted_iota(jnp.int32, (BM, n_pts), 1)
    zeros_pad = jnp.zeros((BM, 5), jnp.float32)
    maxc = jnp.max(count)

    m0 = valid & (rank == 1)
    idx0 = jnp.sum(jnp.where(m0, iota, 0), axis=1, keepdims=True)
    sel0 = [jnp.sum(jnp.where(m0, p[d], 0.0), axis=1, keepdims=True)
            for d in range(3)]
    p0 = jnp.concatenate(sel0 + [zeros_pad], axis=1)
    idx_ref[0, :, 0:1] = idx0 + b * n_pts
    pxyz_ref[0, :, 0, :] = p0

    for s in range(1, NSAMPLE):
        @pl.when(maxc > s)
        def _(s=s):
            m_s = valid & (rank == (s + 1))
            idx_s = jnp.sum(jnp.where(m_s, iota, 0), axis=1, keepdims=True)
            sel = [jnp.sum(jnp.where(m_s, p[d], 0.0), axis=1, keepdims=True)
                   for d in range(3)]
            ok = count > s
            idx_s = jnp.where(ok, idx_s, idx0)
            sel = [jnp.where(ok, sel[d], sel0[d]) for d in range(3)]
            idx_ref[0, :, s:s + 1] = idx_s + b * n_pts
            pxyz_ref[0, :, s, :] = jnp.concatenate(sel + [zeros_pad], axis=1)

        @pl.when(maxc <= s)
        def _(s=s):
            idx_ref[0, :, s:s + 1] = idx0 + b * n_pts
            pxyz_ref[0, :, s, :] = p0


def _project_body(feat_ref, w_ref, table_ref):
    table_ref[...] = lax.dot_general(
        feat_ref[0], w_ref[...], (((0,), (0,)), ((), ())),
        preferred_element_type=jnp.float32)


def _sc_gather(table, idx):
    n_rows, ch = idx.shape[0], table.shape[1]
    info = plsc.get_sparse_core_info()
    nw = info.num_cores * info.num_subcores
    chunk = 128
    per_w = n_rows // nw
    n_chunks = per_w // chunk
    mesh = plsc.VectorSubcoreMesh(core_axis_name="c", subcore_axis_name="s")

    @functools.partial(
        pl.kernel,
        out_type=jax.ShapeDtypeStruct((n_rows, ch), jnp.float32),
        mesh=mesh,
        scratch_types=[
            pltpu.VMEM((per_w,), jnp.int32),
            pltpu.VMEM((chunk, ch), jnp.float32),
            pltpu.VMEM((chunk, ch), jnp.float32),
            pltpu.SemaphoreType.DMA,
            pltpu.SemaphoreType.DMA,
        ],
    )
    def gk(table_hbm, idx_hbm, out_hbm, idx_v, rows_a, rows_b, sem_a, sem_b):
        wid = lax.axis_index("s") * info.num_cores + lax.axis_index("c")
        base = wid * per_w
        pltpu.sync_copy(idx_hbm.at[pl.ds(base, per_w)], idx_v)
        bufs = (rows_a, rows_b)
        sems = (sem_a, sem_b)
        copies = [
            pltpu.async_copy(
                table_hbm.at[idx_v.at[pl.ds(i * chunk, chunk)]],
                bufs[i % 2], sems[i % 2])
            for i in range(min(2, n_chunks))]
        for i in range(n_chunks):
            copies[i].wait()
            pltpu.sync_copy(bufs[i % 2], out_hbm.at[pl.ds(base + i * chunk, chunk)])
            if i + 2 < n_chunks:
                copies.append(pltpu.async_copy(
                    table_hbm.at[idx_v.at[pl.ds((i + 2) * chunk, chunk)]],
                    bufs[i % 2], sems[i % 2]))

    return gk(table, idx)


def _y1_body(zg_ref, px_ref, w_ref, sums_ref):
    y1 = zg_ref[...] + jnp.dot(px_ref[...], w_ref[...],
                               preferred_element_type=jnp.float32)
    part = jnp.concatenate([
        jnp.sum(y1, axis=0, keepdims=True),
        jnp.sum(y1 * y1, axis=0, keepdims=True),
        jnp.zeros((6, y1.shape[1]), jnp.float32),
    ], axis=0)

    @pl.when(pl.program_id(0) == 0)
    def _():
        sums_ref[...] = part

    @pl.when(pl.program_id(0) != 0)
    def _():
        sums_ref[...] += part


def _bn_scale_shift(sums_ref, g_ref, beta_ref, n_total):
    mean = sums_ref[0:1, :] * (1.0 / n_total)
    ex2 = sums_ref[1:2, :] * (1.0 / n_total)
    var = ex2 - mean * mean
    a = g_ref[...] * lax.rsqrt(var + EPS)
    c = beta_ref[...] - mean * a
    return a, c


def _y2_body(n_total, zg_ref, px_ref, w_ref, sums1_ref, g_ref, beta_ref, w2_ref,
             y2_ref, sums2_ref):
    a, c = _bn_scale_shift(sums1_ref, g_ref, beta_ref, n_total)
    y1 = zg_ref[...] + jnp.dot(px_ref[...], w_ref[...],
                               preferred_element_type=jnp.float32)
    h = jnp.maximum(y1 * a + c, 0.0)
    y2 = lax.dot_general(h, w2_ref[...], (((1,), (1,)), ((), ())),
                         preferred_element_type=jnp.float32)
    y2_ref[...] = y2
    part = jnp.concatenate([
        jnp.sum(y2, axis=0, keepdims=True),
        jnp.sum(y2 * y2, axis=0, keepdims=True),
        jnp.zeros((6, y2.shape[1]), jnp.float32),
    ], axis=0)

    @pl.when(pl.program_id(0) == 0)
    def _():
        sums2_ref[...] = part

    @pl.when(pl.program_id(0) != 0)
    def _():
        sums2_ref[...] += part


def _out_body(n_total, y2_ref, sums2_ref, g_ref, beta_ref, out_ref):
    a, c = _bn_scale_shift(sums2_ref, g_ref, beta_ref, n_total)
    r = jnp.maximum(y2_ref[...] * a[None] + c[None], 0.0)
    mx = jnp.max(r, axis=1)
    out_ref[...] = jnp.transpose(mx)[None]


def _run_query(seed_xyz_graspable, vp_rot):
    B, N, _ = seed_xyz_graspable.shape
    S = NSAMPLE
    f32 = jnp.float32
    xyz_t = seed_xyz_graspable.transpose(0, 2, 1)
    rot_r = vp_rot.reshape(B, N, 9)
    nmb = N // BM
    iot = jnp.arange(N, dtype=jnp.int32)
    triu = (iot[:, None] <= iot[None, :]).astype(jnp.bfloat16)
    return pl.pallas_call(
        functools.partial(_query_body, N),
        grid=(B, nmb),
        in_specs=[
            pl.BlockSpec((1, 3, N), lambda b, j: (b, 0, 0)),
            pl.BlockSpec((1, BM, 3), lambda b, j: (b, j, 0)),
            pl.BlockSpec((1, BM, 9), lambda b, j: (b, j, 0)),
            pl.BlockSpec((N, N), lambda b, j: (0, 0)),
        ],
        out_specs=[
            pl.BlockSpec((1, BM, S), lambda b, j: (b, j, 0)),
            pl.BlockSpec((1, BM, S, 8), lambda b, j: (b, j, 0, 0)),
        ],
        out_shape=[
            jax.ShapeDtypeStruct((B, N, S), jnp.int32),
            jax.ShapeDtypeStruct((B, N, S, 8), f32),
        ],
    )(xyz_t, seed_xyz_graspable, rot_r, triu)


def _run_project(seed_features_graspable, w1f_t):
    B, C, N = seed_features_graspable.shape
    CO = w1f_t.shape[1]
    return pl.pallas_call(
        _project_body,
        grid=(B,),
        in_specs=[
            pl.BlockSpec((1, C, N), lambda b: (b, 0, 0)),
            pl.BlockSpec((C, CO), lambda b: (0, 0)),
        ],
        out_specs=pl.BlockSpec((N, CO), lambda b: (b, 0)),
        out_shape=jax.ShapeDtypeStruct((B * N, CO), jnp.float32),
    )(seed_features_graspable, w1f_t)


def _run_y1(zg, pxyz_flat, w1x):
    n_rows, CO = zg.shape
    f32 = jnp.float32
    rows_blk = 4096
    n_blk = n_rows // rows_blk
    return pl.pallas_call(
        _y1_body,
        grid=(n_blk,),
        in_specs=[
            pl.BlockSpec((rows_blk, CO), lambda i: (i, 0)),
            pl.BlockSpec((rows_blk, 8), lambda i: (i, 0)),
            pl.BlockSpec((8, CO), lambda i: (0, 0)),
        ],
        out_specs=pl.BlockSpec((8, CO), lambda i: (0, 0)),
        out_shape=jax.ShapeDtypeStruct((8, CO), f32),
    )(zg, pxyz_flat, w1x)


def _run_y2(zg, pxyz_flat, w1x, sums1, g1, beta1, W2):
    n_rows, CO = zg.shape
    f32 = jnp.float32
    rows_blk = 4096
    n_blk = n_rows // rows_blk
    return pl.pallas_call(
        functools.partial(_y2_body, float(n_rows)),
        grid=(n_blk,),
        in_specs=[
            pl.BlockSpec((rows_blk, CO), lambda i: (i, 0)),
            pl.BlockSpec((rows_blk, 8), lambda i: (i, 0)),
            pl.BlockSpec((8, CO), lambda i: (0, 0)),
            pl.BlockSpec((8, CO), lambda i: (0, 0)),
            pl.BlockSpec((1, CO), lambda i: (0, 0)),
            pl.BlockSpec((1, CO), lambda i: (0, 0)),
            pl.BlockSpec((CO, CO), lambda i: (0, 0)),
        ],
        out_specs=[
            pl.BlockSpec((rows_blk, CO), lambda i: (i, 0)),
            pl.BlockSpec((8, CO), lambda i: (0, 0)),
        ],
        out_shape=[
            jax.ShapeDtypeStruct((n_rows, CO), f32),
            jax.ShapeDtypeStruct((8, CO), f32),
        ],
    )(zg, pxyz_flat, w1x, sums1, g1.reshape(1, CO), beta1.reshape(1, CO), W2)


def _run_out(y2, sums2, g2, beta2, B, N):
    n_rows, CO = y2.shape
    S = NSAMPLE
    f32 = jnp.float32
    mrows = 128
    n_out_blk = (B * N) // mrows
    return pl.pallas_call(
        functools.partial(_out_body, float(n_rows)),
        grid=(n_out_blk,),
        in_specs=[
            pl.BlockSpec((mrows, S, CO), lambda i: (i, 0, 0)),
            pl.BlockSpec((8, CO), lambda i: (0, 0)),
            pl.BlockSpec((1, CO), lambda i: (0, 0)),
            pl.BlockSpec((1, CO), lambda i: (0, 0)),
        ],
        out_specs=pl.BlockSpec((1, CO, mrows),
                               lambda i: (i // (N // mrows), 0, i % (N // mrows))),
        out_shape=jax.ShapeDtypeStruct((B, CO, N), f32),
    )(y2.reshape(B * N, S, CO), sums2, g2.reshape(1, CO), beta2.reshape(1, CO))


def kernel(seed_xyz_graspable, seed_features_graspable, vp_rot,
           W1, b1, g1, beta1, W2, b2, g2, beta2):
    del b1, b2
    B, N, _ = seed_xyz_graspable.shape
    S = NSAMPLE
    CO = W1.shape[0]
    n_rows = B * N * S
    f32 = jnp.float32

    w1x = jnp.concatenate(
        [W1[:, :3].T * (1.0 / RADIUS), jnp.zeros((5, CO), f32)], axis=0)
    w1f_t = W1[:, 3:].T

    idxg, pxyz = _run_query(seed_xyz_graspable, vp_rot)
    table = _run_project(seed_features_graspable, w1f_t)
    zg = _sc_gather(table, idxg.reshape(n_rows))
    px = pxyz.reshape(n_rows, 8)
    sums1 = _run_y1(zg, px, w1x)
    y2, sums2 = _run_y2(zg, px, w1x, sums1, g1, beta1, W2)
    return _run_out(y2, sums2, g2, beta2, B, N)

# --- scband reference (transcript-rebuilt; emitter-appended) ---
"""Pipeline reference for scband-cloud-crop-85787676770331 (READ-ONLY COPY).

The authoritative reference and input builder live on the scoring server;
editing this copy changes nothing except your own understanding.
"""

import jax, jax.numpy as jnp
import numpy as np

NSAMPLE = 16
RADIUS = 0.05
HMIN = -0.02
HMAX = 0.04
EPS = 1e-5
B, N, C = 2, 1024, 512


def setup_inputs(seed: int = 0) -> dict:
    key = jax.random.key(seed)
    ks = jax.random.split(key, 8)
    seed_xyz_graspable = jax.random.uniform(ks[0], (B, N, 3), dtype=jnp.float32)
    seed_features_graspable = jax.random.normal(ks[1], (B, C, N), dtype=jnp.float32)
    vp_rot = jax.random.normal(ks[2], (B, N, 3, 3), dtype=jnp.float32)
    c_in = 3 + C
    W1 = jax.random.normal(ks[3], (256, c_in), dtype=jnp.float32) * (1.0 / np.sqrt(c_in))
    b1 = jnp.zeros((256,), jnp.float32)
    g1 = jnp.ones((256,), jnp.float32)
    beta1 = jnp.zeros((256,), jnp.float32)
    W2 = jax.random.normal(ks[4], (256, 256), dtype=jnp.float32) * (1.0 / np.sqrt(256.0))
    b2 = jnp.zeros((256,), jnp.float32)
    g2 = jnp.ones((256,), jnp.float32)
    beta2 = jnp.zeros((256,), jnp.float32)
    return {
        'seed_xyz_graspable': seed_xyz_graspable,
        'seed_features_graspable': seed_features_graspable,
        'vp_rot': vp_rot,
        'W1': W1, 'b1': b1, 'g1': g1, 'beta1': beta1,
        'W2': W2, 'b2': b2, 'g2': g2, 'beta2': beta2,
    }


def _cylinder_query(xyz, new_xyz, rot):
    # xyz: [B,N,3], new_xyz: [B,M,3], rot: [B,M,3,3]
    diff = xyz[:, None, :, :] - new_xyz[:, :, None, :]  # [B,M,N,3]
    p = jnp.einsum('bmnc,bmcd->bmnd', diff, rot)  # rotated into cylinder frame
    valid = ((p[..., 1] ** 2 + p[..., 2] ** 2) < (RADIUS ** 2)) & (p[..., 0] > HMIN) & (p[..., 0] < HMAX)
    n_pts = xyz.shape[1]
    cand = jnp.where(valid, jnp.arange(n_pts)[None, None, :], n_pts)
    srt = jnp.sort(cand, axis=-1)[..., :NSAMPLE]  # first NSAMPLE valid indices (ascending = CUDA scan order)
    first = srt[..., :1]
    idx = jnp.where(srt >= n_pts, first, srt)  # pad with first valid index
    return idx  # [B,M,NSAMPLE] int32


def _bn_train(x, g, b):
    # BatchNorm2d in training mode (nn.Module default): batch stats over (B,M,S)
    mean = jnp.mean(x, axis=(0, 2, 3), keepdims=True)
    var = jnp.var(x, axis=(0, 2, 3), keepdims=True)
    xh = (x - mean) / jnp.sqrt(var + EPS)
    return xh * g[None, :, None, None] + b[None, :, None, None]


def _forward(seed_xyz, seed_feat, vp_rot, W1, b1, g1, beta1, W2, b2, g2, beta2):
    idx = _cylinder_query(seed_xyz, seed_xyz, vp_rot)  # [B,M,S]
    # group xyz
    grouped_xyz = jax.vmap(lambda pts, i: pts[i])(seed_xyz, idx)  # [B,M,S,3]
    grouped_xyz = grouped_xyz - seed_xyz[:, :, None, :]
    grouped_xyz = jnp.einsum('bmsc,bmcd->bmsd', grouped_xyz, vp_rot)  # rotate_xyz
    grouped_xyz = grouped_xyz / RADIUS  # normalize_xyz
    # group features
    feat_nc = jnp.transpose(seed_feat, (0, 2, 1))  # [B,N,C]
    grouped_feat = jax.vmap(lambda f, i: f[i])(feat_nc, idx)  # [B,M,S,C]
    gx = jnp.transpose(grouped_xyz, (0, 3, 1, 2))  # [B,3,M,S]
    gf = jnp.transpose(grouped_feat, (0, 3, 1, 2))  # [B,C,M,S]
    x = jnp.concatenate([gx, gf], axis=1)  # [B,3+C,M,S]  (use_xyz)
    # SharedMLP: Conv2d(1x1)+BN+ReLU x2
    x = jnp.einsum('oc,bcms->boms', W1, x) + b1[None, :, None, None]
    x = jax.nn.relu(_bn_train(x, g1, beta1))
    x = jnp.einsum('oc,bcms->boms', W2, x) + b2[None, :, None, None]
    x = jax.nn.relu(_bn_train(x, g2, beta2))
    # max_pool2d kernel [1, nsample] then squeeze -> [B,256,M]
    return jnp.max(x, axis=-1)


def reference(seed_xyz_graspable, seed_features_graspable, vp_rot, W1, b1, g1, beta1, W2, b2, g2, beta2):
    return _forward(seed_xyz_graspable, seed_features_graspable, vp_rot, W1, b1, g1, beta1, W2, b2, g2, beta2)

if __name__ == "__main__":
    import jax
    _d = setup_inputs()
    print(jax.jit(kernel)(*tuple(_d.values())))

</pallas_src>

<mosaic_0001>
#map = affine_map<(d0, d1) -> (0, 0)>
#map1 = affine_map<(d0, d1) -> (0)>
module attributes {stable_mosaic.version = 14 : i64} {
  func.func @gk(%arg0: i32, %arg1: i32, %arg2: memref<2048x256xf32, #tpu.memory_space<hbm>>, %arg3: memref<32768xi32, #tpu.memory_space<hbm>>, %arg4: memref<32768x256xf32, #tpu.memory_space<hbm>>, %arg5: memref<1024xi32, #tpu.memory_space<vmem>>, %arg6: memref<128x256xf32, #tpu.memory_space<vmem>>, %arg7: memref<128x256xf32, #tpu.memory_space<vmem>>, %arg8: memref<!tpu.dma_semaphore, #tpu.memory_space<semaphore_mem>>, %arg9: memref<!tpu.dma_semaphore, #tpu.memory_space<semaphore_mem>>) attributes {dimension_semantics = [#tpu.dimension_semantics<core_parallel>, #tpu.dimension_semantics<subcore_parallel>], iteration_bounds = array<i64: 2, 16>, scalar_prefetch = 0 : i64, scratch_operands = 5 : i64, tpu.core_type = #tpu.core_type<sc_vector_subcore>, window_params = [{transform_indices = #map}, {transform_indices = #map1}, {transform_indices = #map}]} {
    %mul3A = arith.constant 2 : i32
    %mul3A_0 = arith.muli %arg1, %mul3A : i32
    %add3A = arith.addi %mul3A_0, %arg0 : i32
    %mul3A_1 = arith.constant 1024 : i32
    %mul3A_2 = arith.muli %add3A, %mul3A_1 : i32
    "tpu.region"() ({
      %run_scoped3A = tpu.sem_alloc : memref<!tpu.dma_semaphore, #tpu.memory_space<semaphore_mem>>
      %dma_start3A_97 = tpu.memref_slice %arg3[%mul3A_2] : memref<32768xi32, #tpu.memory_space<hbm>> -> memref<1024xi32, #tpu.memory_space<hbm>>
      %dma_start3A_98 = tpu.memref_slice %arg3[%mul3A_2] : memref<32768xi32, #tpu.memory_space<hbm>> -> memref<1024xi32, #tpu.memory_space<hbm>>
      tpu.enqueue_dma source(%dma_start3A_98 : memref<1024xi32, #tpu.memory_space<hbm>>) target(%arg5 : memref<1024xi32, #tpu.memory_space<vmem>>) target_semaphore(%run_scoped3A : memref<!tpu.dma_semaphore, #tpu.memory_space<semaphore_mem>>)
      %dma_wait3A_99 = tpu.memref_slice %arg3[%mul3A_2] : memref<32768xi32, #tpu.memory_space<hbm>> -> memref<1024xi32, #tpu.memory_space<hbm>>
      %dma_wait3A_100 = tpu.memref_slice %arg3[%mul3A_2] : memref<32768xi32, #tpu.memory_space<hbm>> -> memref<1024xi32, #tpu.memory_space<hbm>>
      tpu.wait_dma2 semaphore(%run_scoped3A : memref<!tpu.dma_semaphore, #tpu.memory_space<semaphore_mem>>) src(%dma_wait3A_100 : memref<1024xi32, #tpu.memory_space<hbm>>) dst(%arg5 : memref<1024xi32, #tpu.memory_space<vmem>>)
      tpu.yield
    }) : () -> ()
    %dma_start3A = arith.constant 0 : i32
    %dma_start3A_3 = tpu.memref_slice %arg5[%dma_start3A] : memref<1024xi32, #tpu.memory_space<vmem>> -> memref<128xi32, #tpu.memory_space<vmem>>
    %dma_start3A_4 = arith.constant 0 : i32
    %dma_start3A_5 = arith.constant 0 : i32
    %dma_start3A_6 = tpu.memref_slice %arg2[%dma_start3A_4, %dma_start3A_5] : memref<2048x256xf32, #tpu.memory_space<hbm>> -> memref<2048x256xf32, #tpu.memory_space<hbm>>
    tpu.enqueue_indirect_dma source(%dma_start3A_6 : memref<2048x256xf32, #tpu.memory_space<hbm>>) target(%arg6 : memref<128x256xf32, #tpu.memory_space<vmem>>) offsets(%dma_start3A_3 : memref<128xi32, #tpu.memory_space<vmem>>) semaphore(%arg8 : memref<!tpu.dma_semaphore, #tpu.memory_space<semaphore_mem>>)
    %dma_start3A_7 = arith.constant 128 : i32
    %dma_start3A_8 = tpu.memref_slice %arg5[%dma_start3A_7] : memref<1024xi32, #tpu.memory_space<vmem>> -> memref<128xi32, #tpu.memory_space<vmem>>
    %dma_start3A_9 = arith.constant 0 : i32
    %dma_start3A_10 = arith.constant 0 : i32
    %dma_start3A_11 = tpu.memref_slice %arg2[%dma_start3A_9, %dma_start3A_10] : memref<2048x256xf32, #tpu.memory_space<hbm>> -> memref<2048x256xf32, #tpu.memory_space<hbm>>
    tpu.enqueue_indirect_dma source(%dma_start3A_11 : memref<2048x256xf32, #tpu.memory_space<hbm>>) target(%arg7 : memref<128x256xf32, #tpu.memory_space<vmem>>) offsets(%dma_start3A_8 : memref<128xi32, #tpu.memory_space<vmem>>) semaphore(%arg9 : memref<!tpu.dma_semaphore, #tpu.memory_space<semaphore_mem>>)
    %dma_wait3A = arith.constant 0 : i32
    %dma_wait3A_12 = tpu.memref_slice %arg5[%dma_wait3A] : memref<1024xi32, #tpu.memory_space<vmem>> -> memref<128xi32, #tpu.memory_space<vmem>>
    %dma_wait3A_13 = arith.constant 0 : i32
    %dma_wait3A_14 = arith.constant 0 : i32
    %dma_wait3A_15 = tpu.memref_slice %arg2[%dma_wait3A_13, %dma_wait3A_14] : memref<2048x256xf32, #tpu.memory_space<hbm>> -> memref<2048x256xf32, #tpu.memory_space<hbm>>
    tpu.wait_indirect_dma semaphore(%arg8 : memref<!tpu.dma_semaphore, #tpu.memory_space<semaphore_mem>>) src(%dma_wait3A_15 : memref<2048x256xf32, #tpu.memory_space<hbm>>) dst(%arg6 : memref<128x256xf32, #tpu.memory_space<vmem>>)
    %add3A_16 = arith.constant 0 : i32
    %add3A_17 = arith.addi %mul3A_2, %add3A_16 : i32
    "tpu.region"() ({
      %run_scoped3A = tpu.sem_alloc : memref<!tpu.dma_semaphore, #tpu.memory_space<semaphore_mem>>
      %dma_start3A_97 = arith.constant 0 : i32
      %dma_start3A_98 = tpu.memref_slice %arg4[%add3A_17, %dma_start3A_97] : memref<32768x256xf32, #tpu.memory_space<hbm>> -> memref<128x256xf32, #tpu.memory_space<hbm>>
      %dma_start3A_99 = arith.constant 0 : i32
      %dma_start3A_100 = tpu.memref_slice %arg4[%add3A_17, %dma_start3A_99] : memref<32768x256xf32, #tpu.memory_space<hbm>> -> memref<128x256xf32, #tpu.memory_space<hbm>>
      tpu.enqueue_dma source(%arg6 : memref<128x256xf32, #tpu.memory_space<vmem>>) target(%dma_start3A_100 : memref<128x256xf32, #tpu.memory_space<hbm>>) target_semaphore(%run_scoped3A : memref<!tpu.dma_semaphore, #tpu.memory_space<semaphore_mem>>)
      %dma_wait3A_101 = arith.constant 0 : i32
      %dma_wait3A_102 = tpu.memref_slice %arg4[%add3A_17, %dma_wait3A_101] : memref<32768x256xf32, #tpu.memory_space<hbm>> -> memref<128x256xf32, #tpu.memory_space<hbm>>
      %dma_wait3A_103 = arith.constant 0 : i32
      %dma_wait3A_104 = tpu.memref_slice %arg4[%add3A_17, %dma_wait3A_103] : memref<32768x256xf32, #tpu.memory_space<hbm>> -> memref<128x256xf32, #tpu.memory_space<hbm>>
      tpu.wait_dma2 semaphore(%run_scoped3A : memref<!tpu.dma_semaphore, #tpu.memory_space<semaphore_mem>>) src(%arg6 : memref<128x256xf32, #tpu.memory_space<vmem>>) dst(%dma_wait3A_104 : memref<128x256xf32, #tpu.memory_space<hbm>>)
      tpu.yield
    }) : () -> ()
    %dma_start3A_18 = arith.constant 256 : i32
    %dma_start3A_19 = tpu.memref_slice %arg5[%dma_start3A_18] : memref<1024xi32, #tpu.memory_space<vmem>> -> memref<128xi32, #tpu.memory_space<vmem>>
    %dma_start3A_20 = arith.constant 0 : i32
    %dma_start3A_21 = arith.constant 0 : i32
    %dma_start3A_22 = tpu.memref_slice %arg2[%dma_start3A_20, %dma_start3A_21] : memref<2048x256xf32, #tpu.memory_space<hbm>> -> memref<2048x256xf32, #tpu.memory_space<hbm>>
    tpu.enqueue_indirect_dma source(%dma_start3A_22 : memref<2048x256xf32, #tpu.memory_space<hbm>>) target(%arg6 : memref<128x256xf32, #tpu.memory_space<vmem>>) offsets(%dma_start3A_19 : memref<128xi32, #tpu.memory_space<vmem>>) semaphore(%arg8 : memref<!tpu.dma_semaphore, #tpu.memory_space<semaphore_mem>>)
    %dma_wait3A_23 = arith.constant 128 : i32
    %dma_wait3A_24 = tpu.memref_slice %arg5[%dma_wait3A_23] : memref<1024xi32, #tpu.memory_space<vmem>> -> memref<128xi32, #tpu.memory_space<vmem>>
    %dma_wait3A_25 = arith.constant 0 : i32
    %dma_wait3A_26 = arith.constant 0 : i32
    %dma_wait3A_27 = tpu.memref_slice %arg2[%dma_wait3A_25, %dma_wait3A_26] : memref<2048x256xf32, #tpu.memory_space<hbm>> -> memref<2048x256xf32, #tpu.memory_space<hbm>>
    tpu.wait_indirect_dma semaphore(%arg9 : memref<!tpu.dma_semaphore, #tpu.memory_space<semaphore_mem>>) src(%dma_wait3A_27 : memref<2048x256xf32, #tpu.memory_space<hbm>>) dst(%arg7 : memref<128x256xf32, #tpu.memory_space<vmem>>)
    %add3A_28 = arith.constant 128 : i32
    %add3A_29 = arith.addi %mul3A_2, %add3A_28 : i32
    "tpu.region"() ({
      %run_scoped3A = tpu.sem_alloc : memref<!tpu.dma_semaphore, #tpu.memory_space<semaphore_mem>>
      %dma_start3A_97 = arith.constant 0 : i32
      %dma_start3A_98 = tpu.memref_slice %arg4[%add3A_29, %dma_start3A_97] : memref<32768x256xf32, #tpu.memory_space<hbm>> -> memref<128x256xf32, #tpu.memory_space<hbm>>
      %dma_start3A_99 = arith.constant 0 : i32
      %dma_start3A_100 = tpu.memref_slice %arg4[%add3A_29, %dma_start3A_99] : memref<32768x256xf32, #tpu.memory_space<hbm>> -> memref<128x256xf32, #tpu.memory_space<hbm>>
      tpu.enqueue_dma source(%arg7 : memref<128x256xf32, #tpu.memory_space<vmem>>) target(%dma_start3A_100 : memref<128x256xf32, #tpu.memory_space<hbm>>) target_semaphore(%run_scoped3A : memref<!tpu.dma_semaphore, #tpu.memory_space<semaphore_mem>>)
      %dma_wait3A_101 = arith.constant 0 : i32
      %dma_wait3A_102 = tpu.memref_slice %arg4[%add3A_29, %dma_wait3A_101] : memref<32768x256xf32, #tpu.memory_space<hbm>> -> memref<128x256xf32, #tpu.memory_space<hbm>>
      %dma_wait3A_103 = arith.constant 0 : i32
      %dma_wait3A_104 = tpu.memref_slice %arg4[%add3A_29, %dma_wait3A_103] : memref<32768x256xf32, #tpu.memory_space<hbm>> -> memref<128x256xf32, #tpu.memory_space<hbm>>
      tpu.wait_dma2 semaphore(%run_scoped3A : memref<!tpu.dma_semaphore, #tpu.memory_space<semaphore_mem>>) src(%arg7 : memref<128x256xf32, #tpu.memory_space<vmem>>) dst(%dma_wait3A_104 : memref<128x256xf32, #tpu.memory_space<hbm>>)
      tpu.yield
    }) : () -> ()
    %dma_start3A_30 = arith.constant 384 : i32
    %dma_start3A_31 = tpu.memref_slice %arg5[%dma_start3A_30] : memref<1024xi32, #tpu.memory_space<vmem>> -> memref<128xi32, #tpu.memory_space<vmem>>
    %dma_start3A_32 = arith.constant 0 : i32
    %dma_start3A_33 = arith.constant 0 : i32
    %dma_start3A_34 = tpu.memref_slice %arg2[%dma_start3A_32, %dma_start3A_33] : memref<2048x256xf32, #tpu.memory_space<hbm>> -> memref<2048x256xf32, #tpu.memory_space<hbm>>
    tpu.enqueue_indirect_dma source(%dma_start3A_34 : memref<2048x256xf32, #tpu.memory_space<hbm>>) target(%arg7 : memref<128x256xf32, #tpu.memory_space<vmem>>) offsets(%dma_start3A_31 : memref<128xi32, #tpu.memory_space<vmem>>) semaphore(%arg9 : memref<!tpu.dma_semaphore, #tpu.memory_space<semaphore_mem>>)
    %dma_wait3A_35 = arith.constant 256 : i32
    %dma_wait3A_36 = tpu.memref_slice %arg5[%dma_wait3A_35] : memref<1024xi32, #tpu.memory_space<vmem>> -> memref<128xi32, #tpu.memory_space<vmem>>
    %dma_wait3A_37 = arith.constant 0 : i32
    %dma_wait3A_38 = arith.constant 0 : i32
    %dma_wait3A_39 = tpu.memref_slice %arg2[%dma_wait3A_37, %dma_wait3A_38] : memref<2048x256xf32, #tpu.memory_space<hbm>> -> memref<2048x256xf32, #tpu.memory_space<hbm>>
    tpu.wait_indirect_dma semaphore(%arg8 : memref<!tpu.dma_semaphore, #tpu.memory_space<semaphore_mem>>) src(%dma_wait3A_39 : memref<2048x256xf32, #tpu.memory_space<hbm>>) dst(%arg6 : memref<128x256xf32, #tpu.memory_space<vmem>>)
    %add3A_40 = arith.constant 256 : i32
    %add3A_41 = arith.addi %mul3A_2, %add3A_40 : i32
    "tpu.region"() ({
      %run_scoped3A = tpu.sem_alloc : memref<!tpu.dma_semaphore, #tpu.memory_space<semaphore_mem>>
      %dma_start3A_97 = arith.constant 0 : i32
      %dma_start3A_98 = tpu.memref_slice %arg4[%add3A_41, %dma_start3A_97] : memref<32768x256xf32, #tpu.memory_space<hbm>> -> memref<128x256xf32, #tpu.memory_space<hbm>>
      %dma_start3A_99 = arith.constant 0 : i32
      %dma_start3A_100 = tpu.memref_slice %arg4[%add3A_41, %dma_start3A_99] : memref<32768x256xf32, #tpu.memory_space<hbm>> -> memref<128x256xf32, #tpu.memory_space<hbm>>
      tpu.enqueue_dma source(%arg6 : memref<128x256xf32, #tpu.memory_space<vmem>>) target(%dma_start3A_100 : memref<128x256xf32, #tpu.memory_space<hbm>>) target_semaphore(%run_scoped3A : memref<!tpu.dma_semaphore, #tpu.memory_space<semaphore_mem>>)
      %dma_wait3A_101 = arith.constant 0 : i32
      %dma_wait3A_102 = tpu.memref_slice %arg4[%add3A_41, %dma_wait3A_101] : memref<32768x256xf32, #tpu.memory_space<hbm>> -> memref<128x256xf32, #tpu.memory_space<hbm>>
      %dma_wait3A_103 = arith.constant 0 : i32
      %dma_wait3A_104 = tpu.memref_slice %arg4[%add3A_41, %dma_wait3A_103] : memref<32768x256xf32, #tpu.memory_space<hbm>> -> memref<128x256xf32, #tpu.memory_space<hbm>>
      tpu.wait_dma2 semaphore(%run_scoped3A : memref<!tpu.dma_semaphore, #tpu.memory_space<semaphore_mem>>) src(%arg6 : memref<128x256xf32, #tpu.memory_space<vmem>>) dst(%dma_wait3A_104 : memref<128x256xf32, #tpu.memory_space<hbm>>)
      tpu.yield
    }) : () -> ()
    %dma_start3A_42 = arith.constant 512 : i32
    %dma_start3A_43 = tpu.memref_slice %arg5[%dma_start3A_42] : memref<1024xi32, #tpu.memory_space<vmem>> -> memref<128xi32, #tpu.memory_space<vmem>>
    %dma_start3A_44 = arith.constant 0 : i32
    %dma_start3A_45 = arith.constant 0 : i32
    %dma_start3A_46 = tpu.memref_slice %arg2[%dma_start3A_44, %dma_start3A_45] : memref<2048x256xf32, #tpu.memory_space<hbm>> -> memref<2048x256xf32, #tpu.memory_space<hbm>>
    tpu.enqueue_indirect_dma source(%dma_start3A_46 : memref<2048x256xf32, #tpu.memory_space<hbm>>) target(%arg6 : memref<128x256xf32, #tpu.memory_space<vmem>>) offsets(%dma_start3A_43 : memref<128xi32, #tpu.memory_space<vmem>>) semaphore(%arg8 : memref<!tpu.dma_semaphore, #tpu.memory_space<semaphore_mem>>)
    %dma_wait3A_47 = arith.constant 384 : i32
    %dma_wait3A_48 = tpu.memref_slice %arg5[%dma_wait3A_47] : memref<1024xi32, #tpu.memory_space<vmem>> -> memref<128xi32, #tpu.memory_space<vmem>>
    %dma_wait3A_49 = arith.constant 0 : i32
    %dma_wait3A_50 = arith.constant 0 : i32
    %dma_wait3A_51 = tpu.memref_slice %arg2[%dma_wait3A_49, %dma_wait3A_50] : memref<2048x256xf32, #tpu.memory_space<hbm>> -> memref<2048x256xf32, #tpu.memory_space<hbm>>
    tpu.wait_indirect_dma semaphore(%arg9 : memref<!tpu.dma_semaphore, #tpu.memory_space<semaphore_mem>>) src(%dma_wait3A_51 : memref<2048x256xf32, #tpu.memory_space<hbm>>) dst(%arg7 : memref<128x256xf32, #tpu.memory_space<vmem>>)
    %add3A_52 = arith.constant 384 : i32
    %add3A_53 = arith.addi %mul3A_2, %add3A_52 : i32
    "tpu.region"() ({
      %run_scoped3A = tpu.sem_alloc : memref<!tpu.dma_semaphore, #tpu.memory_space<semaphore_mem>>
      %dma_start3A_97 = arith.constant 0 : i32
      %dma_start3A_98 = tpu.memref_slice %arg4[%add3A_53, %dma_start3A_97] : memref<32768x256xf32, #tpu.memory_space<hbm>> -> memref<128x256xf32, #tpu.memory_space<hbm>>
      %dma_start3A_99 = arith.constant 0 : i32
      %dma_start3A_100 = tpu.memref_slice %arg4[%add3A_53, %dma_start3A_99] : memref<32768x256xf32, #tpu.memory_space<hbm>> -> memref<128x256xf32, #tpu.memory_space<hbm>>
      tpu.enqueue_dma source(%arg7 : memref<128x256xf32, #tpu.memory_space<vmem>>) target(%dma_start3A_100 : memref<128x256xf32, #tpu.memory_space<hbm>>) target_semaphore(%run_scoped3A : memref<!tpu.dma_semaphore, #tpu.memory_space<semaphore_mem>>)
      %dma_wait3A_101 = arith.constant 0 : i32
      %dma_wait3A_102 = tpu.memref_slice %arg4[%add3A_53, %dma_wait3A_101] : memref<32768x256xf32, #tpu.memory_space<hbm>> -> memref<128x256xf32, #tpu.memory_space<hbm>>
      %dma_wait3A_103 = arith.constant 0 : i32
      %dma_wait3A_104 = tpu.memref_slice %arg4[%add3A_53, %dma_wait3A_103] : memref<32768x256xf32, #tpu.memory_space<hbm>> -> memref<128x256xf32, #tpu.memory_space<hbm>>
      tpu.wait_dma2 semaphore(%run_scoped3A : memref<!tpu.dma_semaphore, #tpu.memory_space<semaphore_mem>>) src(%arg7 : memref<128x256xf32, #tpu.memory_space<vmem>>) dst(%dma_wait3A_104 : memref<128x256xf32, #tpu.memory_space<hbm>>)
      tpu.yield
    }) : () -> ()
    %dma_start3A_54 = arith.constant 640 : i32
    %dma_start3A_55 = tpu.memref_slice %arg5[%dma_start3A_54] : memref<1024xi32, #tpu.memory_space<vmem>> -> memref<128xi32, #tpu.memory_space<vmem>>
    %dma_start3A_56 = arith.constant 0 : i32
    %dma_start3A_57 = arith.constant 0 : i32
    %dma_start3A_58 = tpu.memref_slice %arg2[%dma_start3A_56, %dma_start3A_57] : memref<2048x256xf32, #tpu.memory_space<hbm>> -> memref<2048x256xf32, #tpu.memory_space<hbm>>
    tpu.enqueue_indirect_dma source(%dma_start3A_58 : memref<2048x256xf32, #tpu.memory_space<hbm>>) target(%arg7 : memref<128x256xf32, #tpu.memory_space<vmem>>) offsets(%dma_start3A_55 : memref<128xi32, #tpu.memory_space<vmem>>) semaphore(%arg9 : memref<!tpu.dma_semaphore, #tpu.memory_space<semaphore_mem>>)
    %dma_wait3A_59 = arith.constant 512 : i32
    %dma_wait3A_60 = tpu.memref_slice %arg5[%dma_wait3A_59] : memref<1024xi32, #tpu.memory_space<vmem>> -> memref<128xi32, #tpu.memory_space<vmem>>
    %dma_wait3A_61 = arith.constant 0 : i32
    %dma_wait3A_62 = arith.constant 0 : i32
    %dma_wait3A_63 = tpu.memref_slice %arg2[%dma_wait3A_61, %dma_wait3A_62] : memref<2048x256xf32, #tpu.memory_space<hbm>> -> memref<2048x256xf32, #tpu.memory_space<hbm>>
    tpu.wait_indirect_dma semaphore(%arg8 : memref<!tpu.dma_semaphore, #tpu.memory_space<semaphore_mem>>) src(%dma_wait3A_63 : memref<2048x256xf32, #tpu.memory_space<hbm>>) dst(%arg6 : memref<128x256xf32, #tpu.memory_space<vmem>>)
    %add3A_64 = arith.constant 512 : i32
    %add3A_65 = arith.addi %mul3A_2, %add3A_64 : i32
    "tpu.region"() ({
      %run_scoped3A = tpu.sem_alloc : memref<!tpu.dma_semaphore, #tpu.memory_space<semaphore_mem>>
      %dma_start3A_97 = arith.constant 0 : i32
      %dma_start3A_98 = tpu.memref_slice %arg4[%add3A_65, %dma_start3A_97] : memref<32768x256xf32, #tpu.memory_space<hbm>> -> memref<128x256xf32, #tpu.memory_space<hbm>>
      %dma_start3A_99 = arith.constant 0 : i32
      %dma_start3A_100 = tpu.memref_slice %arg4[%add3A_65, %dma_start3A_99] : memref<32768x256xf32, #tpu.memory_space<hbm>> -> memref<128x256xf32, #tpu.memory_space<hbm>>
      tpu.enqueue_dma source(%arg6 : memref<128x256xf32, #tpu.memory_space<vmem>>) target(%dma_start3A_100 : memref<128x256xf32, #tpu.memory_space<hbm>>) target_semaphore(%run_scoped3A : memref<!tpu.dma_semaphore, #tpu.memory_space<semaphore_mem>>)
      %dma_wait3A_101 = arith.constant 0 : i32
      %dma_wait3A_102 = tpu.memref_slice %arg4[%add3A_65, %dma_wait3A_101] : memref<32768x256xf32, #tpu.memory_space<hbm>> -> memref<128x256xf32, #tpu.memory_space<hbm>>
      %dma_wait3A_103 = arith.constant 0 : i32
      %dma_wait3A_104 = tpu.memref_slice %arg4[%add3A_65, %dma_wait3A_103] : memref<32768x256xf32, #tpu.memory_space<hbm>> -> memref<128x256xf32, #tpu.memory_space<hbm>>
      tpu.wait_dma2 semaphore(%run_scoped3A : memref<!tpu.dma_semaphore, #tpu.memory_space<semaphore_mem>>) src(%arg6 : memref<128x256xf32, #tpu.memory_space<vmem>>) dst(%dma_wait3A_104 : memref<128x256xf32, #tpu.memory_space<hbm>>)
      tpu.yield
    }) : () -> ()
    %dma_start3A_66 = arith.constant 768 : i32
    %dma_start3A_67 = tpu.memref_slice %arg5[%dma_start3A_66] : memref<1024xi32, #tpu.memory_space<vmem>> -> memref<128xi32, #tpu.memory_space<vmem>>
    %dma_start3A_68 = arith.constant 0 : i32
    %dma_start3A_69 = arith.constant 0 : i32
    %dma_start3A_70 = tpu.memref_slice %arg2[%dma_start3A_68, %dma_start3A_69] : memref<2048x256xf32, #tpu.memory_space<hbm>> -> memref<2048x256xf32, #tpu.memory_space<hbm>>
    tpu.enqueue_indirect_dma source(%dma_start3A_70 : memref<2048x256xf32, #tpu.memory_space<hbm>>) target(%arg6 : memref<128x256xf32, #tpu.memory_space<vmem>>) offsets(%dma_start3A_67 : memref<128xi32, #tpu.memory_space<vmem>>) semaphore(%arg8 : memref<!tpu.dma_semaphore, #tpu.memory_space<semaphore_mem>>)
    %dma_wait3A_71 = arith.constant 640 : i32
    %dma_wait3A_72 = tpu.memref_slice %arg5[%dma_wait3A_71] : memref<1024xi32, #tpu.memory_space<vmem>> -> memref<128xi32, #tpu.memory_space<vmem>>
    %dma_wait3A_73 = arith.constant 0 : i32
    %dma_wait3A_74 = arith.constant 0 : i32
    %dma_wait3A_75 = tpu.memref_slice %arg2[%dma_wait3A_73, %dma_wait3A_74] : memref<2048x256xf32, #tpu.memory_space<hbm>> -> memref<2048x256xf32, #tpu.memory_space<hbm>>
    tpu.wait_indirect_dma semaphore(%arg9 : memref<!tpu.dma_semaphore, #tpu.memory_space<semaphore_mem>>) src(%dma_wait3A_75 : memref<2048x256xf32, #tpu.memory_space<hbm>>) dst(%arg7 : memref<128x256xf32, #tpu.memory_space<vmem>>)
    %add3A_76 = arith.constant 640 : i32
    %add3A_77 = arith.addi %mul3A_2, %add3A_76 : i32
    "tpu.region"() ({
      %run_scoped3A = tpu.sem_alloc : memref<!tpu.dma_semaphore, #tpu.memory_space<semaphore_mem>>
      %dma_start3A_97 = arith.constant 0 : i32
      %dma_start3A_98 = tpu.memref_slice %arg4[%add3A_77, %dma_start3A_97] : memref<32768x256xf32, #tpu.memory_space<hbm>> -> memref<128x256xf32, #tpu.memory_space<hbm>>
      %dma_start3A_99 = arith.constant 0 : i32
      %dma_start3A_100 = tpu.memref_slice %arg4[%add3A_77, %dma_start3A_99] : memref<32768x256xf32, #tpu.memory_space<hbm>> -> memref<128x256xf32, #tpu.memory_space<hbm>>
      tpu.enqueue_dma source(%arg7 : memref<128x256xf32, #tpu.memory_space<vmem>>) target(%dma_start3A_100 : memref<128x256xf32, #tpu.memory_space<hbm>>) target_semaphore(%run_scoped3A : memref<!tpu.dma_semaphore, #tpu.memory_space<semaphore_mem>>)
      %dma_wait3A_101 = arith.constant 0 : i32
      %dma_wait3A_102 = tpu.memref_slice %arg4[%add3A_77, %dma_wait3A_101] : memref<32768x256xf32, #tpu.memory_space<hbm>> -> memref<128x256xf32, #tpu.memory_space<hbm>>
      %dma_wait3A_103 = arith.constant 0 : i32
      %dma_wait3A_104 = tpu.memref_slice %arg4[%add3A_77, %dma_wait3A_103] : memref<32768x256xf32, #tpu.memory_space<hbm>> -> memref<128x256xf32, #tpu.memory_space<hbm>>
      tpu.wait_dma2 semaphore(%run_scoped3A : memref<!tpu.dma_semaphore, #tpu.memory_space<semaphore_mem>>) src(%arg7 : memref<128x256xf32, #tpu.memory_space<vmem>>) dst(%dma_wait3A_104 : memref<128x256xf32, #tpu.memory_space<hbm>>)
      tpu.yield
    }) : () -> ()
    %dma_start3A_78 = arith.constant 896 : i32
    %dma_start3A_79 = tpu.memref_slice %arg5[%dma_start3A_78] : memref<1024xi32, #tpu.memory_space<vmem>> -> memref<128xi32, #tpu.memory_space<vmem>>
    %dma_start3A_80 = arith.constant 0 : i32
    %dma_start3A_81 = arith.constant 0 : i32
    %dma_start3A_82 = tpu.memref_slice %arg2[%dma_start3A_80, %dma_start3A_81] : memref<2048x256xf32, #tpu.memory_space<hbm>> -> memref<2048x256xf32, #tpu.memory_space<hbm>>
    tpu.enqueue_indirect_dma source(%dma_start3A_82 : memref<2048x256xf32, #tpu.memory_space<hbm>>) target(%arg7 : memref<128x256xf32, #tpu.memory_space<vmem>>) offsets(%dma_start3A_79 : memref<128xi32, #tpu.memory_space<vmem>>) semaphore(%arg9 : memref<!tpu.dma_semaphore, #tpu.memory_space<semaphore_mem>>)
    %dma_wait3A_83 = arith.constant 768 : i32
    %dma_wait3A_84 = tpu.memref_slice %arg5[%dma_wait3A_83] : memref<1024xi32, #tpu.memory_space<vmem>> -> memref<128xi32, #tpu.memory_space<vmem>>
    %dma_wait3A_85 = arith.constant 0 : i32
    %dma_wait3A_86 = arith.constant 0 : i32
    %dma_wait3A_87 = tpu.memref_slice %arg2[%dma_wait3A_85, %dma_wait3A_86] : memref<2048x256xf32, #tpu.memory_space<hbm>> -> memref<2048x256xf32, #tpu.memory_space<hbm>>
    tpu.wait_indirect_dma semaphore(%arg8 : memref<!tpu.dma_semaphore, #tpu.memory_space<semaphore_mem>>) src(%dma_wait3A_87 : memref<2048x256xf32, #tpu.memory_space<hbm>>) dst(%arg6 : memref<128x256xf32, #tpu.memory_space<vmem>>)
    %add3A_88 = arith.constant 768 : i32
    %add3A_89 = arith.addi %mul3A_2, %add3A_88 : i32
    "tpu.region"() ({
      %run_scoped3A = tpu.sem_alloc : memref<!tpu.dma_semaphore, #tpu.memory_space<semaphore_mem>>
      %dma_start3A_97 = arith.constant 0 : i32
      %dma_start3A_98 = tpu.memref_slice %arg4[%add3A_89, %dma_start3A_97] : memref<32768x256xf32, #tpu.memory_space<hbm>> -> memref<128x256xf32, #tpu.memory_space<hbm>>
      %dma_start3A_99 = arith.constant 0 : i32
      %dma_start3A_100 = tpu.memref_slice %arg4[%add3A_89, %dma_start3A_99] : memref<32768x256xf32, #tpu.memory_space<hbm>> -> memref<128x256xf32, #tpu.memory_space<hbm>>
      tpu.enqueue_dma source(%arg6 : memref<128x256xf32, #tpu.memory_space<vmem>>) target(%dma_start3A_100 : memref<128x256xf32, #tpu.memory_space<hbm>>) target_semaphore(%run_scoped3A : memref<!tpu.dma_semaphore, #tpu.memory_space<semaphore_mem>>)
      %dma_wait3A_101 = arith.constant 0 : i32
      %dma_wait3A_102 = tpu.memref_slice %arg4[%add3A_89, %dma_wait3A_101] : memref<32768x256xf32, #tpu.memory_space<hbm>> -> memref<128x256xf32, #tpu.memory_space<hbm>>
      %dma_wait3A_103 = arith.constant 0 : i32
      %dma_wait3A_104 = tpu.memref_slice %arg4[%add3A_89, %dma_wait3A_103] : memref<32768x256xf32, #tpu.memory_space<hbm>> -> memref<128x256xf32, #tpu.memory_space<hbm>>
      tpu.wait_dma2 semaphore(%run_scoped3A : memref<!tpu.dma_semaphore, #tpu.memory_space<semaphore_mem>>) src(%arg6 : memref<128x256xf32, #tpu.memory_space<vmem>>) dst(%dma_wait3A_104 : memref<128x256xf32, #tpu.memory_space<hbm>>)
      tpu.yield
    }) : () -> ()
    %dma_wait3A_90 = arith.constant 896 : i32
    %dma_wait3A_91 = tpu.memref_slice %arg5[%dma_wait3A_90] : memref<1024xi32, #tpu.memory_space<vmem>> -> memref<128xi32, #tpu.memory_space<vmem>>
    %dma_wait3A_92 = arith.constant 0 : i32
    %dma_wait3A_93 = arith.constant 0 : i32
    %dma_wait3A_94 = tpu.memref_slice %arg2[%dma_wait3A_92, %dma_wait3A_93] : memref<2048x256xf32, #tpu.memory_space<hbm>> -> memref<2048x256xf32, #tpu.memory_space<hbm>>
    tpu.wait_indirect_dma semaphore(%arg9 : memref<!tpu.dma_semaphore, #tpu.memory_space<semaphore_mem>>) src(%dma_wait3A_94 : memref<2048x256xf32, #tpu.memory_space<hbm>>) dst(%arg7 : memref<128x256xf32, #tpu.memory_space<vmem>>)
    %add3A_95 = arith.constant 896 : i32
    %add3A_96 = arith.addi %mul3A_2, %add3A_95 : i32
    "tpu.region"() ({
      %run_scoped3A = tpu.sem_alloc : memref<!tpu.dma_semaphore, #tpu.memory_space<semaphore_mem>>
      %dma_start3A_97 = arith.constant 0 : i32
      %dma_start3A_98 = tpu.memref_slice %arg4[%add3A_96, %dma_start3A_97] : memref<32768x256xf32, #tpu.memory_space<hbm>> -> memref<128x256xf32, #tpu.memory_space<hbm>>
      %dma_start3A_99 = arith.constant 0 : i32
      %dma_start3A_100 = tpu.memref_slice %arg4[%add3A_96, %dma_start3A_99] : memref<32768x256xf32, #tpu.memory_space<hbm>> -> memref<128x256xf32, #tpu.memory_space<hbm>>
      tpu.enqueue_dma source(%arg7 : memref<128x256xf32, #tpu.memory_space<vmem>>) target(%dma_start3A_100 : memref<128x256xf32, #tpu.memory_space<hbm>>) target_semaphore(%run_scoped3A : memref<!tpu.dma_semaphore, #tpu.memory_space<semaphore_mem>>)
      %dma_wait3A_101 = arith.constant 0 : i32
      %dma_wait3A_102 = tpu.memref_slice %arg4[%add3A_96, %dma_wait3A_101] : memref<32768x256xf32, #tpu.memory_space<hbm>> -> memref<128x256xf32, #tpu.memory_space<hbm>>
      %dma_wait3A_103 = arith.constant 0 : i32
      %dma_wait3A_104 = tpu.memref_slice %arg4[%add3A_96, %dma_wait3A_103] : memref<32768x256xf32, #tpu.memory_space<hbm>> -> memref<128x256xf32, #tpu.memory_space<hbm>>
      tpu.wait_dma2 semaphore(%run_scoped3A : memref<!tpu.dma_semaphore, #tpu.memory_space<semaphore_mem>>) src(%arg7 : memref<128x256xf32, #tpu.memory_space<vmem>>) dst(%dma_wait3A_104 : memref<128x256xf32, #tpu.memory_space<hbm>>)
      tpu.yield
    }) : () -> ()
    return
  }
}

module attributes {stable_mosaic.version = 14 : i64} {
  func.func @_query_body(%arg0: i32, %arg1: i32, %arg2: memref<1x3x1024xf32, #tpu.memory_space<vmem>>, %arg3: memref<1x256x3xf32, #tpu.memory_space<vmem>>, %arg4: memref<1x256x9xf32, #tpu.memory_space<vmem>>, %arg5: memref<1024x1024xbf16, #tpu.memory_space<vmem>>, %arg6: memref<1x256x16xi32, #tpu.memory_space<vmem>>, %arg7: memref<1x256x16x8xf32, #tpu.memory_space<vmem>>) attributes {dimension_semantics = [#tpu.dimension_semantics<arbitrary>, #tpu.dimension_semantics<arbitrary>], iteration_bounds = array<i64: 2, 4>, scalar_prefetch = 0 : i64, scratch_operands = 0 : i64, tpu.core_type = #tpu.core_type<tc>, window_params = [{transform_indices = @transform_0, window_bounds = array<i64: 1, 3, 1024>}, {transform_indices = @transform_1, window_bounds = array<i64: 1, 256, 3>}, {transform_indices = @transform_2, window_bounds = array<i64: 1, 256, 9>}, {pipeline_mode = #tpu.pipeline_mode<synchronous>, transform_indices = @transform_3, window_bounds = array<i64: 1024, 1024>}, {transform_indices = @transform_4, window_bounds = array<i64: 1, 256, 16>}, {transform_indices = @transform_5, window_bounds = array<i64: 1, 256, 16, 8>}]} {
    %get3A = arith.constant 0 : index
    %get3A_0 = arith.constant 0 : index
    %get3A_1 = arith.constant 0 : index
    %get3A_2 = vector.load %arg2[%get3A, %get3A_0, %get3A_1] : memref<1x3x1024xf32, #tpu.memory_space<vmem>>, vector<1x3x1024xf32>
    %get3A_3 = vector.shape_cast %get3A_2 : vector<1x3x1024xf32> to vector<3x1024xf32>
    %get3A_4 = arith.constant 0 : index
    %get3A_5 = arith.constant 0 : index
    %get3A_6 = arith.constant 0 : index
    %get3A_7 = vector.load %arg3[%get3A_4, %get3A_5, %get3A_6] : memref<1x256x3xf32, #tpu.memory_space<vmem>>, vector<1x256x3xf32>
    %get3A_8 = vector.shape_cast %get3A_7 : vector<1x256x3xf32> to vector<256x3xf32>
    %get3A_9 = arith.constant 0 : index
    %get3A_10 = arith.constant 0 : index
    %get3A_11 = arith.constant 0 : index
    %get3A_12 = vector.load %arg4[%get3A_9, %get3A_10, %get3A_11] : memref<1x256x9xf32, #tpu.memory_space<vmem>>, vector<1x256x9xf32>
    %get3A_13 = vector.shape_cast %get3A_12 : vector<1x256x9xf32> to vector<256x9xf32>
    %slice3A = vector.extract_strided_slice %get3A_3 {offsets = [0, 0], sizes = [1, 1024], strides = [1, 1]} : vector<3x1024xf32> to vector<1x1024xf32>
    %squeeze3A = vector.shape_cast %slice3A : vector<1x1024xf32> to vector<1024xf32>
    %broadcast_in_dim3A = vector.shape_cast %squeeze3A : vector<1024xf32> to vector<1x1024xf32>
    %slice3A_14 = vector.extract_strided_slice %get3A_8 {offsets = [0, 0], sizes = [256, 1], strides = [1, 1]} : vector<256x3xf32> to vector<256x1xf32>
    %sub3A = vector.broadcast %broadcast_in_dim3A : vector<1x1024xf32> to vector<256x1024xf32>
    %sub3A_15 = vector.broadcast %slice3A_14 : vector<256x1xf32> to vector<256x1024xf32>
    %sub3A_16 = arith.subf %sub3A, %sub3A_15 : vector<256x1024xf32>
    %convert_element_type3A = arith.truncf %sub3A_16 : vector<256x1024xf32> to vector<256x1024xbf16>
    %convert_element_type3A_17 = arith.extf %convert_element_type3A : vector<256x1024xbf16> to vector<256x1024xf32>
    %slice3A_18 = vector.extract_strided_slice %get3A_3 {offsets = [1, 0], sizes = [1, 1024], strides = [1, 1]} : vector<3x1024xf32> to vector<1x1024xf32>
    %squeeze3A_19 = vector.shape_cast %slice3A_18 : vector<1x1024xf32> to vector<1024xf32>
    %broadcast_in_dim3A_20 = vector.shape_cast %squeeze3A_19 : vector<1024xf32> to vector<1x1024xf32>
    %slice3A_21 = vector.extract_strided_slice %get3A_8 {offsets = [0, 1], sizes = [256, 1], strides = [1, 1]} : vector<256x3xf32> to vector<256x1xf32>
    %sub3A_22 = vector.broadcast %broadcast_in_dim3A_20 : vector<1x1024xf32> to vector<256x1024xf32>
    %sub3A_23 = vector.broadcast %slice3A_21 : vector<256x1xf32> to vector<256x1024xf32>
    %sub3A_24 = arith.subf %sub3A_22, %sub3A_23 : vector<256x1024xf32>
    %convert_element_type3A_25 = arith.truncf %sub3A_24 : vector<256x1024xf32> to vector<256x1024xbf16>
    %convert_element_type3A_26 = arith.extf %convert_element_type3A_25 : vector<256x1024xbf16> to vector<256x1024xf32>
    %slice3A_27 = vector.extract_strided_slice %get3A_3 {offsets = [2, 0], sizes = [1, 1024], strides = [1, 1]} : vector<3x1024xf32> to vector<1x1024xf32>
    %squeeze3A_28 = vector.shape_cast %slice3A_27 : vector<1x1024xf32> to vector<1024xf32>
    %broadcast_in_dim3A_29 = vector.shape_cast %squeeze3A_28 : vector<1024xf32> to vector<1x1024xf32>
    %slice3A_30 = vector.extract_strided_slice %get3A_8 {offsets = [0, 2], sizes = [256, 1], strides = [1, 1]} : vector<256x3xf32> to vector<256x1xf32>
    %sub3A_31 = vector.broadcast %broadcast_in_dim3A_29 : vector<1x1024xf32> to vector<256x1024xf32>
    %sub3A_32 = vector.broadcast %slice3A_30 : vector<256x1xf32> to vector<256x1024xf32>
    %sub3A_33 = arith.subf %sub3A_31, %sub3A_32 : vector<256x1024xf32>
    %convert_element_type3A_34 = arith.truncf %sub3A_33 : vector<256x1024xf32> to vector<256x1024xbf16>
    %convert_element_type3A_35 = arith.extf %convert_element_type3A_34 : vector<256x1024xbf16> to vector<256x1024xf32>
    %broadcast_in_dim3A_36 = arith.constant 0.000000e+00 : f32
    %broadcast_in_dim3A_37 = vector.broadcast %broadcast_in_dim3A_36 : f32 to vector<256x1024xf32>
    %slice3A_38 = vector.extract_strided_slice %get3A_13 {offsets = [0, 0], sizes = [256, 1], strides = [1, 1]} : vector<256x9xf32> to vector<256x1xf32>
    %convert_element_type3A_39 = arith.truncf %slice3A_38 : vector<256x1xf32> to vector<256x1xbf16>
    %convert_element_type3A_40 = arith.extf %convert_element_type3A_39 : vector<256x1xbf16> to vector<256x1xf32>
    %mul3A = vector.broadcast %convert_element_type3A_40 : vector<256x1xf32> to vector<256x1024xf32>
    %mul3A_41 = arith.mulf %convert_element_type3A_17, %mul3A : vector<256x1024xf32>
    %add3A = arith.addf %broadcast_in_dim3A_37, %mul3A_41 : vector<256x1024xf32>
    %slice3A_42 = vector.extract_strided_slice %get3A_13 {offsets = [0, 3], sizes = [256, 1], strides = [1, 1]} : vector<256x9xf32> to vector<256x1xf32>
    %convert_element_type3A_43 = arith.truncf %slice3A_42 : vector<256x1xf32> to vector<256x1xbf16>
    %convert_element_type3A_44 = arith.extf %convert_element_type3A_43 : vector<256x1xbf16> to vector<256x1xf32>
    %mul3A_45 = vector.broadcast %convert_element_type3A_44 : vector<256x1xf32> to vector<256x1024xf32>
    %mul3A_46 = arith.mulf %convert_element_type3A_26, %mul3A_45 : vector<256x1024xf32>
    %add3A_47 = arith.addf %add3A, %mul3A_46 : vector<256x1024xf32>
    %slice3A_48 = vector.extract_strided_slice %get3A_13 {offsets = [0, 6], sizes = [256, 1], strides = [1, 1]} : vector<256x9xf32> to vector<256x1xf32>
    %convert_element_type3A_49 = arith.truncf %slice3A_48 : vector<256x1xf32> to vector<256x1xbf16>
    %convert_element_type3A_50 = arith.extf %convert_element_type3A_49 : vector<256x1xbf16> to vector<256x1xf32>
    %mul3A_51 = vector.broadcast %convert_element_type3A_50 : vector<256x1xf32> to vector<256x1024xf32>
    %mul3A_52 = arith.mulf %convert_element_type3A_35, %mul3A_51 : vector<256x1024xf32>
    %add3A_53 = arith.addf %add3A_47, %mul3A_52 : vector<256x1024xf32>
    %broadcast_in_dim3A_54 = arith.constant 0.000000e+00 : f32
    %broadcast_in_dim3A_55 = vector.broadcast %broadcast_in_dim3A_54 : f32 to vector<256x1024xf32>
    %slice3A_56 = vector.extract_strided_slice %get3A_13 {offsets = [0, 1], sizes = [256, 1], strides = [1, 1]} : vector<256x9xf32> to vector<256x1xf32>
    %convert_element_type3A_57 = arith.truncf %slice3A_56 : vector<256x1xf32> to vector<256x1xbf16>
    %convert_element_type3A_58 = arith.extf %convert_element_type3A_57 : vector<256x1xbf16> to vector<256x1xf32>
    %mul3A_59 = vector.broadcast %convert_element_type3A_58 : vector<256x1xf32> to vector<256x1024xf32>
    %mul3A_60 = arith.mulf %convert_element_type3A_17, %mul3A_59 : vector<256x1024xf32>
    %add3A_61 = arith.addf %broadcast_in_dim3A_55, %mul3A_60 : vector<256x1024xf32>
    %slice3A_62 = vector.extract_strided_slice %get3A_13 {offsets = [0, 4], sizes = [256, 1], strides = [1, 1]} : vector<256x9xf32> to vector<256x1xf32>
    %convert_element_type3A_63 = arith.truncf %slice3A_62 : vector<256x1xf32> to vector<256x1xbf16>
    %convert_element_type3A_64 = arith.extf %convert_element_type3A_63 : vector<256x1xbf16> to vector<256x1xf32>
    %mul3A_65 = vector.broadcast %convert_element_type3A_64 : vector<256x1xf32> to vector<256x1024xf32>
    %mul3A_66 = arith.mulf %convert_element_type3A_26, %mul3A_65 : vector<256x1024xf32>
    %add3A_67 = arith.addf %add3A_61, %mul3A_66 : vector<256x1024xf32>
    %slice3A_68 = vector.extract_strided_slice %get3A_13 {offsets = [0, 7], sizes = [256, 1], strides = [1, 1]} : vector<256x9xf32> to vector<256x1xf32>
    %convert_element_type3A_69 = arith.truncf %slice3A_68 : vector<256x1xf32> to vector<256x1xbf16>
    %convert_element_type3A_70 = arith.extf %convert_element_type3A_69 : vector<256x1xbf16> to vector<256x1xf32>
    %mul3A_71 = vector.broadcast %convert_element_type3A_70 : vector<256x1xf32> to vector<256x1024xf32>
    %mul3A_72 = arith.mulf %convert_element_type3A_35, %mul3A_71 : vector<256x1024xf32>
    %add3A_73 = arith.addf %add3A_67, %mul3A_72 : vector<256x1024xf32>
    %broadcast_in_dim3A_74 = arith.constant 0.000000e+00 : f32
    %broadcast_in_dim3A_75 = vector.broadcast %broadcast_in_dim3A_74 : f32 to vector<256x1024xf32>
    %slice3A_76 = vector.extract_strided_slice %get3A_13 {offsets = [0, 2], sizes = [256, 1], strides = [1, 1]} : vector<256x9xf32> to vector<256x1xf32>
    %convert_element_type3A_77 = arith.truncf %slice3A_76 : vector<256x1xf32> to vector<256x1xbf16>
    %convert_element_type3A_78 = arith.extf %convert_element_type3A_77 : vector<256x1xbf16> to vector<256x1xf32>
    %mul3A_79 = vector.broadcast %convert_element_type3A_78 : vector<256x1xf32> to vector<256x1024xf32>
    %mul3A_80 = arith.mulf %convert_element_type3A_17, %mul3A_79 : vector<256x1024xf32>
    %add3A_81 = arith.addf %broadcast_in_dim3A_75, %mul3A_80 : vector<256x1024xf32>
    %slice3A_82 = vector.extract_strided_slice %get3A_13 {offsets = [0, 5], sizes = [256, 1], strides = [1, 1]} : vector<256x9xf32> to vector<256x1xf32>
    %convert_element_type3A_83 = arith.truncf %slice3A_82 : vector<256x1xf32> to vector<256x1xbf16>
    %convert_element_type3A_84 = arith.extf %convert_element_type3A_83 : vector<256x1xbf16> to vector<256x1xf32>
    %mul3A_85 = vector.broadcast %convert_element_type3A_84 : vector<256x1xf32> to vector<256x1024xf32>
    %mul3A_86 = arith.mulf %convert_element_type3A_26, %mul3A_85 : vector<256x1024xf32>
    %add3A_87 = arith.addf %add3A_81, %mul3A_86 : vector<256x1024xf32>
    %slice3A_88 = vector.extract_strided_slice %get3A_13 {offsets = [0, 8], sizes = [256, 1], strides = [1, 1]} : vector<256x9xf32> to vector<256x1xf32>
    %convert_element_type3A_89 = arith.truncf %slice3A_88 : vector<256x1xf32> to vector<256x1xbf16>
    %convert_element_type3A_90 = arith.extf %convert_element_type3A_89 : vector<256x1xbf16> to vector<256x1xf32>
    %mul3A_91 = vector.broadcast %convert_element_type3A_90 : vector<256x1xf32> to vector<256x1024xf32>
    %mul3A_92 = arith.mulf %convert_element_type3A_35, %mul3A_91 : vector<256x1024xf32>
    %add3A_93 = arith.addf %add3A_87, %mul3A_92 : vector<256x1024xf32>
    %mul3A_94 = arith.mulf %add3A_73, %add3A_73 : vector<256x1024xf32>
    %mul3A_95 = arith.mulf %add3A_93, %add3A_93 : vector<256x1024xf32>
    %add3A_96 = arith.addf %mul3A_94, %mul3A_95 : vector<256x1024xf32>
    %lt3A = arith.constant 2.500000e-03 : f32
    %lt3A_97 = vector.broadcast %lt3A : f32 to vector<256x1024xf32>
    %lt3A_98 = arith.cmpf olt, %add3A_96, %lt3A_97 : vector<256x1024xf32>
    %gt3A = arith.constant -2.000000e-02 : f32
    %gt3A_99 = vector.broadcast %gt3A : f32 to vector<256x1024xf32>
    %gt3A_100 = arith.cmpf ogt, %add3A_53, %gt3A_99 : vector<256x1024xf32>
    %and3A = arith.andi %lt3A_98, %gt3A_100 : vector<256x1024xi1>
    %lt3A_101 = arith.constant 4.000000e-02 : f32
    %lt3A_102 = vector.broadcast %lt3A_101 : f32 to vector<256x1024xf32>
    %lt3A_103 = arith.cmpf olt, %add3A_53, %lt3A_102 : vector<256x1024xf32>
    %and3A_104 = arith.andi %and3A, %lt3A_103 : vector<256x1024xi1>
    %convert_element_type3A_105 = arith.extui %and3A_104 : vector<256x1024xi1> to vector<256x1024xi32>
    %convert_element_type3A_106 = arith.sitofp %convert_element_type3A_105 : vector<256x1024xi32> to vector<256x1024xf32>
    %convert_element_type3A_107 = arith.truncf %convert_element_type3A_106 : vector<256x1024xf32> to vector<256x1024xbf16>
    %get3A_108 = arith.constant 0 : index
    %get3A_109 = arith.constant 0 : index
    %get3A_110 = vector.load %arg5[%get3A_108, %get3A_109] : memref<1024x1024xbf16, #tpu.memory_space<vmem>>, vector<1024x1024xbf16>
    %dot_general3A = arith.constant dense<0.000000e+00> : vector<256x1024xf32>
    %dot_general3A_111 = tpu.matmul %convert_element_type3A_107, %get3A_110, %dot_general3A {dimension_numbers = #tpu.dot_dimension_numbers<[1], [0], [0], [1], [0, 0, 1, 1], [], []>, transpose_lhs_hint = false} : vector<256x1024xbf16>, vector<1024x1024xbf16>, vector<256x1024xf32> -> vector<256x1024xf32>
    %convert_element_type3A_112 = arith.fptosi %dot_general3A_111 : vector<256x1024xf32> to vector<256x1024xi32>
    %slice3A_113 = vector.extract_strided_slice %convert_element_type3A_112 {offsets = [0, 1023], sizes = [256, 1], strides = [1, 1]} : vector<256x1024xi32> to vector<256x1xi32>
    %iota3A = tpu.iota {dimensions = array<i32: 1>} : vector<256x1024xi32>
    %broadcast_in_dim3A_114 = arith.constant 0.000000e+00 : f32
    %broadcast_in_dim3A_115 = vector.broadcast %broadcast_in_dim3A_114 : f32 to vector<256x5xf32>
    %reduce_max3A = vector.shape_cast %slice3A_113 : vector<256x1xi32> to vector<1x256x1xi32>
    %reduce_max3A_116 = arith.constant dense<-2147483648> : vector<1xi32>
    %reduce_max3A_117 = vector.multi_reduction <maxsi>, %reduce_max3A, %reduce_max3A_116 [1, 2] : vector<1x256x1xi32> to vector<1xi32>
    %reduce_max3A_118 = vector.shape_cast %reduce_max3A_117 : vector<1xi32> to vector<1x1x1xi32>
    %reduce_max3A_119 = vector.extract %reduce_max3A_118[0, 0, 0] : i32 from vector<1x1x1xi32>
    %eq3A = arith.constant 1 : i32
    %eq3A_120 = vector.broadcast %eq3A : i32 to vector<256x1024xi32>
    %eq3A_121 = arith.cmpi eq, %convert_element_type3A_112, %eq3A_120 : vector<256x1024xi32>
    %and3A_122 = arith.andi %and3A_104, %eq3A_121 : vector<256x1024xi1>
    %jit3A = arith.constant 0 : i32
    %broadcast_in_dim3A_123 = vector.broadcast %jit3A : i32 to vector<256x1024xi32>
    %select_n3A = arith.select %and3A_122, %iota3A, %broadcast_in_dim3A_123 : vector<256x1024xi1>, vector<256x1024xi32>
    %reduce_sum3A = arith.constant dense<0> : vector<256xi32>
    %reduce_sum3A_124 = vector.multi_reduction <add>, %select_n3A, %reduce_sum3A [1] : vector<256x1024xi32> to vector<256xi32>
    %broadcast_in_dim3A_125 = vector.shape_cast %reduce_sum3A_124 : vector<256xi32> to vector<256x1xi32>
    %jit3A_126 = arith.constant 0.000000e+00 : f32
    %broadcast_in_dim3A_127 = vector.broadcast %jit3A_126 : f32 to vector<256x1024xf32>
    %select_n3A_128 = arith.select %and3A_122, %add3A_53, %broadcast_in_dim3A_127 : vector<256x1024xi1>, vector<256x1024xf32>
    %reduce_sum3A_129 = arith.constant dense<0.000000e+00> : vector<256xf32>
    %reduce_sum3A_130 = vector.multi_reduction <add>, %select_n3A_128, %reduce_sum3A_129 [1] : vector<256x1024xf32> to vector<256xf32>
    %broadcast_in_dim3A_131 = vector.shape_cast %reduce_sum3A_130 : vector<256xf32> to vector<256x1xf32>
    %jit3A_132 = arith.constant 0.000000e+00 : f32
    %broadcast_in_dim3A_133 = vector.broadcast %jit3A_132 : f32 to vector<256x1024xf32>
    %select_n3A_134 = arith.select %and3A_122, %add3A_73, %broadcast_in_dim3A_133 : vector<256x1024xi1>, vector<256x1024xf32>
    %reduce_sum3A_135 = arith.constant dense<0.000000e+00> : vector<256xf32>
    %reduce_sum3A_136 = vector.multi_reduction <add>, %select_n3A_134, %reduce_sum3A_135 [1] : vector<256x1024xf32> to vector<256xf32>
    %broadcast_in_dim3A_137 = vector.shape_cast %reduce_sum3A_136 : vector<256xf32> to vector<256x1xf32>
    %jit3A_138 = arith.constant 0.000000e+00 : f32
    %broadcast_in_dim3A_139 = vector.broadcast %jit3A_138 : f32 to vector<256x1024xf32>
    %select_n3A_140 = arith.select %and3A_122, %add3A_93, %broadcast_in_dim3A_139 : vector<256x1024xi1>, vector<256x1024xf32>
    %reduce_sum3A_141 = arith.constant dense<0.000000e+00> : vector<256xf32>
    %reduce_sum3A_142 = vector.multi_reduction <add>, %select_n3A_140, %reduce_sum3A_141 [1] : vector<256x1024xf32> to vector<256xf32>
    %broadcast_in_dim3A_143 = vector.shape_cast %reduce_sum3A_142 : vector<256xf32> to vector<256x1xf32>
    %concatenate3A = tpu.concatenate %broadcast_in_dim3A_131, %broadcast_in_dim3A_137, %broadcast_in_dim3A_143, %broadcast_in_dim3A_115 in 1 : vector<256x1xf32>, vector<256x1xf32>, vector<256x1xf32>, vector<256x5xf32> -> vector<256x8xf32>
    %mul3A_144 = arith.constant 1024 : i32
    %mul3A_145 = arith.muli %arg0, %mul3A_144 : i32
    %add3A_146 = vector.broadcast %mul3A_145 : i32 to vector<256x1xi32>
    %add3A_147 = arith.addi %broadcast_in_dim3A_125, %add3A_146 : vector<256x1xi32>
    %swap3A = arith.constant 0 : index
    %swap3A_148 = arith.constant 0 : index
    %swap3A_149 = arith.constant 0 : index
    %swap3A_150 = vector.load %arg6[%swap3A, %swap3A_148, %swap3A_149] : memref<1x256x16xi32, #tpu.memory_space<vmem>>, vector<1x256x1xi32>
    %swap3A_151 = vector.shape_cast %swap3A_150 : vector<1x256x1xi32> to vector<256x1xi32>
    %swap3A_152 = vector.shape_cast %add3A_147 : vector<256x1xi32> to vector<1x256x1xi32>
    tpu.vector_store %arg6[%swap3A, %swap3A_148, %swap3A_149], %swap3A_152 {strides = array<i32>} : memref<1x256x16xi32, #tpu.memory_space<vmem>>, vector<1x256x1xi32>,
    %swap3A_153 = arith.constant 0 : index
    %swap3A_154 = arith.constant 0 : index
    %swap3A_155 = arith.constant 0 : index
    %swap3A_156 = arith.constant 0 : index
    %swap3A_157 = vector.load %arg7[%swap3A_153, %swap3A_154, %swap3A_155, %swap3A_156] : memref<1x256x16x8xf32, #tpu.memory_space<vmem>>, vector<1x256x1x8xf32>
    %swap3A_158 = vector.shape_cast %swap3A_157 : vector<1x256x1x8xf32> to vector<256x8xf32>
    %swap3A_159 = vector.shape_cast %concatenate3A : vector<256x8xf32> to vector<1x256x1x8xf32>
    tpu.vector_store %arg7[%swap3A_153, %swap3A_154, %swap3A_155, %swap3A_156], %swap3A_159 {strides = array<i32>} : memref<1x256x16x8xf32, #tpu.memory_space<vmem>>, vector<1x256x1x8xf32>,
    %gt3A_160 = arith.constant 1 : i32
    %gt3A_161 = arith.cmpi sgt, %reduce_max3A_119, %gt3A_160 : i32
    %convert_element_type3A_162 = arith.extui %gt3A_161 : i1 to i32
    %cond3A = arith.constant 0 : i32
    %cond3A_163 = arith.cmpi ne, %convert_element_type3A_162, %cond3A : i32
    scf.if %cond3A_163 {
      %eq3A_308 = arith.constant 2 : i32
      %eq3A_309 = vector.broadcast %eq3A_308 : i32 to vector<256x1024xi32>
      %eq3A_310 = arith.cmpi eq, %convert_element_type3A_112, %eq3A_309 : vector<256x1024xi32>
      %and3A_311 = arith.andi %and3A_104, %eq3A_310 : vector<256x1024xi1>
      %jit3A_312 = arith.constant 0 : i32
      %broadcast_in_dim3A_313 = vector.broadcast %jit3A_312 : i32 to vector<256x1024xi32>
      %select_n3A_314 = arith.select %and3A_311, %iota3A, %broadcast_in_dim3A_313 : vector<256x1024xi1>, vector<256x1024xi32>
      %reduce_sum3A_315 = arith.constant dense<0> : vector<256xi32>
      %reduce_sum3A_316 = vector.multi_reduction <add>, %select_n3A_314, %reduce_sum3A_315 [1] : vector<256x1024xi32> to vector<256xi32>
      %broadcast_in_dim3A_317 = vector.shape_cast %reduce_sum3A_316 : vector<256xi32> to vector<256x1xi32>
      %jit3A_318 = arith.constant 0.000000e+00 : f32
      %broadcast_in_dim3A_319 = vector.broadcast %jit3A_318 : f32 to vector<256x1024xf32>
      %select_n3A_320 = arith.select %and3A_311, %add3A_53, %broadcast_in_dim3A_319 : vector<256x1024xi1>, vector<256x1024xf32>
      %reduce_sum3A_321 = arith.constant dense<0.000000e+00> : vector<256xf32>
      %reduce_sum3A_322 = vector.multi_reduction <add>, %select_n3A_320, %reduce_sum3A_321 [1] : vector<256x1024xf32> to vector<256xf32>
      %broadcast_in_dim3A_323 = vector.shape_cast %reduce_sum3A_322 : vector<256xf32> to vector<256x1xf32>
      %jit3A_324 = arith.constant 0.000000e+00 : f32
      %broadcast_in_dim3A_325 = vector.broadcast %jit3A_324 : f32 to vector<256x1024xf32>
      %select_n3A_326 = arith.select %and3A_311, %add3A_73, %broadcast_in_dim3A_325 : vector<256x1024xi1>, vector<256x1024xf32>
      %reduce_sum3A_327 = arith.constant dense<0.000000e+00> : vector<256xf32>
      %reduce_sum3A_328 = vector.multi_reduction <add>, %select_n3A_326, %reduce_sum3A_327 [1] : vector<256x1024xf32> to vector<256xf32>
      %broadcast_in_dim3A_329 = vector.shape_cast %reduce_sum3A_328 : vector<256xf32> to vector<256x1xf32>
      %jit3A_330 = arith.constant 0.000000e+00 : f32
      %broadcast_in_dim3A_331 = vector.broadcast %jit3A_330 : f32 to vector<256x1024xf32>
      %select_n3A_332 = arith.select %and3A_311, %add3A_93, %broadcast_in_dim3A_331 : vector<256x1024xi1>, vector<256x1024xf32>
      %reduce_sum3A_333 = arith.constant dense<0.000000e+00> : vector<256xf32>
      %reduce_sum3A_334 = vector.multi_reduction <add>, %select_n3A_332, %reduce_sum3A_333 [1] : vector<256x1024xf32> to vector<256xf32>
      %broadcast_in_dim3A_335 = vector.shape_cast %reduce_sum3A_334 : vector<256xf32> to vector<256x1xf32>
      %gt3A_336 = arith.constant 1 : i32
      %gt3A_337 = vector.broadcast %gt3A_336 : i32 to vector<256x1xi32>
      %gt3A_338 = arith.cmpi sgt, %slice3A_113, %gt3A_337 : vector<256x1xi32>
      %select_n3A_339 = arith.select %gt3A_338, %broadcast_in_dim3A_317, %broadcast_in_dim3A_125 : vector<256x1xi1>, vector<256x1xi32>
      %select_n3A_340 = arith.select %gt3A_338, %broadcast_in_dim3A_323, %broadcast_in_dim3A_131 : vector<256x1xi1>, vector<256x1xf32>
      %select_n3A_341 = arith.select %gt3A_338, %broadcast_in_dim3A_329, %broadcast_in_dim3A_137 : vector<256x1xi1>, vector<256x1xf32>
      %select_n3A_342 = arith.select %gt3A_338, %broadcast_in_dim3A_335, %broadcast_in_dim3A_143 : vector<256x1xi1>, vector<256x1xf32>
      %mul3A_343 = arith.constant 1024 : i32
      %mul3A_344 = arith.muli %arg0, %mul3A_343 : i32
      %add3A_345 = vector.broadcast %mul3A_344 : i32 to vector<256x1xi32>
      %add3A_346 = arith.addi %select_n3A_339, %add3A_345 : vector<256x1xi32>
      %swap3A_347 = arith.constant 0 : index
      %swap3A_348 = arith.constant 0 : index
      %swap3A_349 = arith.constant 1 : index
      %swap3A_350 = vector.load %arg6[%swap3A_347, %swap3A_348, %swap3A_349] : memref<1x256x16xi32, #tpu.memory_space<vmem>>, vector<1x256x1xi32>
      %swap3A_351 = vector.shape_cast %swap3A_350 : vector<1x256x1xi32> to vector<256x1xi32>
      %swap3A_352 = vector.shape_cast %add3A_346 : vector<256x1xi32> to vector<1x256x1xi32>
      tpu.vector_store %arg6[%swap3A_347, %swap3A_348, %swap3A_349], %swap3A_352 {strides = array<i32>} : memref<1x256x16xi32, #tpu.memory_space<vmem>>, vector<1x256x1xi32>,
      %concatenate3A_353 = tpu.concatenate %select_n3A_340, %select_n3A_341, %select_n3A_342, %broadcast_in_dim3A_115 in 1 : vector<256x1xf32>, vector<256x1xf32>, vector<256x1xf32>, vector<256x5xf32> -> vector<256x8xf32>
      %swap3A_354 = arith.constant 0 : index
      %swap3A_355 = arith.constant 0 : index
      %swap3A_356 = arith.constant 1 : index
      %swap3A_357 = arith.constant 0 : index
      %swap3A_358 = vector.load %arg7[%swap3A_354, %swap3A_355, %swap3A_356, %swap3A_357] : memref<1x256x16x8xf32, #tpu.memory_space<vmem>>, vector<1x256x1x8xf32>
      %swap3A_359 = vector.shape_cast %swap3A_358 : vector<1x256x1x8xf32> to vector<256x8xf32>
      %swap3A_360 = vector.shape_cast %concatenate3A_353 : vector<256x8xf32> to vector<1x256x1x8xf32>
      tpu.vector_store %arg7[%swap3A_354, %swap3A_355, %swap3A_356, %swap3A_357], %swap3A_360 {strides = array<i32>} : memref<1x256x16x8xf32, #tpu.memory_space<vmem>>, vector<1x256x1x8xf32>,
    } else {
    }
    %le3A = arith.constant 1 : i32
    %le3A_164 = arith.cmpi sle, %reduce_max3A_119, %le3A : i32
    %convert_element_type3A_165 = arith.extui %le3A_164 : i1 to i32
    %cond3A_166 = arith.constant 0 : i32
    %cond3A_167 = arith.cmpi ne, %convert_element_type3A_165, %cond3A_166 : i32
    scf.if %cond3A_167 {
      %mul3A_308 = arith.constant 1024 : i32
      %mul3A_309 = arith.muli %arg0, %mul3A_308 : i32
      %add3A_310 = vector.broadcast %mul3A_309 : i32 to vector<256x1xi32>
      %add3A_311 = arith.addi %broadcast_in_dim3A_125, %add3A_310 : vector<256x1xi32>
      %swap3A_312 = arith.constant 0 : index
      %swap3A_313 = arith.constant 0 : index
      %swap3A_314 = arith.constant 1 : index
      %swap3A_315 = vector.load %arg6[%swap3A_312, %swap3A_313, %swap3A_314] : memref<1x256x16xi32, #tpu.memory_space<vmem>>, vector<1x256x1xi32>
      %swap3A_316 = vector.shape_cast %swap3A_315 : vector<1x256x1xi32> to vector<256x1xi32>
      %swap3A_317 = vector.shape_cast %add3A_311 : vector<256x1xi32> to vector<1x256x1xi32>
      tpu.vector_store %arg6[%swap3A_312, %swap3A_313, %swap3A_314], %swap3A_317 {strides = array<i32>} : memref<1x256x16xi32, #tpu.memory_space<vmem>>, vector<1x256x1xi32>,
      %swap3A_318 = arith.constant 0 : index
      %swap3A_319 = arith.constant 0 : index
      %swap3A_320 = arith.constant 1 : index
      %swap3A_321 = arith.constant 0 : index
      %swap3A_322 = vector.load %arg7[%swap3A_318, %swap3A_319, %swap3A_320, %swap3A_321] : memref<1x256x16x8xf32, #tpu.memory_space<vmem>>, vector<1x256x1x8xf32>
      %swap3A_323 = vector.shape_cast %swap3A_322 : vector<1x256x1x8xf32> to vector<256x8xf32>
      %swap3A_324 = vector.shape_cast %concatenate3A : vector<256x8xf32> to vector<1x256x1x8xf32>
      tpu.vector_store %arg7[%swap3A_318, %swap3A_319, %swap3A_320, %swap3A_321], %swap3A_324 {strides = array<i32>} : memref<1x256x16x8xf32, #tpu.memory_space<vmem>>, vector<1x256x1x8xf32>,
    } else {
    }
    %gt3A_168 = arith.constant 2 : i32
    %gt3A_169 = arith.cmpi sgt, %reduce_max3A_119, %gt3A_168 : i32
    %convert_element_type3A_170 = arith.extui %gt3A_169 : i1 to i32
    %cond3A_171 = arith.constant 0 : i32
    %cond3A_172 = arith.cmpi ne, %convert_element_type3A_170, %cond3A_171 : i32
    scf.if %cond3A_172 {
      %eq3A_308 = arith.constant 3 : i32
      %eq3A_309 = vector.broadcast %eq3A_308 : i32 to vector<256x1024xi32>
      %eq3A_310 = arith.cmpi eq, %convert_element_type3A_112, %eq3A_309 : vector<256x1024xi32>
      %and3A_311 = arith.andi %and3A_104, %eq3A_310 : vector<256x1024xi1>
      %jit3A_312 = arith.constant 0 : i32
      %broadcast_in_dim3A_313 = vector.broadcast %jit3A_312 : i32 to vector<256x1024xi32>
      %select_n3A_314 = arith.select %and3A_311, %iota3A, %broadcast_in_dim3A_313 : vector<256x1024xi1>, vector<256x1024xi32>
      %reduce_sum3A_315 = arith.constant dense<0> : vector<256xi32>
      %reduce_sum3A_316 = vector.multi_reduction <add>, %select_n3A_314, %reduce_sum3A_315 [1] : vector<256x1024xi32> to vector<256xi32>
      %broadcast_in_dim3A_317 = vector.shape_cast %reduce_sum3A_316 : vector<256xi32> to vector<256x1xi32>
      %jit3A_318 = arith.constant 0.000000e+00 : f32
      %broadcast_in_dim3A_319 = vector.broadcast %jit3A_318 : f32 to vector<256x1024xf32>
      %select_n3A_320 = arith.select %and3A_311, %add3A_53, %broadcast_in_dim3A_319 : vector<256x1024xi1>, vector<256x1024xf32>
      %reduce_sum3A_321 = arith.constant dense<0.000000e+00> : vector<256xf32>
      %reduce_sum3A_322 = vector.multi_reduction <add>, %select_n3A_320, %reduce_sum3A_321 [1] : vector<256x1024xf32> to vector<256xf32>
      %broadcast_in_dim3A_323 = vector.shape_cast %reduce_sum3A_322 : vector<256xf32> to vector<256x1xf32>
      %jit3A_324 = arith.constant 0.000000e+00 : f32
      %broadcast_in_dim3A_325 = vector.broadcast %jit3A_324 : f32 to vector<256x1024xf32>
      %select_n3A_326 = arith.select %and3A_311, %add3A_73, %broadcast_in_dim3A_325 : vector<256x1024xi1>, vector<256x1024xf32>
      %reduce_sum3A_327 = arith.constant dense<0.000000e+00> : vector<256xf32>
      %reduce_sum3A_328 = vector.multi_reduction <add>, %select_n3A_326, %reduce_sum3A_327 [1] : vector<256x1024xf32> to vector<256xf32>
      %broadcast_in_dim3A_329 = vector.shape_cast %reduce_sum3A_328 : vector<256xf32> to vector<256x1xf32>
      %jit3A_330 = arith.constant 0.000000e+00 : f32
      %broadcast_in_dim3A_331 = vector.broadcast %jit3A_330 : f32 to vector<256x1024xf32>
      %select_n3A_332 = arith.select %and3A_311, %add3A_93, %broadcast_in_dim3A_331 : vector<256x1024xi1>, vector<256x1024xf32>
      %reduce_sum3A_333 = arith.constant dense<0.000000e+00> : vector<256xf32>
      %reduce_sum3A_334 = vector.multi_reduction <add>, %select_n3A_332, %reduce_sum3A_333 [1] : vector<256x1024xf32> to vector<256xf32>
      %broadcast_in_dim3A_335 = vector.shape_cast %reduce_sum3A_334 : vector<256xf32> to vector<256x1xf32>
      %gt3A_336 = arith.constant 2 : i32
      %gt3A_337 = vector.broadcast %gt3A_336 : i32 to vector<256x1xi32>
      %gt3A_338 = arith.cmpi sgt, %slice3A_113, %gt3A_337 : vector<256x1xi32>
      %select_n3A_339 = arith.select %gt3A_338, %broadcast_in_dim3A_317, %broadcast_in_dim3A_125 : vector<256x1xi1>, vector<256x1xi32>
      %select_n3A_340 = arith.select %gt3A_338, %broadcast_in_dim3A_323, %broadcast_in_dim3A_131 : vector<256x1xi1>, vector<256x1xf32>
      %select_n3A_341 = arith.select %gt3A_338, %broadcast_in_dim3A_329, %broadcast_in_dim3A_137 : vector<256x1xi1>, vector<256x1xf32>
      %select_n3A_342 = arith.select %gt3A_338, %broadcast_in_dim3A_335, %broadcast_in_dim3A_143 : vector<256x1xi1>, vector<256x1xf32>
      %mul3A_343 = arith.constant 1024 : i32
      %mul3A_344 = arith.muli %arg0, %mul3A_343 : i32
      %add3A_345 = vector.broadcast %mul3A_344 : i32 to vector<256x1xi32>
      %add3A_346 = arith.addi %select_n3A_339, %add3A_345 : vector<256x1xi32>
      %swap3A_347 = arith.constant 0 : index
      %swap3A_348 = arith.constant 0 : index
      %swap3A_349 = arith.constant 2 : index
      %swap3A_350 = vector.load %arg6[%swap3A_347, %swap3A_348, %swap3A_349] : memref<1x256x16xi32, #tpu.memory_space<vmem>>, vector<1x256x1xi32>
      %swap3A_351 = vector.shape_cast %swap3A_350 : vector<1x256x1xi32> to vector<256x1xi32>
      %swap3A_352 = vector.shape_cast %add3A_346 : vector<256x1xi32> to vector<1x256x1xi32>
      tpu.vector_store %arg6[%swap3A_347, %swap3A_348, %swap3A_349], %swap3A_352 {strides = array<i32>} : memref<1x256x16xi32, #tpu.memory_space<vmem>>, vector<1x256x1xi32>,
      %concatenate3A_353 = tpu.concatenate %select_n3A_340, %select_n3A_341, %select_n3A_342, %broadcast_in_dim3A_115 in 1 : vector<256x1xf32>, vector<256x1xf32>, vector<256x1xf32>, vector<256x5xf32> -> vector<256x8xf32>
      %swap3A_354 = arith.constant 0 : index
      %swap3A_355 = arith.constant 0 : index
      %swap3A_356 = arith.constant 2 : index
      %swap3A_357 = arith.constant 0 : index
      %swap3A_358 = vector.load %arg7[%swap3A_354, %swap3A_355, %swap3A_356, %swap3A_357] : memref<1x256x16x8xf32, #tpu.memory_space<vmem>>, vector<1x256x1x8xf32>
      %swap3A_359 = vector.shape_cast %swap3A_358 : vector<1x256x1x8xf32> to vector<256x8xf32>
      %swap3A_360 = vector.shape_cast %concatenate3A_353 : vector<256x8xf32> to vector<1x256x1x8xf32>
      tpu.vector_store %arg7[%swap3A_354, %swap3A_355, %swap3A_356, %swap3A_357], %swap3A_360 {strides = array<i32>} : memref<1x256x16x8xf32, #tpu.memory_space<vmem>>, vector<1x256x1x8xf32>,
    } else {
    }
    %le3A_173 = arith.constant 2 : i32
    %le3A_174 = arith.cmpi sle, %reduce_max3A_119, %le3A_173 : i32
    %convert_element_type3A_175 = arith.extui %le3A_174 : i1 to i32
    %cond3A_176 = arith.constant 0 : i32
    %cond3A_177 = arith.cmpi ne, %convert_element_type3A_175, %cond3A_176 : i32
    scf.if %cond3A_177 {
      %mul3A_308 = arith.constant 1024 : i32
      %mul3A_309 = arith.muli %arg0, %mul3A_308 : i32
      %add3A_310 = vector.broadcast %mul3A_309 : i32 to vector<256x1xi32>
      %add3A_311 = arith.addi %broadcast_in_dim3A_125, %add3A_310 : vector<256x1xi32>
      %swap3A_312 = arith.constant 0 : index
      %swap3A_313 = arith.constant 0 : index
      %swap3A_314 = arith.constant 2 : index
      %swap3A_315 = vector.load %arg6[%swap3A_312, %swap3A_313, %swap3A_314] : memref<1x256x16xi32, #tpu.memory_space<vmem>>, vector<1x256x1xi32>
      %swap3A_316 = vector.shape_cast %swap3A_315 : vector<1x256x1xi32> to vector<256x1xi32>
      %swap3A_317 = vector.shape_cast %add3A_311 : vector<256x1xi32> to vector<1x256x1xi32>
      tpu.vector_store %arg6[%swap3A_312, %swap3A_313, %swap3A_314], %swap3A_317 {strides = array<i32>} : memref<1x256x16xi32, #tpu.memory_space<vmem>>, vector<1x256x1xi32>,
      %swap3A_318 = arith.constant 0 : index
      %swap3A_319 = arith.constant 0 : index
      %swap3A_320 = arith.constant 2 : index
      %swap3A_321 = arith.constant 0 : index
      %swap3A_322 = vector.load %arg7[%swap3A_318, %swap3A_319, %swap3A_320, %swap3A_321] : memref<1x256x16x8xf32, #tpu.memory_space<vmem>>, vector<1x256x1x8xf32>
      %swap3A_323 = vector.shape_cast %swap3A_322 : vector<1x256x1x8xf32> to vector<256x8xf32>
      %swap3A_324 = vector.shape_cast %concatenate3A : vector<256x8xf32> to vector<1x256x1x8xf32>
      tpu.vector_store %arg7[%swap3A_318, %swap3A_319, %swap3A_320, %swap3A_321], %swap3A_324 {strides = array<i32>} : memref<1x256x16x8xf32, #tpu.memory_space<vmem>>, vector<1x256x1x8xf32>,
    } else {
    }
    %gt3A_178 = arith.constant 3 : i32
    %gt3A_179 = arith.cmpi sgt, %reduce_max3A_119, %gt3A_178 : i32
    %convert_element_type3A_180 = arith.extui %gt3A_179 : i1 to i32
    %cond3A_181 = arith.constant 0 : i32
    %cond3A_182 = arith.cmpi ne, %convert_element_type3A_180, %cond3A_181 : i32
    scf.if %cond3A_182 {
      %eq3A_308 = arith.constant 4 : i32
      %eq3A_309 = vector.broadcast %eq3A_308 : i32 to vector<256x1024xi32>
      %eq3A_310 = arith.cmpi eq, %convert_element_type3A_112, %eq3A_309 : vector<256x1024xi32>
      %and3A_311 = arith.andi %and3A_104, %eq3A_310 : vector<256x1024xi1>
      %jit3A_312 = arith.constant 0 : i32
      %broadcast_in_dim3A_313 = vector.broadcast %jit3A_312 : i32 to vector<256x1024xi32>
      %select_n3A_314 = arith.select %and3A_311, %iota3A, %broadcast_in_dim3A_313 : vector<256x1024xi1>, vector<256x1024xi32>
      %reduce_sum3A_315 = arith.constant dense<0> : vector<256xi32>
      %reduce_sum3A_316 = vector.multi_reduction <add>, %select_n3A_314, %reduce_sum3A_315 [1] : vector<256x1024xi32> to vector<256xi32>
      %broadcast_in_dim3A_317 = vector.shape_cast %reduce_sum3A_316 : vector<256xi32> to vector<256x1xi32>
      %jit3A_318 = arith.constant 0.000000e+00 : f32
      %broadcast_in_dim3A_319 = vector.broadcast %jit3A_318 : f32 to vector<256x1024xf32>
      %select_n3A_320 = arith.select %and3A_311, %add3A_53, %broadcast_in_dim3A_319 : vector<256x1024xi1>, vector<256x1024xf32>
      %reduce_sum3A_321 = arith.constant dense<0.000000e+00> : vector<256xf32>
      %reduce_sum3A_322 = vector.multi_reduction <add>, %select_n3A_320, %reduce_sum3A_321 [1] : vector<256x1024xf32> to vector<256xf32>
      %broadcast_in_dim3A_323 = vector.shape_cast %reduce_sum3A_322 : vector<256xf32> to vector<256x1xf32>
      %jit3A_324 = arith.constant 0.000000e+00 : f32
      %broadcast_in_dim3A_325 = vector.broadcast %jit3A_324 : f32 to vector<256x1024xf32>
      %select_n3A_326 = arith.select %and3A_311, %add3A_73, %broadcast_in_dim3A_325 : vector<256x1024xi1>, vector<256x1024xf32>
      %reduce_sum3A_327 = arith.constant dense<0.000000e+00> : vector<256xf32>
      %reduce_sum3A_328 = vector.multi_reduction <add>, %select_n3A_326, %reduce_sum3A_327 [1] : vector<256x1024xf32> to vector<256xf32>
      %broadcast_in_dim3A_329 = vector.shape_cast %reduce_sum3A_328 : vector<256xf32> to vector<256x1xf32>
      %jit3A_330 = arith.constant 0.000000e+00 : f32
      %broadcast_in_dim3A_331 = vector.broadcast %jit3A_330 : f32 to vector<256x1024xf32>
      %select_n3A_332 = arith.select %and3A_311, %add3A_93, %broadcast_in_dim3A_331 : vector<256x1024xi1>, vector<256x1024xf32>
      %reduce_sum3A_333 = arith.constant dense<0.000000e+00> : vector<256xf32>
      %reduce_sum3A_334 = vector.multi_reduction <add>, %select_n3A_332, %reduce_sum3A_333 [1] : vector<256x1024xf32> to vector<256xf32>
      %broadcast_in_dim3A_335 = vector.shape_cast %reduce_sum3A_334 : vector<256xf32> to vector<256x1xf32>
      %gt3A_336 = arith.constant 3 : i32
      %gt3A_337 = vector.broadcast %gt3A_336 : i32 to vector<256x1xi32>
      %gt3A_338 = arith.cmpi sgt, %slice3A_113, %gt3A_337 : vector<256x1xi32>
      %select_n3A_339 = arith.select %gt3A_338, %broadcast_in_dim3A_317, %broadcast_in_dim3A_125 : vector<256x1xi1>, vector<256x1xi32>
      %select_n3A_340 = arith.select %gt3A_338, %broadcast_in_dim3A_323, %broadcast_in_dim3A_131 : vector<256x1xi1>, vector<256x1xf32>
      %select_n3A_341 = arith.select %gt3A_338, %broadcast_in_dim3A_329, %broadcast_in_dim3A_137 : vector<256x1xi1>, vector<256x1xf32>
      %select_n3A_342 = arith.select %gt3A_338, %broadcast_in_dim3A_335, %broadcast_in_dim3A_143 : vector<256x1xi1>, vector<256x1xf32>
      %mul3A_343 = arith.constant 1024 : i32
      %mul3A_344 = arith.muli %arg0, %mul3A_343 : i32
      %add3A_345 = vector.broadcast %mul3A_344 : i32 to vector<256x1xi32>
      %add3A_346 = arith.addi %select_n3A_339, %add3A_345 : vector<256x1xi32>
      %swap3A_347 = arith.constant 0 : index
      %swap3A_348 = arith.constant 0 : index
      %swap3A_349 = arith.constant 3 : index
      %swap3A_350 = vector.load %arg6[%swap3A_347, %swap3A_348, %swap3A_349] : memref<1x256x16xi32, #tpu.memory_space<vmem>>, vector<1x256x1xi32>
      %swap3A_351 = vector.shape_cast %swap3A_350 : vector<1x256x1xi32> to vector<256x1xi32>
      %swap3A_352 = vector.shape_cast %add3A_346 : vector<256x1xi32> to vector<1x256x1xi32>
      tpu.vector_store %arg6[%swap3A_347, %swap3A_348, %swap3A_349], %swap3A_352 {strides = array<i32>} : memref<1x256x16xi32, #tpu.memory_space<vmem>>, vector<1x256x1xi32>,
      %concatenate3A_353 = tpu.concatenate %select_n3A_340, %select_n3A_341, %select_n3A_342, %broadcast_in_dim3A_115 in 1 : vector<256x1xf32>, vector<256x1xf32>, vector<256x1xf32>, vector<256x5xf32> -> vector<256x8xf32>
      %swap3A_354 = arith.constant 0 : index
      %swap3A_355 = arith.constant 0 : index
      %swap3A_356 = arith.constant 3 : index
      %swap3A_357 = arith.constant 0 : index
      %swap3A_358 = vector.load %arg7[%swap3A_354, %swap3A_355, %swap3A_356, %swap3A_357] : memref<1x256x16x8xf32, #tpu.memory_space<vmem>>, vector<1x256x1x8xf32>
      %swap3A_359 = vector.shape_cast %swap3A_358 : vector<1x256x1x8xf32> to vector<256x8xf32>
      %swap3A_360 = vector.shape_cast %concatenate3A_353 : vector<256x8xf32> to vector<1x256x1x8xf32>
      tpu.vector_store %arg7[%swap3A_354, %swap3A_355, %swap3A_356, %swap3A_357], %swap3A_360 {strides = array<i32>} : memref<1x256x16x8xf32, #tpu.memory_space<vmem>>, vector<1x256x1x8xf32>,
    } else {
    }
    %le3A_183 = arith.constant 3 : i32
    %le3A_184 = arith.cmpi sle, %reduce_max3A_119, %le3A_183 : i32
    %convert_element_type3A_185 = arith.extui %le3A_184 : i1 to i32
    %cond3A_186 = arith.constant 0 : i32
    %cond3A_187 = arith.cmpi ne, %convert_element_type3A_185, %cond3A_186 : i32
    scf.if %cond3A_187 {
      %mul3A_308 = arith.constant 1024 : i32
      %mul3A_309 = arith.muli %arg0, %mul3A_308 : i32
      %add3A_310 = vector.broadcast %mul3A_309 : i32 to vector<256x1xi32>
      %add3A_311 = arith.addi %broadcast_in_dim3A_125, %add3A_310 : vector<256x1xi32>
      %swap3A_312 = arith.constant 0 : index
      %swap3A_313 = arith.constant 0 : index
      %swap3A_314 = arith.constant 3 : index
      %swap3A_315 = vector.load %arg6[%swap3A_312, %swap3A_313, %swap3A_314] : memref<1x256x16xi32, #tpu.memory_space<vmem>>, vector<1x256x1xi32>
      %swap3A_316 = vector.shape_cast %swap3A_315 : vector<1x256x1xi32> to vector<256x1xi32>
      %swap3A_317 = vector.shape_cast %add3A_311 : vector<256x1xi32> to vector<1x256x1xi32>
      tpu.vector_store %arg6[%swap3A_312, %swap3A_313, %swap3A_314], %swap3A_317 {strides = array<i32>} : memref<1x256x16xi32, #tpu.memory_space<vmem>>, vector<1x256x1xi32>,
      %swap3A_318 = arith.constant 0 : index
      %swap3A_319 = arith.constant 0 : index
      %swap3A_320 = arith.constant 3 : index
      %swap3A_321 = arith.constant 0 : index
      %swap3A_322 = vector.load %arg7[%swap3A_318, %swap3A_319, %swap3A_320, %swap3A_321] : memref<1x256x16x8xf32, #tpu.memory_space<vmem>>, vector<1x256x1x8xf32>
      %swap3A_323 = vector.shape_cast %swap3A_322 : vector<1x256x1x8xf32> to vector<256x8xf32>
      %swap3A_324 = vector.shape_cast %concatenate3A : vector<256x8xf32> to vector<1x256x1x8xf32>
      tpu.vector_store %arg7[%swap3A_318, %swap3A_319, %swap3A_320, %swap3A_321], %swap3A_324 {strides = array<i32>} : memref<1x256x16x8xf32, #tpu.memory_space<vmem>>, vector<1x256x1x8xf32>,
    } else {
    }
    %gt3A_188 = arith.constant 4 : i32
    %gt3A_189 = arith.cmpi sgt, %reduce_max3A_119, %gt3A_188 : i32
    %convert_element_type3A_190 = arith.extui %gt3A_189 : i1 to i32
    %cond3A_191 = arith.constant 0 : i32
    %cond3A_192 = arith.cmpi ne, %convert_element_type3A_190, %cond3A_191 : i32
    scf.if %cond3A_192 {
      %eq3A_308 = arith.constant 5 : i32
      %eq3A_309 = vector.broadcast %eq3A_308 : i32 to vector<256x1024xi32>
      %eq3A_310 = arith.cmpi eq, %convert_element_type3A_112, %eq3A_309 : vector<256x1024xi32>
      %and3A_311 = arith.andi %and3A_104, %eq3A_310 : vector<256x1024xi1>
      %jit3A_312 = arith.constant 0 : i32
      %broadcast_in_dim3A_313 = vector.broadcast %jit3A_312 : i32 to vector<256x1024xi32>
      %select_n3A_314 = arith.select %and3A_311, %iota3A, %broadcast_in_dim3A_313 : vector<256x1024xi1>, vector<256x1024xi32>
      %reduce_sum3A_315 = arith.constant dense<0> : vector<256xi32>
      %reduce_sum3A_316 = vector.multi_reduction <add>, %select_n3A_314, %reduce_sum3A_315 [1] : vector<256x1024xi32> to vector<256xi32>
      %broadcast_in_dim3A_317 = vector.shape_cast %reduce_sum3A_316 : vector<256xi32> to vector<256x1xi32>
      %jit3A_318 = arith.constant 0.000000e+00 : f32
      %broadcast_in_dim3A_319 = vector.broadcast %jit3A_318 : f32 to vector<256x1024xf32>
      %select_n3A_320 = arith.select %and3A_311, %add3A_53, %broadcast_in_dim3A_319 : vector<256x1024xi1>, vector<256x1024xf32>
      %reduce_sum3A_321 = arith.constant dense<0.000000e+00> : vector<256xf32>
      %reduce_sum3A_322 = vector.multi_reduction <add>, %select_n3A_320, %reduce_sum3A_321 [1] : vector<256x1024xf32> to vector<256xf32>
      %broadcast_in_dim3A_323 = vector.shape_cast %reduce_sum3A_322 : vector<256xf32> to vector<256x1xf32>
      %jit3A_324 = arith.constant 0.000000e+00 : f32
      %broadcast_in_dim3A_325 = vector.broadcast %jit3A_324 : f32 to vector<256x1024xf32>
      %select_n3A_326 = arith.select %and3A_311, %add3A_73, %broadcast_in_dim3A_325 : vector<256x1024xi1>, vector<256x1024xf32>
      %reduce_sum3A_327 = arith.constant dense<0.000000e+00> : vector<256xf32>
      %reduce_sum3A_328 = vector.multi_reduction <add>, %select_n3A_326, %reduce_sum3A_327 [1] : vector<256x1024xf32> to vector<256xf32>
      %broadcast_in_dim3A_329 = vector.shape_cast %reduce_sum3A_328 : vector<256xf32> to vector<256x1xf32>
      %jit3A_330 = arith.constant 0.000000e+00 : f32
      %broadcast_in_dim3A_331 = vector.broadcast %jit3A_330 : f32 to vector<256x1024xf32>
      %select_n3A_332 = arith.select %and3A_311, %add3A_93, %broadcast_in_dim3A_331 : vector<256x1024xi1>, vector<256x1024xf32>
      %reduce_sum3A_333 = arith.constant dense<0.000000e+00> : vector<256xf32>
      %reduce_sum3A_334 = vector.multi_reduction <add>, %select_n3A_332, %reduce_sum3A_333 [1] : vector<256x1024xf32> to vector<256xf32>
      %broadcast_in_dim3A_335 = vector.shape_cast %reduce_sum3A_334 : vector<256xf32> to vector<256x1xf32>
      %gt3A_336 = arith.constant 4 : i32
      %gt3A_337 = vector.broadcast %gt3A_336 : i32 to vector<256x1xi32>
      %gt3A_338 = arith.cmpi sgt, %slice3A_113, %gt3A_337 : vector<256x1xi32>
      %select_n3A_339 = arith.select %gt3A_338, %broadcast_in_dim3A_317, %broadcast_in_dim3A_125 : vector<256x1xi1>, vector<256x1xi32>
      %select_n3A_340 = arith.select %gt3A_338, %broadcast_in_dim3A_323, %broadcast_in_dim3A_131 : vector<256x1xi1>, vector<256x1xf32>
      %select_n3A_341 = arith.select %gt3A_338, %broadcast_in_dim3A_329, %broadcast_in_dim3A_137 : vector<256x1xi1>, vector<256x1xf32>
      %select_n3A_342 = arith.select %gt3A_338, %broadcast_in_dim3A_335, %broadcast_in_dim3A_143 : vector<256x1xi1>, vector<256x1xf32>
      %mul3A_343 = arith.constant 1024 : i32
      %mul3A_344 = arith.muli %arg0, %mul3A_343 : i32
      %add3A_345 = vector.broadcast %mul3A_344 : i32 to vector<256x1xi32>
      %add3A_346 = arith.addi %select_n3A_339, %add3A_345 : vector<256x1xi32>
      %swap3A_347 = arith.constant 0 : index
      %swap3A_348 = arith.constant 0 : index
      %swap3A_349 = arith.constant 4 : index
      %swap3A_350 = vector.load %arg6[%swap3A_347, %swap3A_348, %swap3A_349] : memref<1x256x16xi32, #tpu.memory_space<vmem>>, vector<1x256x1xi32>
      %swap3A_351 = vector.shape_cast %swap3A_350 : vector<1x256x1xi32> to vector<256x1xi32>
      %swap3A_352 = vector.shape_cast %add3A_346 : vector<256x1xi32> to vector<1x256x1xi32>
      tpu.vector_store %arg6[%swap3A_347, %swap3A_348, %swap3A_349], %swap3A_352 {strides = array<i32>} : memref<1x256x16xi32, #tpu.memory_space<vmem>>, vector<1x256x1xi32>,
      %concatenate3A_353 = tpu.concatenate %select_n3A_340, %select_n3A_341, %select_n3A_342, %broadcast_in_dim3A_115 in 1 : vector<256x1xf32>, vector<256x1xf32>, vector<256x1xf32>, vector<256x5xf32> -> vector<256x8xf32>
      %swap3A_354 = arith.constant 0 : index
      %swap3A_355 = arith.constant 0 : index
      %swap3A_356 = arith.constant 4 : index
      %swap3A_357 = arith.constant 0 : index
      %swap3A_358 = vector.load %arg7[%swap3A_354, %swap3A_355, %swap3A_356, %swap3A_357] : memref<1x256x16x8xf32, #tpu.memory_space<vmem>>, vector<1x256x1x8xf32>
      %swap3A_359 = vector.shape_cast %swap3A_358 : vector<1x256x1x8xf32> to vector<256x8xf32>
      %swap3A_360 = vector.shape_cast %concatenate3A_353 : vector<256x8xf32> to vector<1x256x1x8xf32>
      tpu.vector_store %arg7[%swap3A_354, %swap3A_355, %swap3A_356, %swap3A_357], %swap3A_360 {strides = array<i32>} : memref<1x256x16x8xf32, #tpu.memory_space<vmem>>, vector<1x256x1x8xf32>,
    } else {
    }
    %le3A_193 = arith.constant 4 : i32
    %le3A_194 = arith.cmpi sle, %reduce_max3A_119, %le3A_193 : i32
    %convert_element_type3A_195 = arith.extui %le3A_194 : i1 to i32
    %cond3A_196 = arith.constant 0 : i32
    %cond3A_197 = arith.cmpi ne, %convert_element_type3A_195, %cond3A_196 : i32
    scf.if %cond3A_197 {
      %mul3A_308 = arith.constant 1024 : i32
      %mul3A_309 = arith.muli %arg0, %mul3A_308 : i32
      %add3A_310 = vector.broadcast %mul3A_309 : i32 to vector<256x1xi32>
      %add3A_311 = arith.addi %broadcast_in_dim3A_125, %add3A_310 : vector<256x1xi32>
      %swap3A_312 = arith.constant 0 : index
      %swap3A_313 = arith.constant 0 : index
      %swap3A_314 = arith.constant 4 : index
      %swap3A_315 = vector.load %arg6[%swap3A_312, %swap3A_313, %swap3A_314] : memref<1x256x16xi32, #tpu.memory_space<vmem>>, vector<1x256x1xi32>
      %swap3A_316 = vector.shape_cast %swap3A_315 : vector<1x256x1xi32> to vector<256x1xi32>
      %swap3A_317 = vector.shape_cast %add3A_311 : vector<256x1xi32> to vector<1x256x1xi32>
      tpu.vector_store %arg6[%swap3A_312, %swap3A_313, %swap3A_314], %swap3A_317 {strides = array<i32>} : memref<1x256x16xi32, #tpu.memory_space<vmem>>, vector<1x256x1xi32>,
      %swap3A_318 = arith.constant 0 : index
      %swap3A_319 = arith.constant 0 : index
      %swap3A_320 = arith.constant 4 : index
      %swap3A_321 = arith.constant 0 : index
      %swap3A_322 = vector.load %arg7[%swap3A_318, %swap3A_319, %swap3A_320, %swap3A_321] : memref<1x256x16x8xf32, #tpu.memory_space<vmem>>, vector<1x256x1x8xf32>
      %swap3A_323 = vector.shape_cast %swap3A_322 : vector<1x256x1x8xf32> to vector<256x8xf32>
      %swap3A_324 = vector.shape_cast %concatenate3A : vector<256x8xf32> to vector<1x256x1x8xf32>
      tpu.vector_store %arg7[%swap3A_318, %swap3A_319, %swap3A_320, %swap3A_321], %swap3A_324 {strides = array<i32>} : memref<1x256x16x8xf32, #tpu.memory_space<vmem>>, vector<1x256x1x8xf32>,
    } else {
    }
    %gt3A_198 = arith.constant 5 : i32
    %gt3A_199 = arith.cmpi sgt, %reduce_max3A_119, %gt3A_198 : i32
    %convert_element_type3A_200 = arith.extui %gt3A_199 : i1 to i32
    %cond3A_201 = arith.constant 0 : i32
    %cond3A_202 = arith.cmpi ne, %convert_element_type3A_200, %cond3A_201 : i32
    scf.if %cond3A_202 {
      %eq3A_308 = arith.constant 6 : i32
      %eq3A_309 = vector.broadcast %eq3A_308 : i32 to vector<256x1024xi32>
      %eq3A_310 = arith.cmpi eq, %convert_element_type3A_112, %eq3A_309 : vector<256x1024xi32>
      %and3A_311 = arith.andi %and3A_104, %eq3A_310 : vector<256x1024xi1>
      %jit3A_312 = arith.constant 0 : i32
      %broadcast_in_dim3A_313 = vector.broadcast %jit3A_312 : i32 to vector<256x1024xi32>
      %select_n3A_314 = arith.select %and3A_311, %iota3A, %broadcast_in_dim3A_313 : vector<256x1024xi1>, vector<256x1024xi32>
      %reduce_sum3A_315 = arith.constant dense<0> : vector<256xi32>
      %reduce_sum3A_316 = vector.multi_reduction <add>, %select_n3A_314, %reduce_sum3A_315 [1] : vector<256x1024xi32> to vector<256xi32>
      %broadcast_in_dim3A_317 = vector.shape_cast %reduce_sum3A_316 : vector<256xi32> to vector<256x1xi32>
      %jit3A_318 = arith.constant 0.000000e+00 : f32
      %broadcast_in_dim3A_319 = vector.broadcast %jit3A_318 : f32 to vector<256x1024xf32>
      %select_n3A_320 = arith.select %and3A_311, %add3A_53, %broadcast_in_dim3A_319 : vector<256x1024xi1>, vector<256x1024xf32>
      %reduce_sum3A_321 = arith.constant dense<0.000000e+00> : vector<256xf32>
      %reduce_sum3A_322 = vector.multi_reduction <add>, %select_n3A_320, %reduce_sum3A_321 [1] : vector<256x1024xf32> to vector<256xf32>
      %broadcast_in_dim3A_323 = vector.shape_cast %reduce_sum3A_322 : vector<256xf32> to vector<256x1xf32>
      %jit3A_324 = arith.constant 0.000000e+00 : f32
      %broadcast_in_dim3A_325 = vector.broadcast %jit3A_324 : f32 to vector<256x1024xf32>
      %select_n3A_326 = arith.select %and3A_311, %add3A_73, %broadcast_in_dim3A_325 : vector<256x1024xi1>, vector<256x1024xf32>
      %reduce_sum3A_327 = arith.constant dense<0.000000e+00> : vector<256xf32>
      %reduce_sum3A_328 = vector.multi_reduction <add>, %select_n3A_326, %reduce_sum3A_327 [1] : vector<256x1024xf32> to vector<256xf32>
      %broadcast_in_dim3A_329 = vector.shape_cast %reduce_sum3A_328 : vector<256xf32> to vector<256x1xf32>
      %jit3A_330 = arith.constant 0.000000e+00 : f32
      %broadcast_in_dim3A_331 = vector.broadcast %jit3A_330 : f32 to vector<256x1024xf32>
      %select_n3A_332 = arith.select %and3A_311, %add3A_93, %broadcast_in_dim3A_331 : vector<256x1024xi1>, vector<256x1024xf32>
      %reduce_sum3A_333 = arith.constant dense<0.000000e+00> : vector<256xf32>
      %reduce_sum3A_334 = vector.multi_reduction <add>, %select_n3A_332, %reduce_sum3A_333 [1] : vector<256x1024xf32> to vector<256xf32>
      %broadcast_in_dim3A_335 = vector.shape_cast %reduce_sum3A_334 : vector<256xf32> to vector<256x1xf32>
      %gt3A_336 = arith.constant 5 : i32
      %gt3A_337 = vector.broadcast %gt3A_336 : i32 to vector<256x1xi32>
      %gt3A_338 = arith.cmpi sgt, %slice3A_113, %gt3A_337 : vector<256x1xi32>
      %select_n3A_339 = arith.select %gt3A_338, %broadcast_in_dim3A_317, %broadcast_in_dim3A_125 : vector<256x1xi1>, vector<256x1xi32>
      %select_n3A_340 = arith.select %gt3A_338, %broadcast_in_dim3A_323, %broadcast_in_dim3A_131 : vector<256x1xi1>, vector<256x1xf32>
      %select_n3A_341 = arith.select %gt3A_338, %broadcast_in_dim3A_329, %broadcast_in_dim3A_137 : vector<256x1xi1>, vector<256x1xf32>
      %select_n3A_342 = arith.select %gt3A_338, %broadcast_in_dim3A_335, %broadcast_in_dim3A_143 : vector<256x1xi1>, vector<256x1xf32>
      %mul3A_343 = arith.constant 1024 : i32
      %mul3A_344 = arith.muli %arg0, %mul3A_343 : i32
      %add3A_345 = vector.broadcast %mul3A_344 : i32 to vector<256x1xi32>
      %add3A_346 = arith.addi %select_n3A_339, %add3A_345 : vector<256x1xi32>
      %swap3A_347 = arith.constant 0 : index
      %swap3A_348 = arith.constant 0 : index
      %swap3A_349 = arith.constant 5 : index
      %swap3A_350 = vector.load %arg6[%swap3A_347, %swap3A_348, %swap3A_349] : memref<1x256x16xi32, #tpu.memory_space<vmem>>, vector<1x256x1xi32>
      %swap3A_351 = vector.shape_cast %swap3A_350 : vector<1x256x1xi32> to vector<256x1xi32>
      %swap3A_352 = vector.shape_cast %add3A_346 : vector<256x1xi32> to vector<1x256x1xi32>
      tpu.vector_store %arg6[%swap3A_347, %swap3A_348, %swap3A_349], %swap3A_352 {strides = array<i32>} : memref<1x256x16xi32, #tpu.memory_space<vmem>>, vector<1x256x1xi32>,
      %concatenate3A_353 = tpu.concatenate %select_n3A_340, %select_n3A_341, %select_n3A_342, %broadcast_in_dim3A_115 in 1 : vector<256x1xf32>, vector<256x1xf32>, vector<256x1xf32>, vector<256x5xf32> -> vector<256x8xf32>
      %swap3A_354 = arith.constant 0 : index
      %swap3A_355 = arith.constant 0 : index
      %swap3A_356 = arith.constant 5 : index
      %swap3A_357 = arith.constant 0 : index
      %swap3A_358 = vector.load %arg7[%swap3A_354, %swap3A_355, %swap3A_356, %swap3A_357] : memref<1x256x16x8xf32, #tpu.memory_space<vmem>>, vector<1x256x1x8xf32>
      %swap3A_359 = vector.shape_cast %swap3A_358 : vector<1x256x1x8xf32> to vector<256x8xf32>
      %swap3A_360 = vector.shape_cast %concatenate3A_353 : vector<256x8xf32> to vector<1x256x1x8xf32>
      tpu.vector_store %arg7[%swap3A_354, %swap3A_355, %swap3A_356, %swap3A_357], %swap3A_360 {strides = array<i32>} : memref<1x256x16x8xf32, #tpu.memory_space<vmem>>, vector<1x256x1x8xf32>,
    } else {
    }
    %le3A_203 = arith.constant 5 : i32
    %le3A_204 = arith.cmpi sle, %reduce_max3A_119, %le3A_203 : i32
    %convert_element_type3A_205 = arith.extui %le3A_204 : i1 to i32
    %cond3A_206 = arith.constant 0 : i32
    %cond3A_207 = arith.cmpi ne, %convert_element_type3A_205, %cond3A_206 : i32
    scf.if %cond3A_207 {
      %mul3A_308 = arith.constant 1024 : i32
      %mul3A_309 = arith.muli %arg0, %mul3A_308 : i32
      %add3A_310 = vector.broadcast %mul3A_309 : i32 to vector<256x1xi32>
      %add3A_311 = arith.addi %broadcast_in_dim3A_125, %add3A_310 : vector<256x1xi32>
      %swap3A_312 = arith.constant 0 : index
      %swap3A_313 = arith.constant 0 : index
      %swap3A_314 = arith.constant 5 : index
      %swap3A_315 = vector.load %arg6[%swap3A_312, %swap3A_313, %swap3A_314] : memref<1x256x16xi32, #tpu.memory_space<vmem>>, vector<1x256x1xi32>
      %swap3A_316 = vector.shape_cast %swap3A_315 : vector<1x256x1xi32> to vector<256x1xi32>
      %swap3A_317 = vector.shape_cast %add3A_311 : vector<256x1xi32> to vector<1x256x1xi32>
      tpu.vector_store %arg6[%swap3A_312, %swap3A_313, %swap3A_314], %swap3A_317 {strides = array<i32>} : memref<1x256x16xi32, #tpu.memory_space<vmem>>, vector<1x256x1xi32>,
      %swap3A_318 = arith.constant 0 : index
      %swap3A_319 = arith.constant 0 : index
      %swap3A_320 = arith.constant 5 : index
      %swap3A_321 = arith.constant 0 : index
      %swap3A_322 = vector.load %arg7[%swap3A_318, %swap3A_319, %swap3A_320, %swap3A_321] : memref<1x256x16x8xf32, #tpu.memory_space<vmem>>, vector<1x256x1x8xf32>
      %swap3A_323 = vector.shape_cast %swap3A_322 : vector<1x256x1x8xf32> to vector<256x8xf32>
      %swap3A_324 = vector.shape_cast %concatenate3A : vector<256x8xf32> to vector<1x256x1x8xf32>
      tpu.vector_store %arg7[%swap3A_318, %swap3A_319, %swap3A_320, %swap3A_321], %swap3A_324 {strides = array<i32>} : memref<1x256x16x8xf32, #tpu.memory_space<vmem>>, vector<1x256x1x8xf32>,
    } else {
    }
    %gt3A_208 = arith.constant 6 : i32
    %gt3A_209 = arith.cmpi sgt, %reduce_max3A_119, %gt3A_208 : i32
    %convert_element_type3A_210 = arith.extui %gt3A_209 : i1 to i32
    %cond3A_211 = arith.constant 0 : i32
    %cond3A_212 = arith.cmpi ne, %convert_element_type3A_210, %cond3A_211 : i32
    scf.if %cond3A_212 {
      %eq3A_308 = arith.constant 7 : i32
      %eq3A_309 = vector.broadcast %eq3A_308 : i32 to vector<256x1024xi32>
      %eq3A_310 = arith.cmpi eq, %convert_element_type3A_112, %eq3A_309 : vector<256x1024xi32>
      %and3A_311 = arith.andi %and3A_104, %eq3A_310 : vector<256x1024xi1>
      %jit3A_312 = arith.constant 0 : i32
      %broadcast_in_dim3A_313 = vector.broadcast %jit3A_312 : i32 to vector<256x1024xi32>
      %select_n3A_314 = arith.select %and3A_311, %iota3A, %broadcast_in_dim3A_313 : vector<256x1024xi1>, vector<256x1024xi32>
      %reduce_sum3A_315 = arith.constant dense<0> : vector<256xi32>
      %reduce_sum3A_316 = vector.multi_reduction <add>, %select_n3A_314, %reduce_sum3A_315 [1] : vector<256x1024xi32> to vector<256xi32>
      %broadcast_in_dim3A_317 = vector.shape_cast %reduce_sum3A_316 : vector<256xi32> to vector<256x1xi32>
      %jit3A_318 = arith.constant 0.000000e+00 : f32
      %broadcast_in_dim3A_319 = vector.broadcast %jit3A_318 : f32 to vector<256x1024xf32>
      %select_n3A_320 = arith.select %and3A_311, %add3A_53, %broadcast_in_dim3A_319 : vector<256x1024xi1>, vector<256x1024xf32>
      %reduce_sum3A_321 = arith.constant dense<0.000000e+00> : vector<256xf32>
      %reduce_sum3A_322 = vector.multi_reduction <add>, %select_n3A_320, %reduce_sum3A_321 [1] : vector<256x1024xf32> to vector<256xf32>
      %broadcast_in_dim3A_323 = vector.shape_cast %reduce_sum3A_322 : vector<256xf32> to vector<256x1xf32>
      %jit3A_324 = arith.constant 0.000000e+00 : f32
      %broadcast_in_dim3A_325 = vector.broadcast %jit3A_324 : f32 to vector<256x1024xf32>
      %select_n3A_326 = arith.select %and3A_311, %add3A_73, %broadcast_in_dim3A_325 : vector<256x1024xi1>, vector<256x1024xf32>
      %reduce_sum3A_327 = arith.constant dense<0.000000e+00> : vector<256xf32>
      %reduce_sum3A_328 = vector.multi_reduction <add>, %select_n3A_326, %reduce_sum3A_327 [1] : vector<256x1024xf32> to vector<256xf32>
      %broadcast_in_dim3A_329 = vector.shape_cast %reduce_sum3A_328 : vector<256xf32> to vector<256x1xf32>
      %jit3A_330 = arith.constant 0.000000e+00 : f32
      %broadcast_in_dim3A_331 = vector.broadcast %jit3A_330 : f32 to vector<256x1024xf32>
      %select_n3A_332 = arith.select %and3A_311, %add3A_93, %broadcast_in_dim3A_331 : vector<256x1024xi1>, vector<256x1024xf32>
      %reduce_sum3A_333 = arith.constant dense<0.000000e+00> : vector<256xf32>
      %reduce_sum3A_334 = vector.multi_reduction <add>, %select_n3A_332, %reduce_sum3A_333 [1] : vector<256x1024xf32> to vector<256xf32>
      %broadcast_in_dim3A_335 = vector.shape_cast %reduce_sum3A_334 : vector<256xf32> to vector<256x1xf32>
      %gt3A_336 = arith.constant 6 : i32
      %gt3A_337 = vector.broadcast %gt3A_336 : i32 to vector<256x1xi32>
      %gt3A_338 = arith.cmpi sgt, %slice3A_113, %gt3A_337 : vector<256x1xi32>
      %select_n3A_339 = arith.select %gt3A_338, %broadcast_in_dim3A_317, %broadcast_in_dim3A_125 : vector<256x1xi1>, vector<256x1xi32>
      %select_n3A_340 = arith.select %gt3A_338, %broadcast_in_dim3A_323, %broadcast_in_dim3A_131 : vector<256x1xi1>, vector<256x1xf32>
      %select_n3A_341 = arith.select %gt3A_338, %broadcast_in_dim3A_329, %broadcast_in_dim3A_137 : vector<256x1xi1>, vector<256x1xf32>
      %select_n3A_342 = arith.select %gt3A_338, %broadcast_in_dim3A_335, %broadcast_in_dim3A_143 : vector<256x1xi1>, vector<256x1xf32>
      %mul3A_343 = arith.constant 1024 : i32
      %mul3A_344 = arith.muli %arg0, %mul3A_343 : i32
      %add3A_345 = vector.broadcast %mul3A_344 : i32 to vector<256x1xi32>
      %add3A_346 = arith.addi %select_n3A_339, %add3A_345 : vector<256x1xi32>
      %swap3A_347 = arith.constant 0 : index
      %swap3A_348 = arith.constant 0 : index
      %swap3A_349 = arith.constant 6 : index
      %swap3A_350 = vector.load %arg6[%swap3A_347, %swap3A_348, %swap3A_349] : memref<1x256x16xi32, #tpu.memory_space<vmem>>, vector<1x256x1xi32>
      %swap3A_351 = vector.shape_cast %swap3A_350 : vector<1x256x1xi32> to vector<256x1xi32>
      %swap3A_352 = vector.shape_cast %add3A_346 : vector<256x1xi32> to vector<1x256x1xi32>
      tpu.vector_store %arg6[%swap3A_347, %swap3A_348, %swap3A_349], %swap3A_352 {strides = array<i32>} : memref<1x256x16xi32, #tpu.memory_space<vmem>>, vector<1x256x1xi32>,
      %concatenate3A_353 = tpu.concatenate %select_n3A_340, %select_n3A_341, %select_n3A_342, %broadcast_in_dim3A_115 in 1 : vector<256x1xf32>, vector<256x1xf32>, vector<256x1xf32>, vector<256x5xf32> -> vector<256x8xf32>
      %swap3A_354 = arith.constant 0 : index
      %swap3A_355 = arith.constant 0 : index
      %swap3A_356 = arith.constant 6 : index
      %swap3A_357 = arith.constant 0 : index
      %swap3A_358 = vector.load %arg7[%swap3A_354, %swap3A_355, %swap3A_356, %swap3A_357] : memref<1x256x16x8xf32, #tpu.memory_space<vmem>>, vector<1x256x1x8xf32>
      %swap3A_359 = vector.shape_cast %swap3A_358 : vector<1x256x1x8xf32> to vector<256x8xf32>
      %swap3A_360 = vector.shape_cast %concatenate3A_353 : vector<256x8xf32> to vector<1x256x1x8xf32>
      tpu.vector_store %arg7[%swap3A_354, %swap3A_355, %swap3A_356, %swap3A_357], %swap3A_360 {strides = array<i32>} : memref<1x256x16x8xf32, #tpu.memory_space<vmem>>, vector<1x256x1x8xf32>,
    } else {
    }
    %le3A_213 = arith.constant 6 : i32
    %le3A_214 = arith.cmpi sle, %reduce_max3A_119, %le3A_213 : i32
    %convert_element_type3A_215 = arith.extui %le3A_214 : i1 to i32
    %cond3A_216 = arith.constant 0 : i32
    %cond3A_217 = arith.cmpi ne, %convert_element_type3A_215, %cond3A_216 : i32
    scf.if %cond3A_217 {
      %mul3A_308 = arith.constant 1024 : i32
      %mul3A_309 = arith.muli %arg0, %mul3A_308 : i32
      %add3A_310 = vector.broadcast %mul3A_309 : i32 to vector<256x1xi32>
      %add3A_311 = arith.addi %broadcast_in_dim3A_125, %add3A_310 : vector<256x1xi32>
      %swap3A_312 = arith.constant 0 : index
      %swap3A_313 = arith.constant 0 : index
      %swap3A_314 = arith.constant 6 : index
      %swap3A_315 = vector.load %arg6[%swap3A_312, %swap3A_313, %swap3A_314] : memref<1x256x16xi32, #tpu.memory_space<vmem>>, vector<1x256x1xi32>
      %swap3A_316 = vector.shape_cast %swap3A_315 : vector<1x256x1xi32> to vector<256x1xi32>
      %swap3A_317 = vector.shape_cast %add3A_311 : vector<256x1xi32> to vector<1x256x1xi32>
      tpu.vector_store %arg6[%swap3A_312, %swap3A_313, %swap3A_314], %swap3A_317 {strides = array<i32>} : memref<1x256x16xi32, #tpu.memory_space<vmem>>, vector<1x256x1xi32>,
      %swap3A_318 = arith.constant 0 : index
      %swap3A_319 = arith.constant 0 : index
      %swap3A_320 = arith.constant 6 : index
      %swap3A_321 = arith.constant 0 : index
      %swap3A_322 = vector.load %arg7[%swap3A_318, %swap3A_319, %swap3A_320, %swap3A_321] : memref<1x256x16x8xf32, #tpu.memory_space<vmem>>, vector<1x256x1x8xf32>
      %swap3A_323 = vector.shape_cast %swap3A_322 : vector<1x256x1x8xf32> to vector<256x8xf32>
      %swap3A_324 = vector.shape_cast %concatenate3A : vector<256x8xf32> to vector<1x256x1x8xf32>
      tpu.vector_store %arg7[%swap3A_318, %swap3A_319, %swap3A_320, %swap3A_321], %swap3A_324 {strides = array<i32>} : memref<1x256x16x8xf32, #tpu.memory_space<vmem>>, vector<1x256x1x8xf32>,
    } else {
    }
    %gt3A_218 = arith.constant 7 : i32
    %gt3A_219 = arith.cmpi sgt, %reduce_max3A_119, %gt3A_218 : i32
    %convert_element_type3A_220 = arith.extui %gt3A_219 : i1 to i32
    %cond3A_221 = arith.constant 0 : i32
    %cond3A_222 = arith.cmpi ne, %convert_element_type3A_220, %cond3A_221 : i32
    scf.if %cond3A_222 {
      %eq3A_308 = arith.constant 8 : i32
      %eq3A_309 = vector.broadcast %eq3A_308 : i32 to vector<256x1024xi32>
      %eq3A_310 = arith.cmpi eq, %convert_element_type3A_112, %eq3A_309 : vector<256x1024xi32>
      %and3A_311 = arith.andi %and3A_104, %eq3A_310 : vector<256x1024xi1>
      %jit3A_312 = arith.constant 0 : i32
      %broadcast_in_dim3A_313 = vector.broadcast %jit3A_312 : i32 to vector<256x1024xi32>
      %select_n3A_314 = arith.select %and3A_311, %iota3A, %broadcast_in_dim3A_313 : vector<256x1024xi1>, vector<256x1024xi32>
      %reduce_sum3A_315 = arith.constant dense<0> : vector<256xi32>
      %reduce_sum3A_316 = vector.multi_reduction <add>, %select_n3A_314, %reduce_sum3A_315 [1] : vector<256x1024xi32> to vector<256xi32>
      %broadcast_in_dim3A_317 = vector.shape_cast %reduce_sum3A_316 : vector<256xi32> to vector<256x1xi32>
      %jit3A_318 = arith.constant 0.000000e+00 : f32
      %broadcast_in_dim3A_319 = vector.broadcast %jit3A_318 : f32 to vector<256x1024xf32>
      %select_n3A_320 = arith.select %and3A_311, %add3A_53, %broadcast_in_dim3A_319 : vector<256x1024xi1>, vector<256x1024xf32>
      %reduce_sum3A_321 = arith.constant dense<0.000000e+00> : vector<256xf32>
      %reduce_sum3A_322 = vector.multi_reduction <add>, %select_n3A_320, %reduce_sum3A_321 [1] : vector<256x1024xf32> to vector<256xf32>
      %broadcast_in_dim3A_323 = vector.shape_cast %reduce_sum3A_322 : vector<256xf32> to vector<256x1xf32>
      %jit3A_324 = arith.constant 0.000000e+00 : f32
      %broadcast_in_dim3A_325 = vector.broadcast %jit3A_324 : f32 to vector<256x1024xf32>
      %select_n3A_326 = arith.select %and3A_311, %add3A_73, %broadcast_in_dim3A_325 : vector<256x1024xi1>, vector<256x1024xf32>
      %reduce_sum3A_327 = arith.constant dense<0.000000e+00> : vector<256xf32>
      %reduce_sum3A_328 = vector.multi_reduction <add>, %select_n3A_326, %reduce_sum3A_327 [1] : vector<256x1024xf32> to vector<256xf32>
      %broadcast_in_dim3A_329 = vector.shape_cast %reduce_sum3A_328 : vector<256xf32> to vector<256x1xf32>
      %jit3A_330 = arith.constant 0.000000e+00 : f32
      %broadcast_in_dim3A_331 = vector.broadcast %jit3A_330 : f32 to vector<256x1024xf32>
      %select_n3A_332 = arith.select %and3A_311, %add3A_93, %broadcast_in_dim3A_331 : vector<256x1024xi1>, vector<256x1024xf32>
      %reduce_sum3A_333 = arith.constant dense<0.000000e+00> : vector<256xf32>
      %reduce_sum3A_334 = vector.multi_reduction <add>, %select_n3A_332, %reduce_sum3A_333 [1] : vector<256x1024xf32> to vector<256xf32>
      %broadcast_in_dim3A_335 = vector.shape_cast %reduce_sum3A_334 : vector<256xf32> to vector<256x1xf32>
      %gt3A_336 = arith.constant 7 : i32
      %gt3A_337 = vector.broadcast %gt3A_336 : i32 to vector<256x1xi32>
      %gt3A_338 = arith.cmpi sgt, %slice3A_113, %gt3A_337 : vector<256x1xi32>
      %select_n3A_339 = arith.select %gt3A_338, %broadcast_in_dim3A_317, %broadcast_in_dim3A_125 : vector<256x1xi1>, vector<256x1xi32>
      %select_n3A_340 = arith.select %gt3A_338, %broadcast_in_dim3A_323, %broadcast_in_dim3A_131 : vector<256x1xi1>, vector<256x1xf32>
      %select_n3A_341 = arith.select %gt3A_338, %broadcast_in_dim3A_329, %broadcast_in_dim3A_137 : vector<256x1xi1>, vector<256x1xf32>
      %select_n3A_342 = arith.select %gt3A_338, %broadcast_in_dim3A_335, %broadcast_in_dim3A_143 : vector<256x1xi1>, vector<256x1xf32>
      %mul3A_343 = arith.constant 1024 : i32
      %mul3A_344 = arith.muli %arg0, %mul3A_343 : i32
      %add3A_345 = vector.broadcast %mul3A_344 : i32 to vector<256x1xi32>
      %add3A_346 = arith.addi %select_n3A_339, %add3A_345 : vector<256x1xi32>
      %swap3A_347 = arith.constant 0 : index
      %swap3A_348 = arith.constant 0 : index
      %swap3A_349 = arith.constant 7 : index
      %swap3A_350 = vector.load %arg6[%swap3A_347, %swap3A_348, %swap3A_349] : memref<1x256x16xi32, #tpu.memory_space<vmem>>, vector<1x256x1xi32>
      %swap3A_351 = vector.shape_cast %swap3A_350 : vector<1x256x1xi32> to vector<256x1xi32>
      %swap3A_352 = vector.shape_cast %add3A_346 : vector<256x1xi32> to vector<1x256x1xi32>
      tpu.vector_store %arg6[%swap3A_347, %swap3A_348, %swap3A_349], %swap3A_352 {strides = array<i32>} : memref<1x256x16xi32, #tpu.memory_space<vmem>>, vector<1x256x1xi32>,
      %concatenate3A_353 = tpu.concatenate %select_n3A_340, %select_n3A_341, %select_n3A_342, %broadcast_in_dim3A_115 in 1 : vector<256x1xf32>, vector<256x1xf32>, vector<256x1xf32>, vector<256x5xf32> -> vector<256x8xf32>
      %swap3A_354 = arith.constant 0 : index
      %swap3A_355 = arith.constant 0 : index
      %swap3A_356 = arith.constant 7 : index
      %swap3A_357 = arith.constant 0 : index
      %swap3A_358 = vector.load %arg7[%swap3A_354, %swap3A_355, %swap3A_356, %swap3A_357] : memref<1x256x16x8xf32, #tpu.memory_space<vmem>>, vector<1x256x1x8xf32>
      %swap3A_359 = vector.shape_cast %swap3A_358 : vector<1x256x1x8xf32> to vector<256x8xf32>
      %swap3A_360 = vector.shape_cast %concatenate3A_353 : vector<256x8xf32> to vector<1x256x1x8xf32>
      tpu.vector_store %arg7[%swap3A_354, %swap3A_355, %swap3A_356, %swap3A_357], %swap3A_360 {strides = array<i32>} : memref<1x256x16x8xf32, #tpu.memory_space<vmem>>, vector<1x256x1x8xf32>,
    } else {
    }
    %le3A_223 = arith.constant 7 : i32
    %le3A_224 = arith.cmpi sle, %reduce_max3A_119, %le3A_223 : i32
    %convert_element_type3A_225 = arith.extui %le3A_224 : i1 to i32
    %cond3A_226 = arith.constant 0 : i32
    %cond3A_227 = arith.cmpi ne, %convert_element_type3A_225, %cond3A_226 : i32
    scf.if %cond3A_227 {
      %mul3A_308 = arith.constant 1024 : i32
      %mul3A_309 = arith.muli %arg0, %mul3A_308 : i32
      %add3A_310 = vector.broadcast %mul3A_309 : i32 to vector<256x1xi32>
      %add3A_311 = arith.addi %broadcast_in_dim3A_125, %add3A_310 : vector<256x1xi32>
      %swap3A_312 = arith.constant 0 : index
      %swap3A_313 = arith.constant 0 : index
      %swap3A_314 = arith.constant 7 : index
      %swap3A_315 = vector.load %arg6[%swap3A_312, %swap3A_313, %swap3A_314] : memref<1x256x16xi32, #tpu.memory_space<vmem>>, vector<1x256x1xi32>
      %swap3A_316 = vector.shape_cast %swap3A_315 : vector<1x256x1xi32> to vector<256x1xi32>
      %swap3A_317 = vector.shape_cast %add3A_311 : vector<256x1xi32> to vector<1x256x1xi32>
      tpu.vector_store %arg6[%swap3A_312, %swap3A_313, %swap3A_314], %swap3A_317 {strides = array<i32>} : memref<1x256x16xi32, #tpu.memory_space<vmem>>, vector<1x256x1xi32>,
      %swap3A_318 = arith.constant 0 : index
      %swap3A_319 = arith.constant 0 : index
      %swap3A_320 = arith.constant 7 : index
      %swap3A_321 = arith.constant 0 : index
      %swap3A_322 = vector.load %arg7[%swap3A_318, %swap3A_319, %swap3A_320, %swap3A_321] : memref<1x256x16x8xf32, #tpu.memory_space<vmem>>, vector<1x256x1x8xf32>
      %swap3A_323 = vector.shape_cast %swap3A_322 : vector<1x256x1x8xf32> to vector<256x8xf32>
      %swap3A_324 = vector.shape_cast %concatenate3A : vector<256x8xf32> to vector<1x256x1x8xf32>
      tpu.vector_store %arg7[%swap3A_318, %swap3A_319, %swap3A_320, %swap3A_321], %swap3A_324 {strides = array<i32>} : memref<1x256x16x8xf32, #tpu.memory_space<vmem>>, vector<1x256x1x8xf32>,
    } else {
    }
    %gt3A_228 = arith.constant 8 : i32
    %gt3A_229 = arith.cmpi sgt, %reduce_max3A_119, %gt3A_228 : i32
    %convert_element_type3A_230 = arith.extui %gt3A_229 : i1 to i32
    %cond3A_231 = arith.constant 0 : i32
    %cond3A_232 = arith.cmpi ne, %convert_element_type3A_230, %cond3A_231 : i32
    scf.if %cond3A_232 {
      %eq3A_308 = arith.constant 9 : i32
      %eq3A_309 = vector.broadcast %eq3A_308 : i32 to vector<256x1024xi32>
      %eq3A_310 = arith.cmpi eq, %convert_element_type3A_112, %eq3A_309 : vector<256x1024xi32>
      %and3A_311 = arith.andi %and3A_104, %eq3A_310 : vector<256x1024xi1>
      %jit3A_312 = arith.constant 0 : i32
      %broadcast_in_dim3A_313 = vector.broadcast %jit3A_312 : i32 to vector<256x1024xi32>
      %select_n3A_314 = arith.select %and3A_311, %iota3A, %broadcast_in_dim3A_313 : vector<256x1024xi1>, vector<256x1024xi32>
      %reduce_sum3A_315 = arith.constant dense<0> : vector<256xi32>
      %reduce_sum3A_316 = vector.multi_reduction <add>, %select_n3A_314, %reduce_sum3A_315 [1] : vector<256x1024xi32> to vector<256xi32>
      %broadcast_in_dim3A_317 = vector.shape_cast %reduce_sum3A_316 : vector<256xi32> to vector<256x1xi32>
      %jit3A_318 = arith.constant 0.000000e+00 : f32
      %broadcast_in_dim3A_319 = vector.broadcast %jit3A_318 : f32 to vector<256x1024xf32>
      %select_n3A_320 = arith.select %and3A_311, %add3A_53, %broadcast_in_dim3A_319 : vector<256x1024xi1>, vector<256x1024xf32>
      %reduce_sum3A_321 = arith.constant dense<0.000000e+00> : vector<256xf32>
      %reduce_sum3A_322 = vector.multi_reduction <add>, %select_n3A_320, %reduce_sum3A_321 [1] : vector<256x1024xf32> to vector<256xf32>
      %broadcast_in_dim3A_323 = vector.shape_cast %reduce_sum3A_322 : vector<256xf32> to vector<256x1xf32>
      %jit3A_324 = arith.constant 0.000000e+00 : f32
      %broadcast_in_dim3A_325 = vector.broadcast %jit3A_324 : f32 to vector<256x1024xf32>
      %select_n3A_326 = arith.select %and3A_311, %add3A_73, %broadcast_in_dim3A_325 : vector<256x1024xi1>, vector<256x1024xf32>
      %reduce_sum3A_327 = arith.constant dense<0.000000e+00> : vector<256xf32>
      %reduce_sum3A_328 = vector.multi_reduction <add>, %select_n3A_326, %reduce_sum3A_327 [1] : vector<256x1024xf32> to vector<256xf32>
      %broadcast_in_dim3A_329 = vector.shape_cast %reduce_sum3A_328 : vector<256xf32> to vector<256x1xf32>
      %jit3A_330 = arith.constant 0.000000e+00 : f32
      %broadcast_in_dim3A_331 = vector.broadcast %jit3A_330 : f32 to vector<256x1024xf32>
      %select_n3A_332 = arith.select %and3A_311, %add3A_93, %broadcast_in_dim3A_331 : vector<256x1024xi1>, vector<256x1024xf32>
      %reduce_sum3A_333 = arith.constant dense<0.000000e+00> : vector<256xf32>
      %reduce_sum3A_334 = vector.multi_reduction <add>, %select_n3A_332, %reduce_sum3A_333 [1] : vector<256x1024xf32> to vector<256xf32>
      %broadcast_in_dim3A_335 = vector.shape_cast %reduce_sum3A_334 : vector<256xf32> to vector<256x1xf32>
      %gt3A_336 = arith.constant 8 : i32
      %gt3A_337 = vector.broadcast %gt3A_336 : i32 to vector<256x1xi32>
      %gt3A_338 = arith.cmpi sgt, %slice3A_113, %gt3A_337 : vector<256x1xi32>
      %select_n3A_339 = arith.select %gt3A_338, %broadcast_in_dim3A_317, %broadcast_in_dim3A_125 : vector<256x1xi1>, vector<256x1xi32>
      %select_n3A_340 = arith.select %gt3A_338, %broadcast_in_dim3A_323, %broadcast_in_dim3A_131 : vector<256x1xi1>, vector<256x1xf32>
      %select_n3A_341 = arith.select %gt3A_338, %broadcast_in_dim3A_329, %broadcast_in_dim3A_137 : vector<256x1xi1>, vector<256x1xf32>
      %select_n3A_342 = arith.select %gt3A_338, %broadcast_in_dim3A_335, %broadcast_in_dim3A_143 : vector<256x1xi1>, vector<256x1xf32>
      %mul3A_343 = arith.constant 1024 : i32
      %mul3A_344 = arith.muli %arg0, %mul3A_343 : i32
      %add3A_345 = vector.broadcast %mul3A_344 : i32 to vector<256x1xi32>
      %add3A_346 = arith.addi %select_n3A_339, %add3A_345 : vector<256x1xi32>
      %swap3A_347 = arith.constant 0 : index
      %swap3A_348 = arith.constant 0 : index
      %swap3A_349 = arith.constant 8 : index
      %swap3A_350 = vector.load %arg6[%swap3A_347, %swap3A_348, %swap3A_349] : memref<1x256x16xi32, #tpu.memory_space<vmem>>, vector<1x256x1xi32>
      %swap3A_351 = vector.shape_cast %swap3A_350 : vector<1x256x1xi32> to vector<256x1xi32>
      %swap3A_352 = vector.shape_cast %add3A_346 : vector<256x1xi32> to vector<1x256x1xi32>
      tpu.vector_store %arg6[%swap3A_347, %swap3A_348, %swap3A_349], %swap3A_352 {strides = array<i32>} : memref<1x256x16xi32, #tpu.memory_space<vmem>>, vector<1x256x1xi32>,
      %concatenate3A_353 = tpu.concatenate %select_n3A_340, %select_n3A_341, %select_n3A_342, %broadcast_in_dim3A_115 in 1 : vector<256x1xf32>, vector<256x1xf32>, vector<256x1xf32>, vector<256x5xf32> -> vector<256x8xf32>
      %swap3A_354 = arith.constant 0 : index
      %swap3A_355 = arith.constant 0 : index
      %swap3A_356 = arith.constant 8 : index
      %swap3A_357 = arith.constant 0 : index
      %swap3A_358 = vector.load %arg7[%swap3A_354, %swap3A_355, %swap3A_356, %swap3A_357] : memref<1x256x16x8xf32, #tpu.memory_space<vmem>>, vector<1x256x1x8xf32>
      %swap3A_359 = vector.shape_cast %swap3A_358 : vector<1x256x1x8xf32> to vector<256x8xf32>
      %swap3A_360 = vector.shape_cast %concatenate3A_353 : vector<256x8xf32> to vector<1x256x1x8xf32>
      tpu.vector_store %arg7[%swap3A_354, %swap3A_355, %swap3A_356, %swap3A_357], %swap3A_360 {strides = array<i32>} : memref<1x256x16x8xf32, #tpu.memory_space<vmem>>, vector<1x256x1x8xf32>,
    } else {
    }
    %le3A_233 = arith.constant 8 : i32
    %le3A_234 = arith.cmpi sle, %reduce_max3A_119, %le3A_233 : i32
    %convert_element_type3A_235 = arith.extui %le3A_234 : i1 to i32
    %cond3A_236 = arith.constant 0 : i32
    %cond3A_237 = arith.cmpi ne, %convert_element_type3A_235, %cond3A_236 : i32
    scf.if %cond3A_237 {
      %mul3A_308 = arith.constant 1024 : i32
      %mul3A_309 = arith.muli %arg0, %mul3A_308 : i32
      %add3A_310 = vector.broadcast %mul3A_309 : i32 to vector<256x1xi32>
      %add3A_311 = arith.addi %broadcast_in_dim3A_125, %add3A_310 : vector<256x1xi32>
      %swap3A_312 = arith.constant 0 : index
      %swap3A_313 = arith.constant 0 : index
      %swap3A_314 = arith.constant 8 : index
      %swap3A_315 = vector.load %arg6[%swap3A_312, %swap3A_313, %swap3A_314] : memref<1x256x16xi32, #tpu.memory_space<vmem>>, vector<1x256x1xi32>
      %swap3A_316 = vector.shape_cast %swap3A_315 : vector<1x256x1xi32> to vector<256x1xi32>
      %swap3A_317 = vector.shape_cast %add3A_311 : vector<256x1xi32> to vector<1x256x1xi32>
      tpu.vector_store %arg6[%swap3A_312, %swap3A_313, %swap3A_314], %swap3A_317 {strides = array<i32>} : memref<1x256x16xi32, #tpu.memory_space<vmem>>, vector<1x256x1xi32>,
      %swap3A_318 = arith.constant 0 : index
      %swap3A_319 = arith.constant 0 : index
      %swap3A_320 = arith.constant 8 : index
      %swap3A_321 = arith.constant 0 : index
      %swap3A_322 = vector.load %arg7[%swap3A_318, %swap3A_319, %swap3A_320, %swap3A_321] : memref<1x256x16x8xf32, #tpu.memory_space<vmem>>, vector<1x256x1x8xf32>
      %swap3A_323 = vector.shape_cast %swap3A_322 : vector<1x256x1x8xf32> to vector<256x8xf32>
      %swap3A_324 = vector.shape_cast %concatenate3A : vector<256x8xf32> to vector<1x256x1x8xf32>
      tpu.vector_store %arg7[%swap3A_318, %swap3A_319, %swap3A_320, %swap3A_321], %swap3A_324 {strides = array<i32>} : memref<1x256x16x8xf32, #tpu.memory_space<vmem>>, vector<1x256x1x8xf32>,
    } else {
    }
    %gt3A_238 = arith.constant 9 : i32
    %gt3A_239 = arith.cmpi sgt, %reduce_max3A_119, %gt3A_238 : i32
    %convert_element_type3A_240 = arith.extui %gt3A_239 : i1 to i32
    %cond3A_241 = arith.constant 0 : i32
    %cond3A_242 = arith.cmpi ne, %convert_element_type3A_240, %cond3A_241 : i32
    scf.if %cond3A_242 {
      %eq3A_308 = arith.constant 10 : i32
      %eq3A_309 = vector.broadcast %eq3A_308 : i32 to vector<256x1024xi32>
      %eq3A_310 = arith.cmpi eq, %convert_element_type3A_112, %eq3A_309 : vector<256x1024xi32>
      %and3A_311 = arith.andi %and3A_104, %eq3A_310 : vector<256x1024xi1>
      %jit3A_312 = arith.constant 0 : i32
      %broadcast_in_dim3A_313 = vector.broadcast %jit3A_312 : i32 to vector<256x1024xi32>
      %select_n3A_314 = arith.select %and3A_311, %iota3A, %broadcast_in_dim3A_313 : vector<256x1024xi1>, vector<256x1024xi32>
      %reduce_sum3A_315 = arith.constant dense<0> : vector<256xi32>
      %reduce_sum3A_316 = vector.multi_reduction <add>, %select_n3A_314, %reduce_sum3A_315 [1] : vector<256x1024xi32> to vector<256xi32>
      %broadcast_in_dim3A_317 = vector.shape_cast %reduce_sum3A_316 : vector<256xi32> to vector<256x1xi32>
      %jit3A_318 = arith.constant 0.000000e+00 : f32
      %broadcast_in_dim3A_319 = vector.broadcast %jit3A_318 : f32 to vector<256x1024xf32>
      %select_n3A_320 = arith.select %and3A_311, %add3A_53, %broadcast_in_dim3A_319 : vector<256x1024xi1>, vector<256x1024xf32>
      %reduce_sum3A_321 = arith.constant dense<0.000000e+00> : vector<256xf32>
      %reduce_sum3A_322 = vector.multi_reduction <add>, %select_n3A_320, %reduce_sum3A_321 [1] : vector<256x1024xf32> to vector<256xf32>
      %broadcast_in_dim3A_323 = vector.shape_cast %reduce_sum3A_322 : vector<256xf32> to vector<256x1xf32>
      %jit3A_324 = arith.constant 0.000000e+00 : f32
      %broadcast_in_dim3A_325 = vector.broadcast %jit3A_324 : f32 to vector<256x1024xf32>
      %select_n3A_326 = arith.select %and3A_311, %add3A_73, %broadcast_in_dim3A_325 : vector<256x1024xi1>, vector<256x1024xf32>
      %reduce_sum3A_327 = arith.constant dense<0.000000e+00> : vector<256xf32>
      %reduce_sum3A_328 = vector.multi_reduction <add>, %select_n3A_326, %reduce_sum3A_327 [1] : vector<256x1024xf32> to vector<256xf32>
      %broadcast_in_dim3A_329 = vector.shape_cast %reduce_sum3A_328 : vector<256xf32> to vector<256x1xf32>
      %jit3A_330 = arith.constant 0.000000e+00 : f32
      %broadcast_in_dim3A_331 = vector.broadcast %jit3A_330 : f32 to vector<256x1024xf32>
      %select_n3A_332 = arith.select %and3A_311, %add3A_93, %broadcast_in_dim3A_331 : vector<256x1024xi1>, vector<256x1024xf32>
      %reduce_sum3A_333 = arith.constant dense<0.000000e+00> : vector<256xf32>
      %reduce_sum3A_334 = vector.multi_reduction <add>, %select_n3A_332, %reduce_sum3A_333 [1] : vector<256x1024xf32> to vector<256xf32>
      %broadcast_in_dim3A_335 = vector.shape_cast %reduce_sum3A_334 : vector<256xf32> to vector<256x1xf32>
      %gt3A_336 = arith.constant 9 : i32
      %gt3A_337 = vector.broadcast %gt3A_336 : i32 to vector<256x1xi32>
      %gt3A_338 = arith.cmpi sgt, %slice3A_113, %gt3A_337 : vector<256x1xi32>
      %select_n3A_339 = arith.select %gt3A_338, %broadcast_in_dim3A_317, %broadcast_in_dim3A_125 : vector<256x1xi1>, vector<256x1xi32>
      %select_n3A_340 = arith.select %gt3A_338, %broadcast_in_dim3A_323, %broadcast_in_dim3A_131 : vector<256x1xi1>, vector<256x1xf32>
      %select_n3A_341 = arith.select %gt3A_338, %broadcast_in_dim3A_329, %broadcast_in_dim3A_137 : vector<256x1xi1>, vector<256x1xf32>
      %select_n3A_342 = arith.select %gt3A_338, %broadcast_in_dim3A_335, %broadcast_in_dim3A_143 : vector<256x1xi1>, vector<256x1xf32>
      %mul3A_343 = arith.constant 1024 : i32
      %mul3A_344 = arith.muli %arg0, %mul3A_343 : i32
      %add3A_345 = vector.broadcast %mul3A_344 : i32 to vector<256x1xi32>
      %add3A_346 = arith.addi %select_n3A_339, %add3A_345 : vector<256x1xi32>
      %swap3A_347 = arith.constant 0 : index
      %swap3A_348 = arith.constant 0 : index
      %swap3A_349 = arith.constant 9 : index
      %swap3A_350 = vector.load %arg6[%swap3A_347, %swap3A_348, %swap3A_349] : memref<1x256x16xi32, #tpu.memory_space<vmem>>, vector<1x256x1xi32>
      %swap3A_351 = vector.shape_cast %swap3A_350 : vector<1x256x1xi32> to vector<256x1xi32>
      %swap3A_352 = vector.shape_cast %add3A_346 : vector<256x1xi32> to vector<1x256x1xi32>
      tpu.vector_store %arg6[%swap3A_347, %swap3A_348, %swap3A_349], %swap3A_352 {strides = array<i32>} : memref<1x256x16xi32, #tpu.memory_space<vmem>>, vector<1x256x1xi32>,
      %concatenate3A_353 = tpu.concatenate %select_n3A_340, %select_n3A_341, %select_n3A_342, %broadcast_in_dim3A_115 in 1 : vector<256x1xf32>, vector<256x1xf32>, vector<256x1xf32>, vector<256x5xf32> -> vector<256x8xf32>
      %swap3A_354 = arith.constant 0 : index
      %swap3A_355 = arith.constant 0 : index
      %swap3A_356 = arith.constant 9 : index
      %swap3A_357 = arith.constant 0 : index
      %swap3A_358 = vector.load %arg7[%swap3A_354, %swap3A_355, %swap3A_356, %swap3A_357] : memref<1x256x16x8xf32, #tpu.memory_space<vmem>>, vector<1x256x1x8xf32>
      %swap3A_359 = vector.shape_cast %swap3A_358 : vector<1x256x1x8xf32> to vector<256x8xf32>
      %swap3A_360 = vector.shape_cast %concatenate3A_353 : vector<256x8xf32> to vector<1x256x1x8xf32>
      tpu.vector_store %arg7[%swap3A_354, %swap3A_355, %swap3A_356, %swap3A_357], %swap3A_360 {strides = array<i32>} : memref<1x256x16x8xf32, #tpu.memory_space<vmem>>, vector<1x256x1x8xf32>,
    } else {
    }
    %le3A_243 = arith.constant 9 : i32
    %le3A_244 = arith.cmpi sle, %reduce_max3A_119, %le3A_243 : i32
    %convert_element_type3A_245 = arith.extui %le3A_244 : i1 to i32
    %cond3A_246 = arith.constant 0 : i32
    %cond3A_247 = arith.cmpi ne, %convert_element_type3A_245, %cond3A_246 : i32
    scf.if %cond3A_247 {
      %mul3A_308 = arith.constant 1024 : i32
      %mul3A_309 = arith.muli %arg0, %mul3A_308 : i32
      %add3A_310 = vector.broadcast %mul3A_309 : i32 to vector<256x1xi32>
      %add3A_311 = arith.addi %broadcast_in_dim3A_125, %add3A_310 : vector<256x1xi32>
      %swap3A_312 = arith.constant 0 : index
      %swap3A_313 = arith.constant 0 : index
      %swap3A_314 = arith.constant 9 : index
      %swap3A_315 = vector.load %arg6[%swap3A_312, %swap3A_313, %swap3A_314] : memref<1x256x16xi32, #tpu.memory_space<vmem>>, vector<1x256x1xi32>
      %swap3A_316 = vector.shape_cast %swap3A_315 : vector<1x256x1xi32> to vector<256x1xi32>
      %swap3A_317 = vector.shape_cast %add3A_311 : vector<256x1xi32> to vector<1x256x1xi32>
      tpu.vector_store %arg6[%swap3A_312, %swap3A_313, %swap3A_314], %swap3A_317 {strides = array<i32>} : memref<1x256x16xi32, #tpu.memory_space<vmem>>, vector<1x256x1xi32>,
      %swap3A_318 = arith.constant 0 : index
      %swap3A_319 = arith.constant 0 : index
      %swap3A_320 = arith.constant 9 : index
      %swap3A_321 = arith.constant 0 : index
      %swap3A_322 = vector.load %arg7[%swap3A_318, %swap3A_319, %swap3A_320, %swap3A_321] : memref<1x256x16x8xf32, #tpu.memory_space<vmem>>, vector<1x256x1x8xf32>
      %swap3A_323 = vector.shape_cast %swap3A_322 : vector<1x256x1x8xf32> to vector<256x8xf32>
      %swap3A_324 = vector.shape_cast %concatenate3A : vector<256x8xf32> to vector<1x256x1x8xf32>
      tpu.vector_store %arg7[%swap3A_318, %swap3A_319, %swap3A_320, %swap3A_321], %swap3A_324 {strides = array<i32>} : memref<1x256x16x8xf32, #tpu.memory_space<vmem>>, vector<1x256x1x8xf32>,
    } else {
    }
    %gt3A_248 = arith.constant 10 : i32
    %gt3A_249 = arith.cmpi sgt, %reduce_max3A_119, %gt3A_248 : i32
    %convert_element_type3A_250 = arith.extui %gt3A_249 : i1 to i32
    %cond3A_251 = arith.constant 0 : i32
    %cond3A_252 = arith.cmpi ne, %convert_element_type3A_250, %cond3A_251 : i32
    scf.if %cond3A_252 {
      %eq3A_308 = arith.constant 11 : i32
      %eq3A_309 = vector.broadcast %eq3A_308 : i32 to vector<256x1024xi32>
      %eq3A_310 = arith.cmpi eq, %convert_element_type3A_112, %eq3A_309 : vector<256x1024xi32>
      %and3A_311 = arith.andi %and3A_104, %eq3A_310 : vector<256x1024xi1>
      %jit3A_312 = arith.constant 0 : i32
      %broadcast_in_dim3A_313 = vector.broadcast %jit3A_312 : i32 to vector<256x1024xi32>
      %select_n3A_314 = arith.select %and3A_311, %iota3A, %broadcast_in_dim3A_313 : vector<256x1024xi1>, vector<256x1024xi32>
      %reduce_sum3A_315 = arith.constant dense<0> : vector<256xi32>
      %reduce_sum3A_316 = vector.multi_reduction <add>, %select_n3A_314, %reduce_sum3A_315 [1] : vector<256x1024xi32> to vector<256xi32>
      %broadcast_in_dim3A_317 = vector.shape_cast %reduce_sum3A_316 : vector<256xi32> to vector<256x1xi32>
      %jit3A_318 = arith.constant 0.000000e+00 : f32
      %broadcast_in_dim3A_319 = vector.broadcast %jit3A_318 : f32 to vector<256x1024xf32>
      %select_n3A_320 = arith.select %and3A_311, %add3A_53, %broadcast_in_dim3A_319 : vector<256x1024xi1>, vector<256x1024xf32>
      %reduce_sum3A_321 = arith.constant dense<0.000000e+00> : vector<256xf32>
      %reduce_sum3A_322 = vector.multi_reduction <add>, %select_n3A_320, %reduce_sum3A_321 [1] : vector<256x1024xf32> to vector<256xf32>
      %broadcast_in_dim3A_323 = vector.shape_cast %reduce_sum3A_322 : vector<256xf32> to vector<256x1xf32>
      %jit3A_324 = arith.constant 0.000000e+00 : f32
      %broadcast_in_dim3A_325 = vector.broadcast %jit3A_324 : f32 to vector<256x1024xf32>
      %select_n3A_326 = arith.select %and3A_311, %add3A_73, %broadcast_in_dim3A_325 : vector<256x1024xi1>, vector<256x1024xf32>
      %reduce_sum3A_327 = arith.constant dense<0.000000e+00> : vector<256xf32>
      %reduce_sum3A_328 = vector.multi_reduction <add>, %select_n3A_326, %reduce_sum3A_327 [1] : vector<256x1024xf32> to vector<256xf32>
      %broadcast_in_dim3A_329 = vector.shape_cast %reduce_sum3A_328 : vector<256xf32> to vector<256x1xf32>
      %jit3A_330 = arith.constant 0.000000e+00 : f32
      %broadcast_in_dim3A_331 = vector.broadcast %jit3A_330 : f32 to vector<256x1024xf32>
      %select_n3A_332 = arith.select %and3A_311, %add3A_93, %broadcast_in_dim3A_331 : vector<256x1024xi1>, vector<256x1024xf32>
      %reduce_sum3A_333 = arith.constant dense<0.000000e+00> : vector<256xf32>
      %reduce_sum3A_334 = vector.multi_reduction <add>, %select_n3A_332, %reduce_sum3A_333 [1] : vector<256x1024xf32> to vector<256xf32>
      %broadcast_in_dim3A_335 = vector.shape_cast %reduce_sum3A_334 : vector<256xf32> to vector<256x1xf32>
      %gt3A_336 = arith.constant 10 : i32
      %gt3A_337 = vector.broadcast %gt3A_336 : i32 to vector<256x1xi32>
      %gt3A_338 = arith.cmpi sgt, %slice3A_113, %gt3A_337 : vector<256x1xi32>
      %select_n3A_339 = arith.select %gt3A_338, %broadcast_in_dim3A_317, %broadcast_in_dim3A_125 : vector<256x1xi1>, vector<256x1xi32>
      %select_n3A_340 = arith.select %gt3A_338, %broadcast_in_dim3A_323, %broadcast_in_dim3A_131 : vector<256x1xi1>, vector<256x1xf32>
      %select_n3A_341 = arith.select %gt3A_338, %broadcast_in_dim3A_329, %broadcast_in_dim3A_137 : vector<256x1xi1>, vector<256x1xf32>
      %select_n3A_342 = arith.select %gt3A_338, %broadcast_in_dim3A_335, %broadcast_in_dim3A_143 : vector<256x1xi1>, vector<256x1xf32>
      %mul3A_343 = arith.constant 1024 : i32
      %mul3A_344 = arith.muli %arg0, %mul3A_343 : i32
      %add3A_345 = vector.broadcast %mul3A_344 : i32 to vector<256x1xi32>
      %add3A_346 = arith.addi %select_n3A_339, %add3A_345 : vector<256x1xi32>
      %swap3A_347 = arith.constant 0 : index
      %swap3A_348 = arith.constant 0 : index
      %swap3A_349 = arith.constant 10 : index
      %swap3A_350 = vector.load %arg6[%swap3A_347, %swap3A_348, %swap3A_349] : memref<1x256x16xi32, #tpu.memory_space<vmem>>, vector<1x256x1xi32>
      %swap3A_351 = vector.shape_cast %swap3A_350 : vector<1x256x1xi32> to vector<256x1xi32>
      %swap3A_352 = vector.shape_cast %add3A_346 : vector<256x1xi32> to vector<1x256x1xi32>
      tpu.vector_store %arg6[%swap3A_347, %swap3A_348, %swap3A_349], %swap3A_352 {strides = array<i32>} : memref<1x256x16xi32, #tpu.memory_space<vmem>>, vector<1x256x1xi32>,
      %concatenate3A_353 = tpu.concatenate %select_n3A_340, %select_n3A_341, %select_n3A_342, %broadcast_in_dim3A_115 in 1 : vector<256x1xf32>, vector<256x1xf32>, vector<256x1xf32>, vector<256x5xf32> -> vector<256x8xf32>
      %swap3A_354 = arith.constant 0 : index
      %swap3A_355 = arith.constant 0 : index
      %swap3A_356 = arith.constant 10 : index
      %swap3A_357 = arith.constant 0 : index
      %swap3A_358 = vector.load %arg7[%swap3A_354, %swap3A_355, %swap3A_356, %swap3A_357] : memref<1x256x16x8xf32, #tpu.memory_space<vmem>>, vector<1x256x1x8xf32>
      %swap3A_359 = vector.shape_cast %swap3A_358 : vector<1x256x1x8xf32> to vector<256x8xf32>
      %swap3A_360 = vector.shape_cast %concatenate3A_353 : vector<256x8xf32> to vector<1x256x1x8xf32>
      tpu.vector_store %arg7[%swap3A_354, %swap3A_355, %swap3A_356, %swap3A_357], %swap3A_360 {strides = array<i32>} : memref<1x256x16x8xf32, #tpu.memory_space<vmem>>, vector<1x256x1x8xf32>,
    } else {
    }
    %le3A_253 = arith.constant 10 : i32
    %le3A_254 = arith.cmpi sle, %reduce_max3A_119, %le3A_253 : i32
    %convert_element_type3A_255 = arith.extui %le3A_254 : i1 to i32
    %cond3A_256 = arith.constant 0 : i32
    %cond3A_257 = arith.cmpi ne, %convert_element_type3A_255, %cond3A_256 : i32
    scf.if %cond3A_257 {
      %mul3A_308 = arith.constant 1024 : i32
      %mul3A_309 = arith.muli %arg0, %mul3A_308 : i32
      %add3A_310 = vector.broadcast %mul3A_309 : i32 to vector<256x1xi32>
      %add3A_311 = arith.addi %broadcast_in_dim3A_125, %add3A_310 : vector<256x1xi32>
      %swap3A_312 = arith.constant 0 : index
      %swap3A_313 = arith.constant 0 : index
      %swap3A_314 = arith.constant 10 : index
      %swap3A_315 = vector.load %arg6[%swap3A_312, %swap3A_313, %swap3A_314] : memref<1x256x16xi32, #tpu.memory_space<vmem>>, vector<1x256x1xi32>
      %swap3A_316 = vector.shape_cast %swap3A_315 : vector<1x256x1xi32> to vector<256x1xi32>
      %swap3A_317 = vector.shape_cast %add3A_311 : vector<256x1xi32> to vector<1x256x1xi32>
      tpu.vector_store %arg6[%swap3A_312, %swap3A_313, %swap3A_314], %swap3A_317 {strides = array<i32>} : memref<1x256x16xi32, #tpu.memory_space<vmem>>, vector<1x256x1xi32>,
      %swap3A_318 = arith.constant 0 : index
      %swap3A_319 = arith.constant 0 : index
      %swap3A_320 = arith.constant 10 : index
      %swap3A_321 = arith.constant 0 : index
      %swap3A_322 = vector.load %arg7[%swap3A_318, %swap3A_319, %swap3A_320, %swap3A_321] : memref<1x256x16x8xf32, #tpu.memory_space<vmem>>, vector<1x256x1x8xf32>
      %swap3A_323 = vector.shape_cast %swap3A_322 : vector<1x256x1x8xf32> to vector<256x8xf32>
      %swap3A_324 = vector.shape_cast %concatenate3A : vector<256x8xf32> to vector<1x256x1x8xf32>
      tpu.vector_store %arg7[%swap3A_318, %swap3A_319, %swap3A_320, %swap3A_321], %swap3A_324 {strides = array<i32>} : memref<1x256x16x8xf32, #tpu.memory_space<vmem>>, vector<1x256x1x8xf32>,
    } else {
    }
    %gt3A_258 = arith.constant 11 : i32
    %gt3A_259 = arith.cmpi sgt, %reduce_max3A_119, %gt3A_258 : i32
    %convert_element_type3A_260 = arith.extui %gt3A_259 : i1 to i32
    %cond3A_261 = arith.constant 0 : i32
    %cond3A_262 = arith.cmpi ne, %convert_element_type3A_260, %cond3A_261 : i32
    scf.if %cond3A_262 {
      %eq3A_308 = arith.constant 12 : i32
      %eq3A_309 = vector.broadcast %eq3A_308 : i32 to vector<256x1024xi32>
      %eq3A_310 = arith.cmpi eq, %convert_element_type3A_112, %eq3A_309 : vector<256x1024xi32>
      %and3A_311 = arith.andi %and3A_104, %eq3A_310 : vector<256x1024xi1>
      %jit3A_312 = arith.constant 0 : i32
      %broadcast_in_dim3A_313 = vector.broadcast %jit3A_312 : i32 to vector<256x1024xi32>
      %select_n3A_314 = arith.select %and3A_311, %iota3A, %broadcast_in_dim3A_313 : vector<256x1024xi1>, vector<256x1024xi32>
      %reduce_sum3A_315 = arith.constant dense<0> : vector<256xi32>
      %reduce_sum3A_316 = vector.multi_reduction <add>, %select_n3A_314, %reduce_sum3A_315 [1] : vector<256x1024xi32> to vector<256xi32>
      %broadcast_in_dim3A_317 = vector.shape_cast %reduce_sum3A_316 : vector<256xi32> to vector<256x1xi32>
      %jit3A_318 = arith.constant 0.000000e+00 : f32
      %broadcast_in_dim3A_319 = vector.broadcast %jit3A_318 : f32 to vector<256x1024xf32>
      %select_n3A_320 = arith.select %and3A_311, %add3A_53, %broadcast_in_dim3A_319 : vector<256x1024xi1>, vector<256x1024xf32>
      %reduce_sum3A_321 = arith.constant dense<0.000000e+00> : vector<256xf32>
      %reduce_sum3A_322 = vector.multi_reduction <add>, %select_n3A_320, %reduce_sum3A_321 [1] : vector<256x1024xf32> to vector<256xf32>
      %broadcast_in_dim3A_323 = vector.shape_cast %reduce_sum3A_322 : vector<256xf32> to vector<256x1xf32>
      %jit3A_324 = arith.constant 0.000000e+00 : f32
      %broadcast_in_dim3A_325 = vector.broadcast %jit3A_324 : f32 to vector<256x1024xf32>
      %select_n3A_326 = arith.select %and3A_311, %add3A_73, %broadcast_in_dim3A_325 : vector<256x1024xi1>, vector<256x1024xf32>
      %reduce_sum3A_327 = arith.constant dense<0.000000e+00> : vector<256xf32>
      %reduce_sum3A_328 = vector.multi_reduction <add>, %select_n3A_326, %reduce_sum3A_327 [1] : vector<256x1024xf32> to vector<256xf32>
      %broadcast_in_dim3A_329 = vector.shape_cast %reduce_sum3A_328 : vector<256xf32> to vector<256x1xf32>
      %jit3A_330 = arith.constant 0.000000e+00 : f32
      %broadcast_in_dim3A_331 = vector.broadcast %jit3A_330 : f32 to vector<256x1024xf32>
      %select_n3A_332 = arith.select %and3A_311, %add3A_93, %broadcast_in_dim3A_331 : vector<256x1024xi1>, vector<256x1024xf32>
      %reduce_sum3A_333 = arith.constant dense<0.000000e+00> : vector<256xf32>
      %reduce_sum3A_334 = vector.multi_reduction <add>, %select_n3A_332, %reduce_sum3A_333 [1] : vector<256x1024xf32> to vector<256xf32>
      %broadcast_in_dim3A_335 = vector.shape_cast %reduce_sum3A_334 : vector<256xf32> to vector<256x1xf32>
      %gt3A_336 = arith.constant 11 : i32
      %gt3A_337 = vector.broadcast %gt3A_336 : i32 to vector<256x1xi32>
      %gt3A_338 = arith.cmpi sgt, %slice3A_113, %gt3A_337 : vector<256x1xi32>
      %select_n3A_339 = arith.select %gt3A_338, %broadcast_in_dim3A_317, %broadcast_in_dim3A_125 : vector<256x1xi1>, vector<256x1xi32>
      %select_n3A_340 = arith.select %gt3A_338, %broadcast_in_dim3A_323, %broadcast_in_dim3A_131 : vector<256x1xi1>, vector<256x1xf32>
      %select_n3A_341 = arith.select %gt3A_338, %broadcast_in_dim3A_329, %broadcast_in_dim3A_137 : vector<256x1xi1>, vector<256x1xf32>
      %select_n3A_342 = arith.select %gt3A_338, %broadcast_in_dim3A_335, %broadcast_in_dim3A_143 : vector<256x1xi1>, vector<256x1xf32>
      %mul3A_343 = arith.constant 1024 : i32
      %mul3A_344 = arith.muli %arg0, %mul3A_343 : i32
      %add3A_345 = vector.broadcast %mul3A_344 : i32 to vector<256x1xi32>
      %add3A_346 = arith.addi %select_n3A_339, %add3A_345 : vector<256x1xi32>
      %swap3A_347 = arith.constant 0 : index
      %swap3A_348 = arith.constant 0 : index
      %swap3A_349 = arith.constant 11 : index
      %swap3A_350 = vector.load %arg6[%swap3A_347, %swap3A_348, %swap3A_349] : memref<1x256x16xi32, #tpu.memory_space<vmem>>, vector<1x256x1xi32>
      %swap3A_351 = vector.shape_cast %swap3A_350 : vector<1x256x1xi32> to vector<256x1xi32>
      %swap3A_352 = vector.shape_cast %add3A_346 : vector<256x1xi32> to vector<1x256x1xi32>
      tpu.vector_store %arg6[%swap3A_347, %swap3A_348, %swap3A_349], %swap3A_352 {strides = array<i32>} : memref<1x256x16xi32, #tpu.memory_space<vmem>>, vector<1x256x1xi32>,
      %concatenate3A_353 = tpu.concatenate %select_n3A_340, %select_n3A_341, %select_n3A_342, %broadcast_in_dim3A_115 in 1 : vector<256x1xf32>, vector<256x1xf32>, vector<256x1xf32>, vector<256x5xf32> -> vector<256x8xf32>
      %swap3A_354 = arith.constant 0 : index
      %swap3A_355 = arith.constant 0 : index
      %swap3A_356 = arith.constant 11 : index
      %swap3A_357 = arith.constant 0 : index
      %swap3A_358 = vector.load %arg7[%swap3A_354, %swap3A_355, %swap3A_356, %swap3A_357] : memref<1x256x16x8xf32, #tpu.memory_space<vmem>>, vector<1x256x1x8xf32>
      %swap3A_359 = vector.shape_cast %swap3A_358 : vector<1x256x1x8xf32> to vector<256x8xf32>
      %swap3A_360 = vector.shape_cast %concatenate3A_353 : vector<256x8xf32> to vector<1x256x1x8xf32>
      tpu.vector_store %arg7[%swap3A_354, %swap3A_355, %swap3A_356, %swap3A_357], %swap3A_360 {strides = array<i32>} : memref<1x256x16x8xf32, #tpu.memory_space<vmem>>, vector<1x256x1x8xf32>,
    } else {
    }
    %le3A_263 = arith.constant 11 : i32
    %le3A_264 = arith.cmpi sle, %reduce_max3A_119, %le3A_263 : i32
    %convert_element_type3A_265 = arith.extui %le3A_264 : i1 to i32
    %cond3A_266 = arith.constant 0 : i32
    %cond3A_267 = arith.cmpi ne, %convert_element_type3A_265, %cond3A_266 : i32
    scf.if %cond3A_267 {
      %mul3A_308 = arith.constant 1024 : i32
      %mul3A_309 = arith.muli %arg0, %mul3A_308 : i32
      %add3A_310 = vector.broadcast %mul3A_309 : i32 to vector<256x1xi32>
      %add3A_311 = arith.addi %broadcast_in_dim3A_125, %add3A_310 : vector<256x1xi32>
      %swap3A_312 = arith.constant 0 : index
      %swap3A_313 = arith.constant 0 : index
      %swap3A_314 = arith.constant 11 : index
      %swap3A_315 = vector.load %arg6[%swap3A_312, %swap3A_313, %swap3A_314] : memref<1x256x16xi32, #tpu.memory_space<vmem>>, vector<1x256x1xi32>
      %swap3A_316 = vector.shape_cast %swap3A_315 : vector<1x256x1xi32> to vector<256x1xi32>
      %swap3A_317 = vector.shape_cast %add3A_311 : vector<256x1xi32> to vector<1x256x1xi32>
      tpu.vector_store %arg6[%swap3A_312, %swap3A_313, %swap3A_314], %swap3A_317 {strides = array<i32>} : memref<1x256x16xi32, #tpu.memory_space<vmem>>, vector<1x256x1xi32>,
      %swap3A_318 = arith.constant 0 : index
      %swap3A_319 = arith.constant 0 : index
      %swap3A_320 = arith.constant 11 : index
      %swap3A_321 = arith.constant 0 : index
      %swap3A_322 = vector.load %arg7[%swap3A_318, %swap3A_319, %swap3A_320, %swap3A_321] : memref<1x256x16x8xf32, #tpu.memory_space<vmem>>, vector<1x256x1x8xf32>
      %swap3A_323 = vector.shape_cast %swap3A_322 : vector<1x256x1x8xf32> to vector<256x8xf32>
      %swap3A_324 = vector.shape_cast %concatenate3A : vector<256x8xf32> to vector<1x256x1x8xf32>
      tpu.vector_store %arg7[%swap3A_318, %swap3A_319, %swap3A_320, %swap3A_321], %swap3A_324 {strides = array<i32>} : memref<1x256x16x8xf32, #tpu.memory_space<vmem>>, vector<1x256x1x8xf32>,
    } else {
    }
    %gt3A_268 = arith.constant 12 : i32
    %gt3A_269 = arith.cmpi sgt, %reduce_max3A_119, %gt3A_268 : i32
    %convert_element_type3A_270 = arith.extui %gt3A_269 : i1 to i32
    %cond3A_271 = arith.constant 0 : i32
    %cond3A_272 = arith.cmpi ne, %convert_element_type3A_270, %cond3A_271 : i32
    scf.if %cond3A_272 {
      %eq3A_308 = arith.constant 13 : i32
      %eq3A_309 = vector.broadcast %eq3A_308 : i32 to vector<256x1024xi32>
      %eq3A_310 = arith.cmpi eq, %convert_element_type3A_112, %eq3A_309 : vector<256x1024xi32>
      %and3A_311 = arith.andi %and3A_104, %eq3A_310 : vector<256x1024xi1>
      %jit3A_312 = arith.constant 0 : i32
      %broadcast_in_dim3A_313 = vector.broadcast %jit3A_312 : i32 to vector<256x1024xi32>
      %select_n3A_314 = arith.select %and3A_311, %iota3A, %broadcast_in_dim3A_313 : vector<256x1024xi1>, vector<256x1024xi32>
      %reduce_sum3A_315 = arith.constant dense<0> : vector<256xi32>
      %reduce_sum3A_316 = vector.multi_reduction <add>, %select_n3A_314, %reduce_sum3A_315 [1] : vector<256x1024xi32> to vector<256xi32>
      %broadcast_in_dim3A_317 = vector.shape_cast %reduce_sum3A_316 : vector<256xi32> to vector<256x1xi32>
      %jit3A_318 = arith.constant 0.000000e+00 : f32
      %broadcast_in_dim3A_319 = vector.broadcast %jit3A_318 : f32 to vector<256x1024xf32>
      %select_n3A_320 = arith.select %and3A_311, %add3A_53, %broadcast_in_dim3A_319 : vector<256x1024xi1>, vector<256x1024xf32>
      %reduce_sum3A_321 = arith.constant dense<0.000000e+00> : vector<256xf32>
      %reduce_sum3A_322 = vector.multi_reduction <add>, %select_n3A_320, %reduce_sum3A_321 [1] : vector<256x1024xf32> to vector<256xf32>
      %broadcast_in_dim3A_323 = vector.shape_cast %reduce_sum3A_322 : vector<256xf32> to vector<256x1xf32>
      %jit3A_324 = arith.constant 0.000000e+00 : f32
      %broadcast_in_dim3A_325 = vector.broadcast %jit3A_324 : f32 to vector<256x1024xf32>
      %select_n3A_326 = arith.select %and3A_311, %add3A_73, %broadcast_in_dim3A_325 : vector<256x1024xi1>, vector<256x1024xf32>
      %reduce_sum3A_327 = arith.constant dense<0.000000e+00> : vector<256xf32>
      %reduce_sum3A_328 = vector.multi_reduction <add>, %select_n3A_326, %reduce_sum3A_327 [1] : vector<256x1024xf32> to vector<256xf32>
      %broadcast_in_dim3A_329 = vector.shape_cast %reduce_sum3A_328 : vector<256xf32> to vector<256x1xf32>
      %jit3A_330 = arith.constant 0.000000e+00 : f32
      %broadcast_in_dim3A_331 = vector.broadcast %jit3A_330 : f32 to vector<256x1024xf32>
      %select_n3A_332 = arith.select %and3A_311, %add3A_93, %broadcast_in_dim3A_331 : vector<256x1024xi1>, vector<256x1024xf32>
      %reduce_sum3A_333 = arith.constant dense<0.000000e+00> : vector<256xf32>
      %reduce_sum3A_334 = vector.multi_reduction <add>, %select_n3A_332, %reduce_sum3A_333 [1] : vector<256x1024xf32> to vector<256xf32>
      %broadcast_in_dim3A_335 = vector.shape_cast %reduce_sum3A_334 : vector<256xf32> to vector<256x1xf32>
      %gt3A_336 = arith.constant 12 : i32
      %gt3A_337 = vector.broadcast %gt3A_336 : i32 to vector<256x1xi32>
      %gt3A_338 = arith.cmpi sgt, %slice3A_113, %gt3A_337 : vector<256x1xi32>
      %select_n3A_339 = arith.select %gt3A_338, %broadcast_in_dim3A_317, %broadcast_in_dim3A_125 : vector<256x1xi1>, vector<256x1xi32>
      %select_n3A_340 = arith.select %gt3A_338, %broadcast_in_dim3A_323, %broadcast_in_dim3A_131 : vector<256x1xi1>, vector<256x1xf32>
      %select_n3A_341 = arith.select %gt3A_338, %broadcast_in_dim3A_329, %broadcast_in_dim3A_137 : vector<256x1xi1>, vector<256x1xf32>
      %select_n3A_342 = arith.select %gt3A_338, %broadcast_in_dim3A_335, %broadcast_in_dim3A_143 : vector<256x1xi1>, vector<256x1xf32>
      %mul3A_343 = arith.constant 1024 : i32
      %mul3A_344 = arith.muli %arg0, %mul3A_343 : i32
      %add3A_345 = vector.broadcast %mul3A_344 : i32 to vector<256x1xi32>
      %add3A_346 = arith.addi %select_n3A_339, %add3A_345 : vector<256x1xi32>
      %swap3A_347 = arith.constant 0 : index
      %swap3A_348 = arith.constant 0 : index
      %swap3A_349 = arith.constant 12 : index
      %swap3A_350 = vector.load %arg6[%swap3A_347, %swap3A_348, %swap3A_349] : memref<1x256x16xi32, #tpu.memory_space<vmem>>, vector<1x256x1xi32>
      %swap3A_351 = vector.shape_cast %swap3A_350 : vector<1x256x1xi32> to vector<256x1xi32>
      %swap3A_352 = vector.shape_cast %add3A_346 : vector<256x1xi32> to vector<1x256x1xi32>
      tpu.vector_store %arg6[%swap3A_347, %swap3A_348, %swap3A_349], %swap3A_352 {strides = array<i32>} : memref<1x256x16xi32, #tpu.memory_space<vmem>>, vector<1x256x1xi32>,
      %concatenate3A_353 = tpu.concatenate %select_n3A_340, %select_n3A_341, %select_n3A_342, %broadcast_in_dim3A_115 in 1 : vector<256x1xf32>, vector<256x1xf32>, vector<256x1xf32>, vector<256x5xf32> -> vector<256x8xf32>
      %swap3A_354 = arith.constant 0 : index
      %swap3A_355 = arith.constant 0 : index
      %swap3A_356 = arith.constant 12 : index
      %swap3A_357 = arith.constant 0 : index
      %swap3A_358 = vector.load %arg7[%swap3A_354, %swap3A_355, %swap3A_356, %swap3A_357] : memref<1x256x16x8xf32, #tpu.memory_space<vmem>>, vector<1x256x1x8xf32>
      %swap3A_359 = vector.shape_cast %swap3A_358 : vector<1x256x1x8xf32> to vector<256x8xf32>
      %swap3A_360 = vector.shape_cast %concatenate3A_353 : vector<256x8xf32> to vector<1x256x1x8xf32>
      tpu.vector_store %arg7[%swap3A_354, %swap3A_355, %swap3A_356, %swap3A_357], %swap3A_360 {strides = array<i32>} : memref<1x256x16x8xf32, #tpu.memory_space<vmem>>, vector<1x256x1x8xf32>,
    } else {
    }
    %le3A_273 = arith.constant 12 : i32
    %le3A_274 = arith.cmpi sle, %reduce_max3A_119, %le3A_273 : i32
    %convert_element_type3A_275 = arith.extui %le3A_274 : i1 to i32
    %cond3A_276 = arith.constant 0 : i32
    %cond3A_277 = arith.cmpi ne, %convert_element_type3A_275, %cond3A_276 : i32
    scf.if %cond3A_277 {
      %mul3A_308 = arith.constant 1024 : i32
      %mul3A_309 = arith.muli %arg0, %mul3A_308 : i32
      %add3A_310 = vector.broadcast %mul3A_309 : i32 to vector<256x1xi32>
      %add3A_311 = arith.addi %broadcast_in_dim3A_125, %add3A_310 : vector<256x1xi32>
      %swap3A_312 = arith.constant 0 : index
      %swap3A_313 = arith.constant 0 : index
      %swap3A_314 = arith.constant 12 : index
      %swap3A_315 = vector.load %arg6[%swap3A_312, %swap3A_313, %swap3A_314] : memref<1x256x16xi32, #tpu.memory_space<vmem>>, vector<1x256x1xi32>
      %swap3A_316 = vector.shape_cast %swap3A_315 : vector<1x256x1xi32> to vector<256x1xi32>
      %swap3A_317 = vector.shape_cast %add3A_311 : vector<256x1xi32> to vector<1x256x1xi32>
      tpu.vector_store %arg6[%swap3A_312, %swap3A_313, %swap3A_314], %swap3A_317 {strides = array<i32>} : memref<1x256x16xi32, #tpu.memory_space<vmem>>, vector<1x256x1xi32>,
      %swap3A_318 = arith.constant 0 : index
      %swap3A_319 = arith.constant 0 : index
      %swap3A_320 = arith.constant 12 : index
      %swap3A_321 = arith.constant 0 : index
      %swap3A_322 = vector.load %arg7[%swap3A_318, %swap3A_319, %swap3A_320, %swap3A_321] : memref<1x256x16x8xf32, #tpu.memory_space<vmem>>, vector<1x256x1x8xf32>
      %swap3A_323 = vector.shape_cast %swap3A_322 : vector<1x256x1x8xf32> to vector<256x8xf32>
      %swap3A_324 = vector.shape_cast %concatenate3A : vector<256x8xf32> to vector<1x256x1x8xf32>
      tpu.vector_store %arg7[%swap3A_318, %swap3A_319, %swap3A_320, %swap3A_321], %swap3A_324 {strides = array<i32>} : memref<1x256x16x8xf32, #tpu.memory_space<vmem>>, vector<1x256x1x8xf32>,
    } else {
    }
    %gt3A_278 = arith.constant 13 : i32
    %gt3A_279 = arith.cmpi sgt, %reduce_max3A_119, %gt3A_278 : i32
    %convert_element_type3A_280 = arith.extui %gt3A_279 : i1 to i32
    %cond3A_281 = arith.constant 0 : i32
    %cond3A_282 = arith.cmpi ne, %convert_element_type3A_280, %cond3A_281 : i32
    scf.if %cond3A_282 {
      %eq3A_308 = arith.constant 14 : i32
      %eq3A_309 = vector.broadcast %eq3A_308 : i32 to vector<256x1024xi32>
      %eq3A_310 = arith.cmpi eq, %convert_element_type3A_112, %eq3A_309 : vector<256x1024xi32>
      %and3A_311 = arith.andi %and3A_104, %eq3A_310 : vector<256x1024xi1>
      %jit3A_312 = arith.constant 0 : i32
      %broadcast_in_dim3A_313 = vector.broadcast %jit3A_312 : i32 to vector<256x1024xi32>
      %select_n3A_314 = arith.select %and3A_311, %iota3A, %broadcast_in_dim3A_313 : vector<256x1024xi1>, vector<256x1024xi32>
      %reduce_sum3A_315 = arith.constant dense<0> : vector<256xi32>
      %reduce_sum3A_316 = vector.multi_reduction <add>, %select_n3A_314, %reduce_sum3A_315 [1] : vector<256x1024xi32> to vector<256xi32>
      %broadcast_in_dim3A_317 = vector.shape_cast %reduce_sum3A_316 : vector<256xi32> to vector<256x1xi32>
      %jit3A_318 = arith.constant 0.000000e+00 : f32
      %broadcast_in_dim3A_319 = vector.broadcast %jit3A_318 : f32 to vector<256x1024xf32>
      %select_n3A_320 = arith.select %and3A_311, %add3A_53, %broadcast_in_dim3A_319 : vector<256x1024xi1>, vector<256x1024xf32>
      %reduce_sum3A_321 = arith.constant dense<0.000000e+00> : vector<256xf32>
      %reduce_sum3A_322 = vector.multi_reduction <add>, %select_n3A_320, %reduce_sum3A_321 [1] : vector<256x1024xf32> to vector<256xf32>
      %broadcast_in_dim3A_323 = vector.shape_cast %reduce_sum3A_322 : vector<256xf32> to vector<256x1xf32>
      %jit3A_324 = arith.constant 0.000000e+00 : f32
      %broadcast_in_dim3A_325 = vector.broadcast %jit3A_324 : f32 to vector<256x1024xf32>
      %select_n3A_326 = arith.select %and3A_311, %add3A_73, %broadcast_in_dim3A_325 : vector<256x1024xi1>, vector<256x1024xf32>
      %reduce_sum3A_327 = arith.constant dense<0.000000e+00> : vector<256xf32>
      %reduce_sum3A_328 = vector.multi_reduction <add>, %select_n3A_326, %reduce_sum3A_327 [1] : vector<256x1024xf32> to vector<256xf32>
      %broadcast_in_dim3A_329 = vector.shape_cast %reduce_sum3A_328 : vector<256xf32> to vector<256x1xf32>
      %jit3A_330 = arith.constant 0.000000e+00 : f32
      %broadcast_in_dim3A_331 = vector.broadcast %jit3A_330 : f32 to vector<256x1024xf32>
      %select_n3A_332 = arith.select %and3A_311, %add3A_93, %broadcast_in_dim3A_331 : vector<256x1024xi1>, vector<256x1024xf32>
      %reduce_sum3A_333 = arith.constant dense<0.000000e+00> : vector<256xf32>
      %reduce_sum3A_334 = vector.multi_reduction <add>, %select_n3A_332, %reduce_sum3A_333 [1] : vector<256x1024xf32> to vector<256xf32>
      %broadcast_in_dim3A_335 = vector.shape_cast %reduce_sum3A_334 : vector<256xf32> to vector<256x1xf32>
      %gt3A_336 = arith.constant 13 : i32
      %gt3A_337 = vector.broadcast %gt3A_336 : i32 to vector<256x1xi32>
      %gt3A_338 = arith.cmpi sgt, %slice3A_113, %gt3A_337 : vector<256x1xi32>
      %select_n3A_339 = arith.select %gt3A_338, %broadcast_in_dim3A_317, %broadcast_in_dim3A_125 : vector<256x1xi1>, vector<256x1xi32>
      %select_n3A_340 = arith.select %gt3A_338, %broadcast_in_dim3A_323, %broadcast_in_dim3A_131 : vector<256x1xi1>, vector<256x1xf32>
      %select_n3A_341 = arith.select %gt3A_338, %broadcast_in_dim3A_329, %broadcast_in_dim3A_137 : vector<256x1xi1>, vector<256x1xf32>
      %select_n3A_342 = arith.select %gt3A_338, %broadcast_in_dim3A_335, %broadcast_in_dim3A_143 : vector<256x1xi1>, vector<256x1xf32>
      %mul3A_343 = arith.constant 1024 : i32
      %mul3A_344 = arith.muli %arg0, %mul3A_343 : i32
      %add3A_345 = vector.broadcast %mul3A_344 : i32 to vector<256x1xi32>
      %add3A_346 = arith.addi %select_n3A_339, %add3A_345 : vector<256x1xi32>
      %swap3A_347 = arith.constant 0 : index
      %swap3A_348 = arith.constant 0 : index
      %swap3A_349 = arith.constant 13 : index
      %swap3A_350 = vector.load %arg6[%swap3A_347, %swap3A_348, %swap3A_349] : memref<1x256x16xi32, #tpu.memory_space<vmem>>, vector<1x256x1xi32>
      %swap3A_351 = vector.shape_cast %swap3A_350 : vector<1x256x1xi32> to vector<256x1xi32>
      %swap3A_352 = vector.shape_cast %add3A_346 : vector<256x1xi32> to vector<1x256x1xi32>
      tpu.vector_store %arg6[%swap3A_347, %swap3A_348, %swap3A_349], %swap3A_352 {strides = array<i32>} : memref<1x256x16xi32, #tpu.memory_space<vmem>>, vector<1x256x1xi32>,
      %concatenate3A_353 = tpu.concatenate %select_n3A_340, %select_n3A_341, %select_n3A_342, %broadcast_in_dim3A_115 in 1 : vector<256x1xf32>, vector<256x1xf32>, vector<256x1xf32>, vector<256x5xf32> -> vector<256x8xf32>
      %swap3A_354 = arith.constant 0 : index
      %swap3A_355 = arith.constant 0 : index
      %swap3A_356 = arith.constant 13 : index
      %swap3A_357 = arith.constant 0 : index
      %swap3A_358 = vector.load %arg7[%swap3A_354, %swap3A_355, %swap3A_356, %swap3A_357] : memref<1x256x16x8xf32, #tpu.memory_space<vmem>>, vector<1x256x1x8xf32>
      %swap3A_359 = vector.shape_cast %swap3A_358 : vector<1x256x1x8xf32> to vector<256x8xf32>
      %swap3A_360 = vector.shape_cast %concatenate3A_353 : vector<256x8xf32> to vector<1x256x1x8xf32>
      tpu.vector_store %arg7[%swap3A_354, %swap3A_355, %swap3A_356, %swap3A_357], %swap3A_360 {strides = array<i32>} : memref<1x256x16x8xf32, #tpu.memory_space<vmem>>, vector<1x256x1x8xf32>,
    } else {
    }
    %le3A_283 = arith.constant 13 : i32
    %le3A_284 = arith.cmpi sle, %reduce_max3A_119, %le3A_283 : i32
    %convert_element_type3A_285 = arith.extui %le3A_284 : i1 to i32
    %cond3A_286 = arith.constant 0 : i32
    %cond3A_287 = arith.cmpi ne, %convert_element_type3A_285, %cond3A_286 : i32
    scf.if %cond3A_287 {
      %mul3A_308 = arith.constant 1024 : i32
      %mul3A_309 = arith.muli %arg0, %mul3A_308 : i32
      %add3A_310 = vector.broadcast %mul3A_309 : i32 to vector<256x1xi32>
      %add3A_311 = arith.addi %broadcast_in_dim3A_125, %add3A_310 : vector<256x1xi32>
      %swap3A_312 = arith.constant 0 : index
      %swap3A_313 = arith.constant 0 : index
      %swap3A_314 = arith.constant 13 : index
      %swap3A_315 = vector.load %arg6[%swap3A_312, %swap3A_313, %swap3A_314] : memref<1x256x16xi32, #tpu.memory_space<vmem>>, vector<1x256x1xi32>
      %swap3A_316 = vector.shape_cast %swap3A_315 : vector<1x256x1xi32> to vector<256x1xi32>
      %swap3A_317 = vector.shape_cast %add3A_311 : vector<256x1xi32> to vector<1x256x1xi32>
      tpu.vector_store %arg6[%swap3A_312, %swap3A_313, %swap3A_314], %swap3A_317 {strides = array<i32>} : memref<1x256x16xi32, #tpu.memory_space<vmem>>, vector<1x256x1xi32>,
      %swap3A_318 = arith.constant 0 : index
      %swap3A_319 = arith.constant 0 : index
      %swap3A_320 = arith.constant 13 : index
      %swap3A_321 = arith.constant 0 : index
      %swap3A_322 = vector.load %arg7[%swap3A_318, %swap3A_319, %swap3A_320, %swap3A_321] : memref<1x256x16x8xf32, #tpu.memory_space<vmem>>, vector<1x256x1x8xf32>
      %swap3A_323 = vector.shape_cast %swap3A_322 : vector<1x256x1x8xf32> to vector<256x8xf32>
      %swap3A_324 = vector.shape_cast %concatenate3A : vector<256x8xf32> to vector<1x256x1x8xf32>
      tpu.vector_store %arg7[%swap3A_318, %swap3A_319, %swap3A_320, %swap3A_321], %swap3A_324 {strides = array<i32>} : memref<1x256x16x8xf32, #tpu.memory_space<vmem>>, vector<1x256x1x8xf32>,
    } else {
    }
    %gt3A_288 = arith.constant 14 : i32
    %gt3A_289 = arith.cmpi sgt, %reduce_max3A_119, %gt3A_288 : i32
    %convert_element_type3A_290 = arith.extui %gt3A_289 : i1 to i32
    %cond3A_291 = arith.constant 0 : i32
    %cond3A_292 = arith.cmpi ne, %convert_element_type3A_290, %cond3A_291 : i32
    scf.if %cond3A_292 {
      %eq3A_308 = arith.constant 15 : i32
      %eq3A_309 = vector.broadcast %eq3A_308 : i32 to vector<256x1024xi32>
      %eq3A_310 = arith.cmpi eq, %convert_element_type3A_112, %eq3A_309 : vector<256x1024xi32>
      %and3A_311 = arith.andi %and3A_104, %eq3A_310 : vector<256x1024xi1>
      %jit3A_312 = arith.constant 0 : i32
      %broadcast_in_dim3A_313 = vector.broadcast %jit3A_312 : i32 to vector<256x1024xi32>
      %select_n3A_314 = arith.select %and3A_311, %iota3A, %broadcast_in_dim3A_313 : vector<256x1024xi1>, vector<256x1024xi32>
      %reduce_sum3A_315 = arith.constant dense<0> : vector<256xi32>
      %reduce_sum3A_316 = vector.multi_reduction <add>, %select_n3A_314, %reduce_sum3A_315 [1] : vector<256x1024xi32> to vector<256xi32>
      %broadcast_in_dim3A_317 = vector.shape_cast %reduce_sum3A_316 : vector<256xi32> to vector<256x1xi32>
      %jit3A_318 = arith.constant 0.000000e+00 : f32
      %broadcast_in_dim3A_319 = vector.broadcast %jit3A_318 : f32 to vector<256x1024xf32>
      %select_n3A_320 = arith.select %and3A_311, %add3A_53, %broadcast_in_dim3A_319 : vector<256x1024xi1>, vector<256x1024xf32>
      %reduce_sum3A_321 = arith.constant dense<0.000000e+00> : vector<256xf32>
      %reduce_sum3A_322 = vector.multi_reduction <add>, %select_n3A_320, %reduce_sum3A_321 [1] : vector<256x1024xf32> to vector<256xf32>
      %broadcast_in_dim3A_323 = vector.shape_cast %reduce_sum3A_322 : vector<256xf32> to vector<256x1xf32>
      %jit3A_324 = arith.constant 0.000000e+00 : f32
      %broadcast_in_dim3A_325 = vector.broadcast %jit3A_324 : f32 to vector<256x1024xf32>
      %select_n3A_326 = arith.select %and3A_311, %add3A_73, %broadcast_in_dim3A_325 : vector<256x1024xi1>, vector<256x1024xf32>
      %reduce_sum3A_327 = arith.constant dense<0.000000e+00> : vector<256xf32>
      %reduce_sum3A_328 = vector.multi_reduction <add>, %select_n3A_326, %reduce_sum3A_327 [1] : vector<256x1024xf32> to vector<256xf32>
      %broadcast_in_dim3A_329 = vector.shape_cast %reduce_sum3A_328 : vector<256xf32> to vector<256x1xf32>
      %jit3A_330 = arith.constant 0.000000e+00 : f32
      %broadcast_in_dim3A_331 = vector.broadcast %jit3A_330 : f32 to vector<256x1024xf32>
      %select_n3A_332 = arith.select %and3A_311, %add3A_93, %broadcast_in_dim3A_331 : vector<256x1024xi1>, vector<256x1024xf32>
      %reduce_sum3A_333 = arith.constant dense<0.000000e+00> : vector<256xf32>
      %reduce_sum3A_334 = vector.multi_reduction <add>, %select_n3A_332, %reduce_sum3A_333 [1] : vector<256x1024xf32> to vector<256xf32>
      %broadcast_in_dim3A_335 = vector.shape_cast %reduce_sum3A_334 : vector<256xf32> to vector<256x1xf32>
      %gt3A_336 = arith.constant 14 : i32
      %gt3A_337 = vector.broadcast %gt3A_336 : i32 to vector<256x1xi32>
      %gt3A_338 = arith.cmpi sgt, %slice3A_113, %gt3A_337 : vector<256x1xi32>
      %select_n3A_339 = arith.select %gt3A_338, %broadcast_in_dim3A_317, %broadcast_in_dim3A_125 : vector<256x1xi1>, vector<256x1xi32>
      %select_n3A_340 = arith.select %gt3A_338, %broadcast_in_dim3A_323, %broadcast_in_dim3A_131 : vector<256x1xi1>, vector<256x1xf32>
      %select_n3A_341 = arith.select %gt3A_338, %broadcast_in_dim3A_329, %broadcast_in_dim3A_137 : vector<256x1xi1>, vector<256x1xf32>
      %select_n3A_342 = arith.select %gt3A_338, %broadcast_in_dim3A_335, %broadcast_in_dim3A_143 : vector<256x1xi1>, vector<256x1xf32>
      %mul3A_343 = arith.constant 1024 : i32
      %mul3A_344 = arith.muli %arg0, %mul3A_343 : i32
      %add3A_345 = vector.broadcast %mul3A_344 : i32 to vector<256x1xi32>
      %add3A_346 = arith.addi %select_n3A_339, %add3A_345 : vector<256x1xi32>
      %swap3A_347 = arith.constant 0 : index
      %swap3A_348 = arith.constant 0 : index
      %swap3A_349 = arith.constant 14 : index
      %swap3A_350 = vector.load %arg6[%swap3A_347, %swap3A_348, %swap3A_349] : memref<1x256x16xi32, #tpu.memory_space<vmem>>, vector<1x256x1xi32>
      %swap3A_351 = vector.shape_cast %swap3A_350 : vector<1x256x1xi32> to vector<256x1xi32>
      %swap3A_352 = vector.shape_cast %add3A_346 : vector<256x1xi32> to vector<1x256x1xi32>
      tpu.vector_store %arg6[%swap3A_347, %swap3A_348, %swap3A_349], %swap3A_352 {strides = array<i32>} : memref<1x256x16xi32, #tpu.memory_space<vmem>>, vector<1x256x1xi32>,
      %concatenate3A_353 = tpu.concatenate %select_n3A_340, %select_n3A_341, %select_n3A_342, %broadcast_in_dim3A_115 in 1 : vector<256x1xf32>, vector<256x1xf32>, vector<256x1xf32>, vector<256x5xf32> -> vector<256x8xf32>
      %swap3A_354 = arith.constant 0 : index
      %swap3A_355 = arith.constant 0 : index
      %swap3A_356 = arith.constant 14 : index
      %swap3A_357 = arith.constant 0 : index
      %swap3A_358 = vector.load %arg7[%swap3A_354, %swap3A_355, %swap3A_356, %swap3A_357] : memref<1x256x16x8xf32, #tpu.memory_space<vmem>>, vector<1x256x1x8xf32>
      %swap3A_359 = vector.shape_cast %swap3A_358 : vector<1x256x1x8xf32> to vector<256x8xf32>
      %swap3A_360 = vector.shape_cast %concatenate3A_353 : vector<256x8xf32> to vector<1x256x1x8xf32>
      tpu.vector_store %arg7[%swap3A_354, %swap3A_355, %swap3A_356, %swap3A_357], %swap3A_360 {strides = array<i32>} : memref<1x256x16x8xf32, #tpu.memory_space<vmem>>, vector<1x256x1x8xf32>,
    } else {
    }
    %le3A_293 = arith.constant 14 : i32
    %le3A_294 = arith.cmpi sle, %reduce_max3A_119, %le3A_293 : i32
    %convert_element_type3A_295 = arith.extui %le3A_294 : i1 to i32
    %cond3A_296 = arith.constant 0 : i32
    %cond3A_297 = arith.cmpi ne, %convert_element_type3A_295, %cond3A_296 : i32
    scf.if %cond3A_297 {
      %mul3A_308 = arith.constant 1024 : i32
      %mul3A_309 = arith.muli %arg0, %mul3A_308 : i32
      %add3A_310 = vector.broadcast %mul3A_309 : i32 to vector<256x1xi32>
      %add3A_311 = arith.addi %broadcast_in_dim3A_125, %add3A_310 : vector<256x1xi32>
      %swap3A_312 = arith.constant 0 : index
      %swap3A_313 = arith.constant 0 : index
      %swap3A_314 = arith.constant 14 : index
      %swap3A_315 = vector.load %arg6[%swap3A_312, %swap3A_313, %swap3A_314] : memref<1x256x16xi32, #tpu.memory_space<vmem>>, vector<1x256x1xi32>
      %swap3A_316 = vector.shape_cast %swap3A_315 : vector<1x256x1xi32> to vector<256x1xi32>
      %swap3A_317 = vector.shape_cast %add3A_311 : vector<256x1xi32> to vector<1x256x1xi32>
      tpu.vector_store %arg6[%swap3A_312, %swap3A_313, %swap3A_314], %swap3A_317 {strides = array<i32>} : memref<1x256x16xi32, #tpu.memory_space<vmem>>, vector<1x256x1xi32>,
      %swap3A_318 = arith.constant 0 : index
      %swap3A_319 = arith.constant 0 : index
      %swap3A_320 = arith.constant 14 : index
      %swap3A_321 = arith.constant 0 : index
      %swap3A_322 = vector.load %arg7[%swap3A_318, %swap3A_319, %swap3A_320, %swap3A_321] : memref<1x256x16x8xf32, #tpu.memory_space<vmem>>, vector<1x256x1x8xf32>
      %swap3A_323 = vector.shape_cast %swap3A_322 : vector<1x256x1x8xf32> to vector<256x8xf32>
      %swap3A_324 = vector.shape_cast %concatenate3A : vector<256x8xf32> to vector<1x256x1x8xf32>
      tpu.vector_store %arg7[%swap3A_318, %swap3A_319, %swap3A_320, %swap3A_321], %swap3A_324 {strides = array<i32>} : memref<1x256x16x8xf32, #tpu.memory_space<vmem>>, vector<1x256x1x8xf32>,
    } else {
    }
    %gt3A_298 = arith.constant 15 : i32
    %gt3A_299 = arith.cmpi sgt, %reduce_max3A_119, %gt3A_298 : i32
    %convert_element_type3A_300 = arith.extui %gt3A_299 : i1 to i32
    %cond3A_301 = arith.constant 0 : i32
    %cond3A_302 = arith.cmpi ne, %convert_element_type3A_300, %cond3A_301 : i32
    scf.if %cond3A_302 {
      %eq3A_308 = arith.constant 16 : i32
      %eq3A_309 = vector.broadcast %eq3A_308 : i32 to vector<256x1024xi32>
      %eq3A_310 = arith.cmpi eq, %convert_element_type3A_112, %eq3A_309 : vector<256x1024xi32>
      %and3A_311 = arith.andi %and3A_104, %eq3A_310 : vector<256x1024xi1>
      %jit3A_312 = arith.constant 0 : i32
      %broadcast_in_dim3A_313 = vector.broadcast %jit3A_312 : i32 to vector<256x1024xi32>
      %select_n3A_314 = arith.select %and3A_311, %iota3A, %broadcast_in_dim3A_313 : vector<256x1024xi1>, vector<256x1024xi32>
      %reduce_sum3A_315 = arith.constant dense<0> : vector<256xi32>
      %reduce_sum3A_316 = vector.multi_reduction <add>, %select_n3A_314, %reduce_sum3A_315 [1] : vector<256x1024xi32> to vector<256xi32>
      %broadcast_in_dim3A_317 = vector.shape_cast %reduce_sum3A_316 : vector<256xi32> to vector<256x1xi32>
      %jit3A_318 = arith.constant 0.000000e+00 : f32
      %broadcast_in_dim3A_319 = vector.broadcast %jit3A_318 : f32 to vector<256x1024xf32>
      %select_n3A_320 = arith.select %and3A_311, %add3A_53, %broadcast_in_dim3A_319 : vector<256x1024xi1>, vector<256x1024xf32>
      %reduce_sum3A_321 = arith.constant dense<0.000000e+00> : vector<256xf32>
      %reduce_sum3A_322 = vector.multi_reduction <add>, %select_n3A_320, %reduce_sum3A_321 [1] : vector<256x1024xf32> to vector<256xf32>
      %broadcast_in_dim3A_323 = vector.shape_cast %reduce_sum3A_322 : vector<256xf32> to vector<256x1xf32>
      %jit3A_324 = arith.constant 0.000000e+00 : f32
      %broadcast_in_dim3A_325 = vector.broadcast %jit3A_324 : f32 to vector<256x1024xf32>
      %select_n3A_326 = arith.select %and3A_311, %add3A_73, %broadcast_in_dim3A_325 : vector<256x1024xi1>, vector<256x1024xf32>
      %reduce_sum3A_327 = arith.constant dense<0.000000e+00> : vector<256xf32>
      %reduce_sum3A_328 = vector.multi_reduction <add>, %select_n3A_326, %reduce_sum3A_327 [1] : vector<256x1024xf32> to vector<256xf32>
      %broadcast_in_dim3A_329 = vector.shape_cast %reduce_sum3A_328 : vector<256xf32> to vector<256x1xf32>
      %jit3A_330 = arith.constant 0.000000e+00 : f32
      %broadcast_in_dim3A_331 = vector.broadcast %jit3A_330 : f32 to vector<256x1024xf32>
      %select_n3A_332 = arith.select %and3A_311, %add3A_93, %broadcast_in_dim3A_331 : vector<256x1024xi1>, vector<256x1024xf32>
      %reduce_sum3A_333 = arith.constant dense<0.000000e+00> : vector<256xf32>
      %reduce_sum3A_334 = vector.multi_reduction <add>, %select_n3A_332, %reduce_sum3A_333 [1] : vector<256x1024xf32> to vector<256xf32>
      %broadcast_in_dim3A_335 = vector.shape_cast %reduce_sum3A_334 : vector<256xf32> to vector<256x1xf32>
      %gt3A_336 = arith.constant 15 : i32
      %gt3A_337 = vector.broadcast %gt3A_336 : i32 to vector<256x1xi32>
      %gt3A_338 = arith.cmpi sgt, %slice3A_113, %gt3A_337 : vector<256x1xi32>
      %select_n3A_339 = arith.select %gt3A_338, %broadcast_in_dim3A_317, %broadcast_in_dim3A_125 : vector<256x1xi1>, vector<256x1xi32>
      %select_n3A_340 = arith.select %gt3A_338, %broadcast_in_dim3A_323, %broadcast_in_dim3A_131 : vector<256x1xi1>, vector<256x1xf32>
      %select_n3A_341 = arith.select %gt3A_338, %broadcast_in_dim3A_329, %broadcast_in_dim3A_137 : vector<256x1xi1>, vector<256x1xf32>
      %select_n3A_342 = arith.select %gt3A_338, %broadcast_in_dim3A_335, %broadcast_in_dim3A_143 : vector<256x1xi1>, vector<256x1xf32>
      %mul3A_343 = arith.constant 1024 : i32
      %mul3A_344 = arith.muli %arg0, %mul3A_343 : i32
      %add3A_345 = vector.broadcast %mul3A_344 : i32 to vector<256x1xi32>
      %add3A_346 = arith.addi %select_n3A_339, %add3A_345 : vector<256x1xi32>
      %swap3A_347 = arith.constant 0 : index
      %swap3A_348 = arith.constant 0 : index
      %swap3A_349 = arith.constant 15 : index
      %swap3A_350 = vector.load %arg6[%swap3A_347, %swap3A_348, %swap3A_349] : memref<1x256x16xi32, #tpu.memory_space<vmem>>, vector<1x256x1xi32>
      %swap3A_351 = vector.shape_cast %swap3A_350 : vector<1x256x1xi32> to vector<256x1xi32>
      %swap3A_352 = vector.shape_cast %add3A_346 : vector<256x1xi32> to vector<1x256x1xi32>
      tpu.vector_store %arg6[%swap3A_347, %swap3A_348, %swap3A_349], %swap3A_352 {strides = array<i32>} : memref<1x256x16xi32, #tpu.memory_space<vmem>>, vector<1x256x1xi32>,
      %concatenate3A_353 = tpu.concatenate %select_n3A_340, %select_n3A_341, %select_n3A_342, %broadcast_in_dim3A_115 in 1 : vector<256x1xf32>, vector<256x1xf32>, vector<256x1xf32>, vector<256x5xf32> -> vector<256x8xf32>
      %swap3A_354 = arith.constant 0 : index
      %swap3A_355 = arith.constant 0 : index
      %swap3A_356 = arith.constant 15 : index
      %swap3A_357 = arith.constant 0 : index
      %swap3A_358 = vector.load %arg7[%swap3A_354, %swap3A_355, %swap3A_356, %swap3A_357] : memref<1x256x16x8xf32, #tpu.memory_space<vmem>>, vector<1x256x1x8xf32>
      %swap3A_359 = vector.shape_cast %swap3A_358 : vector<1x256x1x8xf32> to vector<256x8xf32>
      %swap3A_360 = vector.shape_cast %concatenate3A_353 : vector<256x8xf32> to vector<1x256x1x8xf32>
      tpu.vector_store %arg7[%swap3A_354, %swap3A_355, %swap3A_356, %swap3A_357], %swap3A_360 {strides = array<i32>} : memref<1x256x16x8xf32, #tpu.memory_space<vmem>>, vector<1x256x1x8xf32>,
    } else {
    }
    %le3A_303 = arith.constant 15 : i32
    %le3A_304 = arith.cmpi sle, %reduce_max3A_119, %le3A_303 : i32
    %convert_element_type3A_305 = arith.extui %le3A_304 : i1 to i32
    %cond3A_306 = arith.constant 0 : i32
    %cond3A_307 = arith.cmpi ne, %convert_element_type3A_305, %cond3A_306 : i32
    scf.if %cond3A_307 {
      %mul3A_308 = arith.constant 1024 : i32
      %mul3A_309 = arith.muli %arg0, %mul3A_308 : i32
      %add3A_310 = vector.broadcast %mul3A_309 : i32 to vector<256x1xi32>
      %add3A_311 = arith.addi %broadcast_in_dim3A_125, %add3A_310 : vector<256x1xi32>
      %swap3A_312 = arith.constant 0 : index
      %swap3A_313 = arith.constant 0 : index
      %swap3A_314 = arith.constant 15 : index
      %swap3A_315 = vector.load %arg6[%swap3A_312, %swap3A_313, %swap3A_314] : memref<1x256x16xi32, #tpu.memory_space<vmem>>, vector<1x256x1xi32>
      %swap3A_316 = vector.shape_cast %swap3A_315 : vector<1x256x1xi32> to vector<256x1xi32>
      %swap3A_317 = vector.shape_cast %add3A_311 : vector<256x1xi32> to vector<1x256x1xi32>
      tpu.vector_store %arg6[%swap3A_312, %swap3A_313, %swap3A_314], %swap3A_317 {strides = array<i32>} : memref<1x256x16xi32, #tpu.memory_space<vmem>>, vector<1x256x1xi32>,
      %swap3A_318 = arith.constant 0 : index
      %swap3A_319 = arith.constant 0 : index
      %swap3A_320 = arith.constant 15 : index
      %swap3A_321 = arith.constant 0 : index
      %swap3A_322 = vector.load %arg7[%swap3A_318, %swap3A_319, %swap3A_320, %swap3A_321] : memref<1x256x16x8xf32, #tpu.memory_space<vmem>>, vector<1x256x1x8xf32>
      %swap3A_323 = vector.shape_cast %swap3A_322 : vector<1x256x1x8xf32> to vector<256x8xf32>
      %swap3A_324 = vector.shape_cast %concatenate3A : vector<256x8xf32> to vector<1x256x1x8xf32>
      tpu.vector_store %arg7[%swap3A_318, %swap3A_319, %swap3A_320, %swap3A_321], %swap3A_324 {strides = array<i32>} : memref<1x256x16x8xf32, #tpu.memory_space<vmem>>, vector<1x256x1x8xf32>,
    } else {
    }
    return
  }
  func.func @transform_0(%arg0: i32, %arg1: i32) -> (i32, i32, i32) {
    %c0_i32 = arith.constant 0 : i32
    %c0_i32_0 = arith.constant 0 : i32
    %c0_i32_1 = arith.constant 0 : i32
    return %arg0, %c0_i32, %c0_i32_0 : i32, i32, i32
  }
  func.func @transform_1(%arg0: i32, %arg1: i32) -> (i32, i32, i32) {
    %c0_i32 = arith.constant 0 : i32
    %c0_i32_0 = arith.constant 0 : i32
    return %arg0, %arg1, %c0_i32 : i32, i32, i32
  }
  func.func @transform_2(%arg0: i32, %arg1: i32) -> (i32, i32, i32) {
    %c0_i32 = arith.constant 0 : i32
    %c0_i32_0 = arith.constant 0 : i32
    return %arg0, %arg1, %c0_i32 : i32, i32, i32
  }
  func.func @transform_3(%arg0: i32, %arg1: i32) -> (i32, i32) {
    %c0_i32 = arith.constant 0 : i32
    %c0_i32_0 = arith.constant 0 : i32
    %c0_i32_1 = arith.constant 0 : i32
    return %c0_i32, %c0_i32_0 : i32, i32
  }
  func.func @transform_4(%arg0: i32, %arg1: i32) -> (i32, i32, i32) {
    %c0_i32 = arith.constant 0 : i32
    %c0_i32_0 = arith.constant 0 : i32
    return %arg0, %arg1, %c0_i32 : i32, i32, i32
  }
  func.func @transform_5(%arg0: i32, %arg1: i32) -> (i32, i32, i32, i32) {
    %c0_i32 = arith.constant 0 : i32
    %c0_i32_0 = arith.constant 0 : i32
    %c0_i32_1 = arith.constant 0 : i32
    return %arg0, %arg1, %c0_i32, %c0_i32_0 : i32, i32, i32, i32
  }
}

module attributes {stable_mosaic.version = 14 : i64} {
  func.func @_project_body(%arg0: i32, %arg1: memref<1x512x1024xf32, #tpu.memory_space<vmem>>, %arg2: memref<512x256xf32, #tpu.memory_space<vmem>>, %arg3: memref<1024x256xf32, #tpu.memory_space<vmem>>) attributes {dimension_semantics = [#tpu.dimension_semantics<arbitrary>], iteration_bounds = array<i64: 2>, scalar_prefetch = 0 : i64, scratch_operands = 0 : i64, tpu.core_type = #tpu.core_type<tc>, window_params = [{transform_indices = @transform_0, window_bounds = array<i64: 1, 512, 1024>}, {pipeline_mode = #tpu.pipeline_mode<synchronous>, transform_indices = @transform_1, window_bounds = array<i64: 512, 256>}, {transform_indices = @transform_2, window_bounds = array<i64: 1024, 256>}]} {
    %get3A = arith.constant 0 : index
    %get3A_0 = arith.constant 0 : index
    %get3A_1 = arith.constant 0 : index
    %get3A_2 = vector.load %arg1[%get3A, %get3A_0, %get3A_1] : memref<1x512x1024xf32, #tpu.memory_space<vmem>>, vector<1x512x1024xf32>
    %get3A_3 = vector.shape_cast %get3A_2 : vector<1x512x1024xf32> to vector<512x1024xf32>
    %get3A_4 = arith.constant 0 : index
    %get3A_5 = arith.constant 0 : index
    %get3A_6 = vector.load %arg2[%get3A_4, %get3A_5] : memref<512x256xf32, #tpu.memory_space<vmem>>, vector<512x256xf32>
    %dot_general3A = arith.constant dense<0.000000e+00> : vector<1024x256xf32>
    %dot_general3A_7 = tpu.matmul %get3A_3, %get3A_6, %dot_general3A {dimension_numbers = #tpu.dot_dimension_numbers<[0], [0], [1], [1], [0, 1, 1, 1], [], []>, transpose_lhs_hint = false} : vector<512x1024xf32>, vector<512x256xf32>, vector<1024x256xf32> -> vector<1024x256xf32>
    %swap3A = arith.constant 0 : index
    %swap3A_8 = arith.constant 0 : index
    %swap3A_9 = vector.load %arg3[%swap3A, %swap3A_8] : memref<1024x256xf32, #tpu.memory_space<vmem>>, vector<1024x256xf32>
    tpu.vector_store %arg3[%swap3A, %swap3A_8], %dot_general3A_7 {strides = array<i32>} : memref<1024x256xf32, #tpu.memory_space<vmem>>, vector<1024x256xf32>,
    return
  }
  func.func @transform_0(%arg0: i32) -> (i32, i32, i32) {
    %c0_i32 = arith.constant 0 : i32
    %c0_i32_0 = arith.constant 0 : i32
    %c0_i32_1 = arith.constant 0 : i32
    return %arg0, %c0_i32, %c0_i32_0 : i32, i32, i32
  }
  func.func @transform_1(%arg0: i32) -> (i32, i32) {
    %c0_i32 = arith.constant 0 : i32
    %c0_i32_0 = arith.constant 0 : i32
    %c0_i32_1 = arith.constant 0 : i32
    return %c0_i32, %c0_i32_0 : i32, i32
  }
  func.func @transform_2(%arg0: i32) -> (i32, i32) {
    %c0_i32 = arith.constant 0 : i32
    %c0_i32_0 = arith.constant 0 : i32
    return %arg0, %c0_i32 : i32, i32
  }
}

module attributes {stable_mosaic.version = 14 : i64} {
  func.func @_y2_body(%arg0: i32, %arg1: memref<4096x256xf32, #tpu.memory_space<vmem>>, %arg2: memref<4096x8xf32, #tpu.memory_space<vmem>>, %arg3: memref<8x256xf32, #tpu.memory_space<vmem>>, %arg4: memref<8x256xf32, #tpu.memory_space<vmem>>, %arg5: memref<1x256xf32, #tpu.memory_space<vmem>>, %arg6: memref<1x256xf32, #tpu.memory_space<vmem>>, %arg7: memref<256x256xf32, #tpu.memory_space<vmem>>, %arg8: memref<4096x256xf32, #tpu.memory_space<vmem>>, %arg9: memref<8x256xf32, #tpu.memory_space<vmem>>) attributes {dimension_semantics = [#tpu.dimension_semantics<arbitrary>], iteration_bounds = array<i64: 8>, scalar_prefetch = 0 : i64, scratch_operands = 0 : i64, tpu.core_type = #tpu.core_type<tc>, window_params = [{transform_indices = @transform_0, window_bounds = array<i64: 4096, 256>}, {transform_indices = @transform_1, window_bounds = array<i64: 4096, 8>}, {pipeline_mode = #tpu.pipeline_mode<synchronous>, transform_indices = @transform_2, window_bounds = array<i64: 8, 256>}, {pipeline_mode = #tpu.pipeline_mode<synchronous>, transform_indices = @transform_3, window_bounds = array<i64: 8, 256>}, {pipeline_mode = #tpu.pipeline_mode<synchronous>, transform_indices = @transform_4, window_bounds = array<i64: 1, 256>}, {pipeline_mode = #tpu.pipeline_mode<synchronous>, transform_indices = @transform_5, window_bounds = array<i64: 1, 256>}, {pipeline_mode = #tpu.pipeline_mode<synchronous>, transform_indices = @transform_6, window_bounds = array<i64: 256, 256>}, {transform_indices = @transform_7, window_bounds = array<i64: 4096, 256>}, {pipeline_mode = #tpu.pipeline_mode<synchronous>, transform_indices = @transform_8, window_bounds = array<i64: 8, 256>}]} {
    %get3A = arith.constant 0 : index
    %get3A_0 = arith.constant 0 : index
    %get3A_1 = vector.load %arg4[%get3A, %get3A_0] : memref<8x256xf32, #tpu.memory_space<vmem>>, vector<1x256xf32>
    %mul3A = arith.constant 3.05175781E-5 : f32
    %mul3A_2 = vector.broadcast %mul3A : f32 to vector<1x256xf32>
    %mul3A_3 = arith.mulf %get3A_1, %mul3A_2 : vector<1x256xf32>
    %get3A_4 = arith.constant 1 : index
    %get3A_5 = arith.constant 0 : index
    %get3A_6 = vector.load %arg4[%get3A_4, %get3A_5] : memref<8x256xf32, #tpu.memory_space<vmem>>, vector<1x256xf32>
    %mul3A_7 = arith.constant 3.05175781E-5 : f32
    %mul3A_8 = vector.broadcast %mul3A_7 : f32 to vector<1x256xf32>
    %mul3A_9 = arith.mulf %get3A_6, %mul3A_8 : vector<1x256xf32>
    %mul3A_10 = arith.mulf %mul3A_3, %mul3A_3 : vector<1x256xf32>
    %sub3A = arith.subf %mul3A_9, %mul3A_10 : vector<1x256xf32>
    %get3A_11 = arith.constant 0 : index
    %get3A_12 = arith.constant 0 : index
    %get3A_13 = vector.load %arg5[%get3A_11, %get3A_12] : memref<1x256xf32, #tpu.memory_space<vmem>>, vector<1x256xf32>
    %add3A = arith.constant 9.99999974E-6 : f32
    %add3A_14 = vector.broadcast %add3A : f32 to vector<1x256xf32>
    %add3A_15 = arith.addf %sub3A, %add3A_14 : vector<1x256xf32>
    %rsqrt3A = math.rsqrt %add3A_15 : vector<1x256xf32>
    %mul3A_16 = arith.mulf %get3A_13, %rsqrt3A : vector<1x256xf32>
    %get3A_17 = arith.constant 0 : index
    %get3A_18 = arith.constant 0 : index
    %get3A_19 = vector.load %arg6[%get3A_17, %get3A_18] : memref<1x256xf32, #tpu.memory_space<vmem>>, vector<1x256xf32>
    %mul3A_20 = arith.mulf %mul3A_3, %mul3A_16 : vector<1x256xf32>
    %sub3A_21 = arith.subf %get3A_19, %mul3A_20 : vector<1x256xf32>
    %get3A_22 = arith.constant 0 : index
    %get3A_23 = arith.constant 0 : index
    %get3A_24 = vector.load %arg1[%get3A_22, %get3A_23] : memref<4096x256xf32, #tpu.memory_space<vmem>>, vector<4096x256xf32>
    %get3A_25 = arith.constant 0 : index
    %get3A_26 = arith.constant 0 : index
    %get3A_27 = vector.load %arg2[%get3A_25, %get3A_26] : memref<4096x8xf32, #tpu.memory_space<vmem>>, vector<4096x8xf32>
    %get3A_28 = arith.constant 0 : index
    %get3A_29 = arith.constant 0 : index
    %get3A_30 = vector.load %arg3[%get3A_28, %get3A_29] : memref<8x256xf32, #tpu.memory_space<vmem>>, vector<8x256xf32>
    %dot_general3A = arith.constant dense<0.000000e+00> : vector<4096x256xf32>
    %dot_general3A_31 = tpu.matmul %get3A_27, %get3A_30, %dot_general3A {dimension_numbers = #tpu.dot_dimension_numbers<[1], [0], [0], [1], [0, 0, 1, 1], [], []>, transpose_lhs_hint = false} : vector<4096x8xf32>, vector<8x256xf32>, vector<4096x256xf32> -> vector<4096x256xf32>
    %add3A_32 = arith.addf %get3A_24, %dot_general3A_31 : vector<4096x256xf32>
    %mul3A_33 = vector.broadcast %mul3A_16 : vector<1x256xf32> to vector<4096x256xf32>
    %mul3A_34 = arith.mulf %add3A_32, %mul3A_33 : vector<4096x256xf32>
    %add3A_35 = vector.broadcast %sub3A_21 : vector<1x256xf32> to vector<4096x256xf32>
    %add3A_36 = arith.addf %mul3A_34, %add3A_35 : vector<4096x256xf32>
    %max3A = arith.constant 0.000000e+00 : f32
    %max3A_37 = vector.broadcast %max3A : f32 to vector<4096x256xf32>
    %max3A_38 = arith.maximumf %add3A_36, %max3A_37 : vector<4096x256xf32>
    %get3A_39 = arith.constant 0 : index
    %get3A_40 = arith.constant 0 : index
    %get3A_41 = vector.load %arg7[%get3A_39, %get3A_40] : memref<256x256xf32, #tpu.memory_space<vmem>>, vector<256x256xf32>
    %dot_general3A_42 = arith.constant dense<0.000000e+00> : vector<4096x256xf32>
    %dot_general3A_43 = tpu.matmul %max3A_38, %get3A_41, %dot_general3A_42 {dimension_numbers = #tpu.dot_dimension_numbers<[1], [1], [0], [0], [0, 0, 1, 0], [], []>, transpose_lhs_hint = false} : vector<4096x256xf32>, vector<256x256xf32>, vector<4096x256xf32> -> vector<4096x256xf32>
    %swap3A = arith.constant 0 : index
    %swap3A_44 = arith.constant 0 : index
    %swap3A_45 = vector.load %arg8[%swap3A, %swap3A_44] : memref<4096x256xf32, #tpu.memory_space<vmem>>, vector<4096x256xf32>
    tpu.vector_store %arg8[%swap3A, %swap3A_44], %dot_general3A_43 {strides = array<i32>} : memref<4096x256xf32, #tpu.memory_space<vmem>>, vector<4096x256xf32>,
    %reduce_sum3A = arith.constant dense<0.000000e+00> : vector<256xf32>
    %reduce_sum3A_46 = vector.multi_reduction <add>, %dot_general3A_43, %reduce_sum3A [0] : vector<4096x256xf32> to vector<256xf32>
    %broadcast_in_dim3A = vector.shape_cast %reduce_sum3A_46 : vector<256xf32> to vector<1x256xf32>
    %mul3A_47 = arith.mulf %dot_general3A_43, %dot_general3A_43 : vector<4096x256xf32>
    %reduce_sum3A_48 = arith.constant dense<0.000000e+00> : vector<256xf32>
    %reduce_sum3A_49 = vector.multi_reduction <add>, %mul3A_47, %reduce_sum3A_48 [0] : vector<4096x256xf32> to vector<256xf32>
    %broadcast_in_dim3A_50 = vector.shape_cast %reduce_sum3A_49 : vector<256xf32> to vector<1x256xf32>
    %broadcast_in_dim3A_51 = arith.constant 0.000000e+00 : f32
    %broadcast_in_dim3A_52 = vector.broadcast %broadcast_in_dim3A_51 : f32 to vector<6x256xf32>
    %concatenate3A = tpu.concatenate %broadcast_in_dim3A, %broadcast_in_dim3A_50, %broadcast_in_dim3A_52 in 0 : vector<1x256xf32>, vector<1x256xf32>, vector<6x256xf32> -> vector<8x256xf32>
    %eq3A = arith.constant 0 : i32
    %eq3A_53 = arith.cmpi eq, %arg0, %eq3A : i32
    %convert_element_type3A = arith.extui %eq3A_53 : i1 to i32
    %cond3A = arith.constant 0 : i32
    %cond3A_54 = arith.cmpi ne, %convert_element_type3A, %cond3A : i32
    scf.if %cond3A_54 {
      %swap3A_59 = arith.constant 0 : index
      %swap3A_60 = arith.constant 0 : index
      %swap3A_61 = vector.load %arg9[%swap3A_59, %swap3A_60] : memref<8x256xf32, #tpu.memory_space<vmem>>, vector<8x256xf32>
      tpu.vector_store %arg9[%swap3A_59, %swap3A_60], %concatenate3A {strides = array<i32>} : memref<8x256xf32, #tpu.memory_space<vmem>>, vector<8x256xf32>,
    } else {
    }
    %ne3A = arith.constant 0 : i32
    %ne3A_55 = arith.cmpi ne, %arg0, %ne3A : i32
    %convert_element_type3A_56 = arith.extui %ne3A_55 : i1 to i32
    %cond3A_57 = arith.constant 0 : i32
    %cond3A_58 = arith.cmpi ne, %convert_element_type3A_56, %cond3A_57 : i32
    scf.if %cond3A_58 {
      %get3A_59 = arith.constant 0 : index
      %get3A_60 = arith.constant 0 : index
      %get3A_61 = vector.load %arg9[%get3A_59, %get3A_60] : memref<8x256xf32, #tpu.memory_space<vmem>>, vector<8x256xf32>
      %add3A_62 = arith.addf %get3A_61, %concatenate3A : vector<8x256xf32>
      %swap3A_63 = arith.constant 0 : index
      %swap3A_64 = arith.constant 0 : index
      %swap3A_65 = vector.load %arg9[%swap3A_63, %swap3A_64] : memref<8x256xf32, #tpu.memory_space<vmem>>, vector<8x256xf32>
      tpu.vector_store %arg9[%swap3A_63, %swap3A_64], %add3A_62 {strides = array<i32>} : memref<8x256xf32, #tpu.memory_space<vmem>>, vector<8x256xf32>,
    } else {
    }
    return
  }
  func.func @transform_0(%arg0: i32) -> (i32, i32) {
    %c0_i32 = arith.constant 0 : i32
    %c0_i32_0 = arith.constant 0 : i32
    return %arg0, %c0_i32 : i32, i32
  }
  func.func @transform_1(%arg0: i32) -> (i32, i32) {
    %c0_i32 = arith.constant 0 : i32
    %c0_i32_0 = arith.constant 0 : i32
    return %arg0, %c0_i32 : i32, i32
  }
  func.func @transform_2(%arg0: i32) -> (i32, i32) {
    %c0_i32 = arith.constant 0 : i32
    %c0_i32_0 = arith.constant 0 : i32
    %c0_i32_1 = arith.constant 0 : i32
    return %c0_i32, %c0_i32_0 : i32, i32
  }
  func.func @transform_3(%arg0: i32) -> (i32, i32) {
    %c0_i32 = arith.constant 0 : i32
    %c0_i32_0 = arith.constant 0 : i32
    %c0_i32_1 = arith.constant 0 : i32
    return %c0_i32, %c0_i32_0 : i32, i32
  }
  func.func @transform_4(%arg0: i32) -> (i32, i32) {
    %c0_i32 = arith.constant 0 : i32
    %c0_i32_0 = arith.constant 0 : i32
    %c0_i32_1 = arith.constant 0 : i32
    return %c0_i32, %c0_i32_0 : i32, i32
  }
  func.func @transform_5(%arg0: i32) -> (i32, i32) {
    %c0_i32 = arith.constant 0 : i32
    %c0_i32_0 = arith.constant 0 : i32
    %c0_i32_1 = arith.constant 0 : i32
    return %c0_i32, %c0_i32_0 : i32, i32
  }
  func.func @transform_6(%arg0: i32) -> (i32, i32) {
    %c0_i32 = arith.constant 0 : i32
    %c0_i32_0 = arith.constant 0 : i32
    %c0_i32_1 = arith.constant 0 : i32
    return %c0_i32, %c0_i32_0 : i32, i32
  }
  func.func @transform_7(%arg0: i32) -> (i32, i32) {
    %c0_i32 = arith.constant 0 : i32
    %c0_i32_0 = arith.constant 0 : i32
    return %arg0, %c0_i32 : i32, i32
  }
  func.func @transform_8(%arg0: i32) -> (i32, i32) {
    %c0_i32 = arith.constant 0 : i32
    %c0_i32_0 = arith.constant 0 : i32
    %c0_i32_1 = arith.constant 0 : i32
    return %c0_i32, %c0_i32_0 : i32, i32
  }
}

module attributes {stable_mosaic.version = 14 : i64} {
  func.func @_y1_body(%arg0: i32, %arg1: memref<4096x256xf32, #tpu.memory_space<vmem>>, %arg2: memref<4096x8xf32, #tpu.memory_space<vmem>>, %arg3: memref<8x256xf32, #tpu.memory_space<vmem>>, %arg4: memref<8x256xf32, #tpu.memory_space<vmem>>) attributes {dimension_semantics = [#tpu.dimension_semantics<arbitrary>], iteration_bounds = array<i64: 8>, scalar_prefetch = 0 : i64, scratch_operands = 0 : i64, tpu.core_type = #tpu.core_type<tc>, window_params = [{transform_indices = @transform_0, window_bounds = array<i64: 4096, 256>}, {transform_indices = @transform_1, window_bounds = array<i64: 4096, 8>}, {pipeline_mode = #tpu.pipeline_mode<synchronous>, transform_indices = @transform_2, window_bounds = array<i64: 8, 256>}, {pipeline_mode = #tpu.pipeline_mode<synchronous>, transform_indices = @transform_3, window_bounds = array<i64: 8, 256>}]} {
    %get3A = arith.constant 0 : index
    %get3A_0 = arith.constant 0 : index
    %get3A_1 = vector.load %arg1[%get3A, %get3A_0] : memref<4096x256xf32, #tpu.memory_space<vmem>>, vector<4096x256xf32>
    %get3A_2 = arith.constant 0 : index
    %get3A_3 = arith.constant 0 : index
    %get3A_4 = vector.load %arg2[%get3A_2, %get3A_3] : memref<4096x8xf32, #tpu.memory_space<vmem>>, vector<4096x8xf32>
    %get3A_5 = arith.constant 0 : index
    %get3A_6 = arith.constant 0 : index
    %get3A_7 = vector.load %arg3[%get3A_5, %get3A_6] : memref<8x256xf32, #tpu.memory_space<vmem>>, vector<8x256xf32>
    %dot_general3A = arith.constant dense<0.000000e+00> : vector<4096x256xf32>
    %dot_general3A_8 = tpu.matmul %get3A_4, %get3A_7, %dot_general3A {dimension_numbers = #tpu.dot_dimension_numbers<[1], [0], [0], [1], [0, 0, 1, 1], [], []>, transpose_lhs_hint = false} : vector<4096x8xf32>, vector<8x256xf32>, vector<4096x256xf32> -> vector<4096x256xf32>
    %add3A = arith.addf %get3A_1, %dot_general3A_8 : vector<4096x256xf32>
    %reduce_sum3A = arith.constant dense<0.000000e+00> : vector<256xf32>
    %reduce_sum3A_9 = vector.multi_reduction <add>, %add3A, %reduce_sum3A [0] : vector<4096x256xf32> to vector<256xf32>
    %broadcast_in_dim3A = vector.shape_cast %reduce_sum3A_9 : vector<256xf32> to vector<1x256xf32>
    %mul3A = arith.mulf %add3A, %add3A : vector<4096x256xf32>
    %reduce_sum3A_10 = arith.constant dense<0.000000e+00> : vector<256xf32>
    %reduce_sum3A_11 = vector.multi_reduction <add>, %mul3A, %reduce_sum3A_10 [0] : vector<4096x256xf32> to vector<256xf32>
    %broadcast_in_dim3A_12 = vector.shape_cast %reduce_sum3A_11 : vector<256xf32> to vector<1x256xf32>
    %broadcast_in_dim3A_13 = arith.constant 0.000000e+00 : f32
    %broadcast_in_dim3A_14 = vector.broadcast %broadcast_in_dim3A_13 : f32 to vector<6x256xf32>
    %concatenate3A = tpu.concatenate %broadcast_in_dim3A, %broadcast_in_dim3A_12, %broadcast_in_dim3A_14 in 0 : vector<1x256xf32>, vector<1x256xf32>, vector<6x256xf32> -> vector<8x256xf32>
    %eq3A = arith.constant 0 : i32
    %eq3A_15 = arith.cmpi eq, %arg0, %eq3A : i32
    %convert_element_type3A = arith.extui %eq3A_15 : i1 to i32
    %cond3A = arith.constant 0 : i32
    %cond3A_16 = arith.cmpi ne, %convert_element_type3A, %cond3A : i32
    scf.if %cond3A_16 {
      %swap3A = arith.constant 0 : index
      %swap3A_21 = arith.constant 0 : index
      %swap3A_22 = vector.load %arg4[%swap3A, %swap3A_21] : memref<8x256xf32, #tpu.memory_space<vmem>>, vector<8x256xf32>
      tpu.vector_store %arg4[%swap3A, %swap3A_21], %concatenate3A {strides = array<i32>} : memref<8x256xf32, #tpu.memory_space<vmem>>, vector<8x256xf32>,
    } else {
    }
    %ne3A = arith.constant 0 : i32
    %ne3A_17 = arith.cmpi ne, %arg0, %ne3A : i32
    %convert_element_type3A_18 = arith.extui %ne3A_17 : i1 to i32
    %cond3A_19 = arith.constant 0 : i32
    %cond3A_20 = arith.cmpi ne, %convert_element_type3A_18, %cond3A_19 : i32
    scf.if %cond3A_20 {
      %get3A_21 = arith.constant 0 : index
      %get3A_22 = arith.constant 0 : index
      %get3A_23 = vector.load %arg4[%get3A_21, %get3A_22] : memref<8x256xf32, #tpu.memory_space<vmem>>, vector<8x256xf32>
      %add3A_24 = arith.addf %get3A_23, %concatenate3A : vector<8x256xf32>
      %swap3A = arith.constant 0 : index
      %swap3A_25 = arith.constant 0 : index
      %swap3A_26 = vector.load %arg4[%swap3A, %swap3A_25] : memref<8x256xf32, #tpu.memory_space<vmem>>, vector<8x256xf32>
      tpu.vector_store %arg4[%swap3A, %swap3A_25], %add3A_24 {strides = array<i32>} : memref<8x256xf32, #tpu.memory_space<vmem>>, vector<8x256xf32>,
    } else {
    }
    return
  }
  func.func @transform_0(%arg0: i32) -> (i32, i32) {
    %c0_i32 = arith.constant 0 : i32
    %c0_i32_0 = arith.constant 0 : i32
    return %arg0, %c0_i32 : i32, i32
  }
  func.func @transform_1(%arg0: i32) -> (i32, i32) {
    %c0_i32 = arith.constant 0 : i32
    %c0_i32_0 = arith.constant 0 : i32
    return %arg0, %c0_i32 : i32, i32
  }
  func.func @transform_2(%arg0: i32) -> (i32, i32) {
    %c0_i32 = arith.constant 0 : i32
    %c0_i32_0 = arith.constant 0 : i32
    %c0_i32_1 = arith.constant 0 : i32
    return %c0_i32, %c0_i32_0 : i32, i32
  }
  func.func @transform_3(%arg0: i32) -> (i32, i32) {
    %c0_i32 = arith.constant 0 : i32
    %c0_i32_0 = arith.constant 0 : i32
    %c0_i32_1 = arith.constant 0 : i32
    return %c0_i32, %c0_i32_0 : i32, i32
  }
}

module attributes {stable_mosaic.version = 14 : i64} {
  func.func @_out_body(%arg0: i32, %arg1: memref<128x16x256xf32, #tpu.memory_space<vmem>>, %arg2: memref<8x256xf32, #tpu.memory_space<vmem>>, %arg3: memref<1x256xf32, #tpu.memory_space<vmem>>, %arg4: memref<1x256xf32, #tpu.memory_space<vmem>>, %arg5: memref<1x256x128xf32, #tpu.memory_space<vmem>>) attributes {dimension_semantics = [#tpu.dimension_semantics<arbitrary>], iteration_bounds = array<i64: 16>, scalar_prefetch = 0 : i64, scratch_operands = 0 : i64, tpu.core_type = #tpu.core_type<tc>, window_params = [{transform_indices = @transform_0, window_bounds = array<i64: 128, 16, 256>}, {pipeline_mode = #tpu.pipeline_mode<synchronous>, transform_indices = @transform_1, window_bounds = array<i64: 8, 256>}, {pipeline_mode = #tpu.pipeline_mode<synchronous>, transform_indices = @transform_2, window_bounds = array<i64: 1, 256>}, {pipeline_mode = #tpu.pipeline_mode<synchronous>, transform_indices = @transform_3, window_bounds = array<i64: 1, 256>}, {transform_indices = @transform_4, window_bounds = array<i64: 1, 256, 128>}]} {
    %get3A = arith.constant 0 : index
    %get3A_0 = arith.constant 0 : index
    %get3A_1 = vector.load %arg2[%get3A, %get3A_0] : memref<8x256xf32, #tpu.memory_space<vmem>>, vector<1x256xf32>
    %mul3A = arith.constant 3.05175781E-5 : f32
    %mul3A_2 = vector.broadcast %mul3A : f32 to vector<1x256xf32>
    %mul3A_3 = arith.mulf %get3A_1, %mul3A_2 : vector<1x256xf32>
    %get3A_4 = arith.constant 1 : index
    %get3A_5 = arith.constant 0 : index
    %get3A_6 = vector.load %arg2[%get3A_4, %get3A_5] : memref<8x256xf32, #tpu.memory_space<vmem>>, vector<1x256xf32>
    %mul3A_7 = arith.constant 3.05175781E-5 : f32
    %mul3A_8 = vector.broadcast %mul3A_7 : f32 to vector<1x256xf32>
    %mul3A_9 = arith.mulf %get3A_6, %mul3A_8 : vector<1x256xf32>
    %mul3A_10 = arith.mulf %mul3A_3, %mul3A_3 : vector<1x256xf32>
    %sub3A = arith.subf %mul3A_9, %mul3A_10 : vector<1x256xf32>
    %get3A_11 = arith.constant 0 : index
    %get3A_12 = arith.constant 0 : index
    %get3A_13 = vector.load %arg3[%get3A_11, %get3A_12] : memref<1x256xf32, #tpu.memory_space<vmem>>, vector<1x256xf32>
    %add3A = arith.constant 9.99999974E-6 : f32
    %add3A_14 = vector.broadcast %add3A : f32 to vector<1x256xf32>
    %add3A_15 = arith.addf %sub3A, %add3A_14 : vector<1x256xf32>
    %rsqrt3A = math.rsqrt %add3A_15 : vector<1x256xf32>
    %mul3A_16 = arith.mulf %get3A_13, %rsqrt3A : vector<1x256xf32>
    %get3A_17 = arith.constant 0 : index
    %get3A_18 = arith.constant 0 : index
    %get3A_19 = vector.load %arg4[%get3A_17, %get3A_18] : memref<1x256xf32, #tpu.memory_space<vmem>>, vector<1x256xf32>
    %mul3A_20 = arith.mulf %mul3A_3, %mul3A_16 : vector<1x256xf32>
    %sub3A_21 = arith.subf %get3A_19, %mul3A_20 : vector<1x256xf32>
    %get3A_22 = arith.constant 0 : index
    %get3A_23 = arith.constant 0 : index
    %get3A_24 = arith.constant 0 : index
    %get3A_25 = vector.load %arg1[%get3A_22, %get3A_23, %get3A_24] : memref<128x16x256xf32, #tpu.memory_space<vmem>>, vector<128x16x256xf32>
    %broadcast_in_dim3A = vector.shape_cast %mul3A_16 : vector<1x256xf32> to vector<1x1x256xf32>
    %mul3A_26 = vector.broadcast %broadcast_in_dim3A : vector<1x1x256xf32> to vector<128x16x256xf32>
    %mul3A_27 = arith.mulf %get3A_25, %mul3A_26 : vector<128x16x256xf32>
    %broadcast_in_dim3A_28 = vector.shape_cast %sub3A_21 : vector<1x256xf32> to vector<1x1x256xf32>
    %add3A_29 = vector.broadcast %broadcast_in_dim3A_28 : vector<1x1x256xf32> to vector<128x16x256xf32>
    %add3A_30 = arith.addf %mul3A_27, %add3A_29 : vector<128x16x256xf32>
    %max3A = arith.constant 0.000000e+00 : f32
    %max3A_31 = vector.broadcast %max3A : f32 to vector<128x16x256xf32>
    %max3A_32 = arith.maximumf %add3A_30, %max3A_31 : vector<128x16x256xf32>
    %reduce_max3A = arith.constant dense<0xFF800000> : vector<128x256xf32>
    %reduce_max3A_33 = vector.multi_reduction <maximumf>, %max3A_32, %reduce_max3A [1] : vector<128x16x256xf32> to vector<128x256xf32>
    %transpose3A = tpu.transpose %reduce_max3A_33, [1, 0] : vector<128x256xf32> -> vector<256x128xf32>
    %broadcast_in_dim3A_34 = vector.shape_cast %transpose3A : vector<256x128xf32> to vector<1x256x128xf32>
    %swap3A = arith.constant 0 : index
    %swap3A_35 = arith.constant 0 : index
    %swap3A_36 = arith.constant 0 : index
    %swap3A_37 = vector.load %arg5[%swap3A, %swap3A_35, %swap3A_36] : memref<1x256x128xf32, #tpu.memory_space<vmem>>, vector<1x256x128xf32>
    tpu.vector_store %arg5[%swap3A, %swap3A_35, %swap3A_36], %broadcast_in_dim3A_34 {strides = array<i32>} : memref<1x256x128xf32, #tpu.memory_space<vmem>>, vector<1x256x128xf32>,
    return
  }
  func.func @transform_0(%arg0: i32) -> (i32, i32, i32) {
    %c0_i32 = arith.constant 0 : i32
    %c0_i32_0 = arith.constant 0 : i32
    %c0_i32_1 = arith.constant 0 : i32
    return %arg0, %c0_i32, %c0_i32_0 : i32, i32, i32
  }
  func.func @transform_1(%arg0: i32) -> (i32, i32) {
    %c0_i32 = arith.constant 0 : i32
    %c0_i32_0 = arith.constant 0 : i32
    %c0_i32_1 = arith.constant 0 : i32
    return %c0_i32, %c0_i32_0 : i32, i32
  }
  func.func @transform_2(%arg0: i32) -> (i32, i32) {
    %c0_i32 = arith.constant 0 : i32
    %c0_i32_0 = arith.constant 0 : i32
    %c0_i32_1 = arith.constant 0 : i32
    return %c0_i32, %c0_i32_0 : i32, i32
  }
  func.func @transform_3(%arg0: i32) -> (i32, i32) {
    %c0_i32 = arith.constant 0 : i32
    %c0_i32_0 = arith.constant 0 : i32
    %c0_i32_1 = arith.constant 0 : i32
    return %c0_i32, %c0_i32_0 : i32, i32
  }
  func.func @transform_4(%arg0: i32) -> (i32, i32, i32) {
    %jit3A = arith.constant 8 : i32
    %div3A = arith.divsi %arg0, %jit3A : i32
    %sign3A = arith.constant 0 : i32
    %sign3A_0 = arith.cmpi sgt, %arg0, %sign3A : i32
    %sign3A_1 = arith.extui %sign3A_0 : i1 to i32
    %sign3A_2 = arith.constant 0 : i32
    %sign3A_3 = arith.cmpi slt, %arg0, %sign3A_2 : i32
    %sign3A_4 = arith.extui %sign3A_3 : i1 to i32
    %sign3A_5 = arith.subi %sign3A_1, %sign3A_4 : i32
    %sign3A_6 = arith.constant 0 : i32
    %sign3A_7 = arith.cmpi sgt, %jit3A, %sign3A_6 : i32
    %sign3A_8 = arith.extui %sign3A_7 : i1 to i32
    %sign3A_9 = arith.constant 0 : i32
    %sign3A_10 = arith.cmpi slt, %jit3A, %sign3A_9 : i32
    %sign3A_11 = arith.extui %sign3A_10 : i1 to i32
    %sign3A_12 = arith.subi %sign3A_8, %sign3A_11 : i32
    %ne3A = arith.cmpi ne, %sign3A_5, %sign3A_12 : i32
    %rem3A = arith.remsi %arg0, %jit3A : i32
    %ne3A_13 = arith.constant 0 : i32
    %ne3A_14 = arith.cmpi ne, %rem3A, %ne3A_13 : i32
    %and3A = arith.andi %ne3A, %ne3A_14 : i1
    %sub3A = arith.constant 1 : i32
    %sub3A_15 = arith.subi %div3A, %sub3A : i32
    %select_n3A = arith.select %and3A, %sub3A_15, %div3A : i32
    %jit3A_16 = arith.constant 8 : i32
    %eq3A = arith.constant 0 : i32
    %eq3A_17 = arith.cmpi eq, %jit3A_16, %eq3A : i32
    %jit3A_18 = arith.constant 1 : i32
    %select_n3A_19 = arith.select %eq3A_17, %jit3A_18, %jit3A_16 : i32
    %rem3A_20 = arith.remsi %arg0, %select_n3A_19 : i32
    %ne3A_21 = arith.constant 0 : i32
    %ne3A_22 = arith.cmpi ne, %rem3A_20, %ne3A_21 : i32
    %lt3A = arith.constant 0 : i32
    %lt3A_23 = arith.cmpi slt, %rem3A_20, %lt3A : i32
    %lt3A_24 = arith.constant 0 : i32
    %lt3A_25 = arith.cmpi slt, %select_n3A_19, %lt3A_24 : i32
    %ne3A_26 = arith.xori %lt3A_23, %lt3A_25 : i1
    %and3A_27 = arith.andi %ne3A_26, %ne3A_22 : i1
    %add3A = arith.addi %rem3A_20, %select_n3A_19 : i32
    %select_n3A_28 = arith.select %and3A_27, %add3A, %rem3A_20 : i32
    %c0_i32 = arith.constant 0 : i32
    %c0_i32_29 = arith.constant 0 : i32
    return %select_n3A, %c0_i32, %select_n3A_28 : i32, i32, i32
  }
}

</mosaic_0001>

<sc_bundles>
// kernel: kernel.8.cloned.1.call-start
scs
__scs_entry_jumppad:
0x0: {  	(pc) =	sbr.rel $0x88, $3  }
0x1: {  	(tag) =	ssettag $0x0;
	lr =	simm.s32 $0x1  }
0x2: {  	[smem:$0x3F98] =	sst lr;
	_ =	strace $0xD0000000  }
0x3: {  	_ = 	snop  }
0x4: {  	_ = 	snop  }
0x5: {  	_ = 	snop  }
0x6: {  	_ = 	snop  }
0x7: {  	_ = 	snop  }
__scs_overlays_trampoline_lowered:
0x8: {  	[smem:$0x3FA7] =	sst s0  }
0x9: {  	[smem:$0x3FA8] =	sst s1  }
0xa: {  	[smem:$0x3FA9] =	sst s2  }
0xb: {  	[smem:$0x3FAA] =	sst s3  }
0xc: {  	[smem:$0x3FAB] =	sst s4  }
0xd: {  	[smem:$0x3FAC] =	sst s5  }
0xe: {  	[smem:$0x3FAD] =	sst s6  }
0xf: {  	[smem:$0x3FAE] =	sst s7  }
0x10: {  	[smem:$0x3FAF] =	sst s8  }
0x11: {  	[smem:$0x3FB0] =	sst s9;
	s0 =	simm.s32 @!p0 $0x0  }
0x12: {  	s1 =	sld [smem:$0x3F96];
	s0 =	simm.s32 @p0 $0x1  }
0x13: {  	[smem:$0x3FB1] =	sst s0;
	s0 =	simm.s32 @!p1 $0x0  }
0x14: {  	s2 =	sld [smem:$0x3F95];
	s0 =	simm.s32 @p1 $0x1  }
0x15: {  	[smem:$0x3FB2] =	sst s0;
	s0 =	simm.s32 @!p2 $0x0  }
0x16: {  	s3 =	sld [smem:$0x3FDB];
	s0 =	simm.s32 @p2 $0x1  }
0x17: {  	s4 =	simm.s32 $0x1BF5;
	[smem:$0x3FB4] =	sst s0  }
0x18: {  	s0 =	sld [smem:$0x3F97];
	_ =	swait.ge [sflag:s4], $0x0  }
0x19: {  	s7 =	sld [smem:$0x3F98]  }
0x1a: {  	s8 =	sadd.s32 $0xFFFFE003, lr  }
0x1b: {  	s9 =	sadd.s32 $0xFFFFFEF7, lr;
	s5 =	simm.s32 $0xFFFFFFFF;
	p2 =	slt.u32 s8, $0xFFFFF086  }
0x1c: {  	p1 =	slt.u32 s9, $0xF7A;
	s5 =	simm.s32 @!p2 $0x0  }
0x1d: {  	s5 =	simm.s32 @p1 $0x1;
	p0 =	seq.s32 s7, s2  }
0x1e: {  	s7 =	smul.u32 @!p0 $0xF7A, s2;
	p2 =	seq.s32 @!p0 s5, $0x0  }
0x1f: {  	s9 =	smul.u32 $0xF7A, s1;
	s8 =	simm.s32 @!p0 $0x1BF5;
	p2 =	por !p2, p0  }
0x20: {  	[sflag:s8] =	ssyncset.s32 @!p0 $0xFFFFF086;
	s6 =	sadd.s32 @!p0 s3, s7;
	s7 =	simm.s32 @!p0 $0x108  }
0x21: {  	s3 =	sadd.s32 s3, s9;
	s6 =	sadd.s32 @!p0 $0x88, s6;
	s7 =	simm.s32 @p2 $0x1082  }
0x22: {  	[simem:s7], [sflag:s8] =	dma.local @!p0 [hbm:s6], $0xF7A  }
0x23: {  	s9 =	sor.u32 $0xD0000000, s2;
	s6 =	simm.s32 $0x108;
	_ =	swait.ge @!p0 [sflag:s8], $0x0  }
0x24: {  	s3 =	sadd.s32 $0x88, s3;
	s6 =	simm.s32 @!p1 $0x1082;
	[sflag:s4] =	ssyncset.s32 $0xFFFFF086  }
0x25: {  	[simem:s6], [sflag:s4] =	dma.local [hbm:s3], $0xF7A  }
0x26: {  	[smem:$0x3F98] =	sst s1;
	(tag) =	ssettag s2;
	_ =	strace s9  }
0x27: {  	s1 =	sld [smem:$0x3FA8]  }
0x28: {  	s2 =	sld [smem:$0x3FA9]  }
0x29: {  	s4 =	sld [smem:$0x3FAB]  }
0x2a: {  	p0 =	seq.s32 s5, $0x0;
	s5 =	sld [smem:$0x3FAC]  }
0x2b: {  	s6 =	sld [smem:$0x3FAD]  }
0x2c: {  	s7 =	sld [smem:$0x3FAE]  }
0x2d: {  	s3 =	simm.s32 $0x108;
	s8 =	sld [smem:$0x3FAF]  }
0x2e: {  	s3 =	simm.s32 @!p0 $0x1082;
	s9 =	sld [smem:$0x3FB0]  }
0x2f: {  	lr =	sadd.s32 s0, s3;
	s0 =	sld [smem:$0x3FA7]  }
0x30: {  	s3 =	sld [smem:$0x3FAA]  }
0x31: {  	[smem:$0x3FB3] =	sst s10  }
0x32: {  	s10 =	sld [smem:$0x3FB1];
	_ =	sdelay $0x3  }
0x33: {  	p0 =	seq.s32 s10, $0x1;
	s10 =	sld [smem:$0x3FB3];
	_ =	sdelay $0x3  }
0x34: {  	[smem:$0x3FB3] =	sst s10  }
0x35: {  	s10 =	sld [smem:$0x3FB2];
	_ =	sdelay $0x3  }
0x36: {  	p1 =	seq.s32 s10, $0x1;
	s10 =	sld [smem:$0x3FB3];
	_ =	sdelay $0x3  }
0x37: {  	[smem:$0x3FB3] =	sst s10  }
0x38: {  	s10 =	sld [smem:$0x3FB4]  }
0x39: {  	_ = 	snop;
	(pc) =	sbr.ind lr, $3  }
0x3a: {  	_ = 	snop  }
0x3b: {  	_ = 	snop  }
0x3c: {  	p2 =	seq.s32 s10, $0x1;
	s10 =	sld [smem:$0x3FB3]  }
0x3d: {  	_ =	shalt  }
0x3e: {  	_ =	shalt  }
0x3f: {  	_ =	shalt  }
0x40: {  	_ =	shalt  }
0x41: {  	_ =	shalt  }
0x42: {  	_ =	shalt  }
0x43: {  	_ =	shalt  }
0x44: {  	_ =	shalt  }
0x45: {  	_ =	shalt  }
0x46: {  	_ =	shalt  }
0x47: {  	_ =	shalt  }
0x48: {  	_ =	shalt  }
0x49: {  	_ =	shalt  }
0x4a: {  	_ =	shalt  }
0x4b: {  	_ =	shalt  }
0x4c: {  	_ =	shalt  }
0x4d: {  	_ =	shalt  }
0x4e: {  	_ =	shalt  }
0x4f: {  	_ =	shalt  }
0x50: {  	_ =	shalt  }
0x51: {  	_ =	shalt  }
0x52: {  	_ =	shalt  }
0x53: {  	_ =	shalt  }
0x54: {  	_ =	shalt  }
0x55: {  	_ =	shalt  }
0x56: {  	_ =	shalt  }
0x57: {  	_ =	shalt  }
0x58: {  	_ =	shalt  }
0x59: {  	_ =	shalt  }
0x5a: {  	_ =	shalt  }
0x5b: {  	_ =	shalt  }
0x5c: {  	_ =	shalt  }
0x5d: {  	_ =	shalt  }
0x5e: {  	_ =	shalt  }
0x5f: {  	_ =	shalt  }
0x60: {  	_ =	shalt  }
0x61: {  	_ =	shalt  }
0x62: {  	_ =	shalt  }
0x63: {  	_ =	shalt  }
0x64: {  	_ =	shalt  }
0x65: {  	_ =	shalt  }
0x66: {  	_ =	shalt  }
0x67: {  	_ =	shalt  }
0x68: {  	_ =	shalt  }
0x69: {  	_ =	shalt  }
0x6a: {  	_ =	shalt  }
0x6b: {  	_ =	shalt  }
0x6c: {  	_ =	shalt  }
0x6d: {  	_ =	shalt  }
0x6e: {  	_ =	shalt  }
0x6f: {  	_ =	shalt  }
0x70: {  	_ =	shalt  }
0x71: {  	_ =	shalt  }
0x72: {  	_ =	shalt  }
0x73: {  	_ =	shalt  }
0x74: {  	_ =	shalt  }
0x75: {  	_ =	shalt  }
0x76: {  	_ =	shalt  }
0x77: {  	_ =	shalt  }
0x78: {  	_ =	shalt  }
0x79: {  	_ =	shalt  }
0x7a: {  	_ =	shalt  }
0x7b: {  	_ =	shalt  }
0x7c: {  	_ =	shalt  }
0x7d: {  	_ =	shalt  }
0x7e: {  	_ =	shalt  }
0x7f: {  	_ =	shalt  }
0x80: {  	_ =	shalt  }
0x81: {  	_ =	shalt  }
0x82: {  	_ =	shalt  }
0x83: {  	_ =	shalt  }
0x84: {  	_ =	shalt  }
0x85: {  	_ =	shalt  }
0x86: {  	_ =	shalt  }
0x87: {  	_ =	shalt  }
.Lfunc_end0:
.L_simem_size_0:
called_computation_lowered:
.L_overlay_start_0:
0x88: {  	s2 =	sld [smem:$0x3FD9]  }
0x89: {  	s3 =	sld [smem:$0x3FFE];
	_ =	sdelay $0x1  }
0x8a: {  	s1 =	srdreg.scid  }
0x8b: {  	s0 =	sand.u32 $0x1, s1  }
0x8c: {  	s17 =	sshll.u32 s0, $0xA;
	s2 =	sadd.s32 s3, s2  }
0x8d: {  	s2 =	sadd.s32 s2, s17  }
0x8e: {  	[smem:$0x3FBF] =	sst s2  }
0x8f: {  	_ = 	snop  }
0x90: {  	s2 =	sld [smem:$0x3FD0];
	(tm) =	ssettm $0x1  }
0x91: {  	s18 =	sld [smem:$0x3FFB];
	_ =	sdelay $0x3  }
0x92: {  	_ =	strace s18  }
0x93: {  	s3 =	sld [smem:$0x3FFC];
	_ =	sdelay $0x3  }
0x94: {  	_ =	strace s3  }
0x95: {  	s3 =	sld [smem:$0x3FFD];
	_ =	sdelay $0x3  }
0x96: {  	_ =	strace s3  }
0x97: {  	_ =	strace $0x8FFFFFFF  }
0x98: {  	s19 =	sld [smem:$0x3FDB];
	_ =	sdelay $0x1  }
0x99: {  	s4 =	simm.s32 $_scs_section_size  }
0x9a: {  	s5 =	simm.s32 $_size__tile_overlayer_lowered;
	s6 =	simm.s32 $_tile_overlayer_lowered  }
0x9b: {  	s22 =	simm.s32 $0x1BFF;
	s21 =	sshll.u32 s6, $0x1;
	s3 =	sadd.s32 s4, s19  }
0x9c: {  	s7 =	simm.s32 $0x0;
	s20 =	sshll.u32 s5, $0x1;
	s5 =	sadd.s32 s21, s3  }
0x9d: {  	[timem:s7], [sflag:s22] =	dma.local [hbm:s5], s20  }
0x9e: {  	_ =	swait.ge [sflag:s22], s20  }
0x9f: {  	s4 =	ssub.s32 $0x0, s20;
	[sflag:s22] =	ssyncset.done $0x0  }
0xa0: {  	[sflag:s22] =	ssyncadd.s32 s4;
	_ =	sdelay $0x1  }
0xa1: {  	s23 =	simm.s32 $0x1B8B  }
0xa2: {  	_ =	swait.ge [sflag:s23], $0x1  }
0xa3: {  	[sflag:s23] =	ssyncset.done $0x0  }
0xa4: {  	s25 =	simm.s32 $0x1B8E;
	s24 =	sld [smem:$0x3FFE];
	[sflag:s23] =	ssyncadd.s32 $0xFFFFFFFF  }
0xa5: {  	s26 =	simm.s32 $execute0_lowered;
	[smem:$0x3FD2] =	sst s25  }
0xa6: {  	s5 =	sshll.u32 s26, $0x1;
	_ =	strace $0x80000046;
	[dreg:$0x1] =	wrdreg $0xFFFFFFFF  }
0xa7: {  	s28 =	simm.s32 $_size_execute0_lowered;
	s3 =	sadd.s32 s3, s5;
	[dreg:$0x0] =	wrdreg $0x0  }
0xa8: {  	s5 =	sshll.u32 s28, $0x1;
	[dreg:$0x2] =	wrdreg s3  }
0xa9: {  	[dreg:$0x3] =	wrdreg s5  }
0xaa: {  	[dreg:$0x4] =	wrdreg $0xC0  }
0xab: {  	_ =	task [dreg:s7], $0x5FFFF  }
0xac: {  	[dreg:$0x1] =	wrdreg $0xFFFFFFFF  }
0xad: {  	[dreg:$0x0] =	wrdreg $0x60  }
0xae: {  	[dreg:$0x2] =	wrdreg s2  }
0xaf: {  	[dreg:$0x3] =	wrdreg s24  }
0xb0: {  	[dreg:$0x4] =	wrdreg $0x9  }
0xb1: {  	_ =	task.clear_ibuf [dreg:s7], $0x5FFFF;
	_ =	strace $0x90000046  }
0xb2: {  	s29 =	simm.s32 $0x9;
	_ =	strace $0x80000048  }
0xb3: {  	_ =	swait.ge [sflag:s29], $0x1  }
0xb4: {  	[sflag:s29] =	ssyncadd.s32 $0xFFFFFFFF  }
0xb5: {  	_ =	strace $0x90000048  }
0xb6: {  	_ =	sfence  }
0xb7: {  	s30 =	sld [smem:$0x0];
	_ =	sdelay $0x2  }
0xb8: {  	s31 =	sshll.u32 s1, $0xD;
	s1 =	sshrl.u32 s1, $0x2  }
0xb9: {  	s3 =	sand.u32 $0x4000, s31;
	s1 =	sadd.s32 s1, s30  }
0xba: {  	s0 =	sor.u32 s3, s0;
	s1 =	sshll.u32 s1, $0x11  }
0xbb: {  	s0 =	sor.u32 s1, s0  }
0xbc: {  	s0 =	sadd.s32 $0x8F2B, s0  }
0xbd: {  	[sflag:s0] =	ssyncadd.remote.s32 $0x1  }
0xbe: {  	_ =	sfence.sel $0xFFFF  }
0xbf: {  	[dreg:$0x0] =	wrdreg $0xFFFFFFFF;
	(pc) =	sbr.abs _section_cstart, $3  }
0xc0: {  	[dreg:$0x1] =	wrdreg $0xFFFFFFFF  }
0xc1: {  	_ =	task.clear_ibuf [dreg:s7], $0x2FFFF;
	_ =	strace $0x9FFFFFFF  }
0xc2: {  	(tm) =	ssettm $0x7FFFFFFF  }
0xc3: {  	_ =	shalt  }
tec
execute0_lowered:
.L_overlay_start_1:
0x0: {  	(tag) =	ssettag $0x1  }
0x1: {  	s0 =	srdreg.scid  }
0x2: {  	s1 =	stileid.u32;
	s0 =	sand.u32 $0x1, s0  }
0x3: {  	s1 =	sshll.u32 s1, $0xB;
	s3 =	sshll.u32 s0, $0xA  }
0x4: {  	s2 =	rddreg [dreg:$0x0];
	s1 =	sor.u32 s3, s1  }
0x5: {  	s4 =	rddreg [dreg:$0x1];
	s5 =	sshrl.u32 s1, $0x3  }
0x6: {  	s3 =	simm.s32 $0x0;
	s1 =	sshll.u32 s1, $0x5;
	s5 =	sadd.s32 s5, s4  }
0x7: {  	[smem:$0x7FF] =	sst s3;
	s1 =	sadd.s32 s1, s4;
	s22 =	sadd.s32 $0x82A00, s5  }
0x8: {  	_ =	strace $0x80000047;
	s23 =	sadd.s32 $0x83A00, s1;
	[dreg:$0x3] =	wrdreg s22  }
0x9: {  	s12 =	simm.s32 $0x1;
	s24 =	sadd.s32 $0x84A00, s1;
	[dreg:$0x4] =	wrdreg s23  }
0xa: {  	s13 =	simm.s32 $0x2;
	s25 =	sadd.s32 $0x85A00, s1;
	[dreg:$0x5] =	wrdreg s24  }
0xb: {  	s0 =	ssub.s32 $0x2, s0;
	s26 =	sadd.s32 $0x86A00, s1;
	[dreg:$0x6] =	wrdreg s25  }
0xc: {  	s31 =	sshrl.u32 s0, $0x1;
	s28 =	sadd.s32 $0x87A00, s1;
	[dreg:$0x7] =	wrdreg s26  }
0xd: {  	s0 =	ssub.s32 s0, s31;
	s29 =	sadd.s32 $0x88A00, s1;
	[dreg:$0x8] =	wrdreg s28  }
0xe: {  	v2 =	vlaneseq.u32;
	s4 =	smax.u32 s0, $0x1;
	s30 =	sadd.s32 $0x89A00, s1;
	[dreg:$0x9] =	wrdreg s29  }
0xf: {  	vm0 =	vmmov $0xffff;
	v1 =	vshrl.u32 v2, $0x3;
	s1 =	sadd.s32 $0x8AA00, s1;
	s5 =	simm.s32 $0x3;
	[dreg:$0xa] =	wrdreg s30  }
0x10: {  	v0 =	vand.u32 $0x7, v2;
	v2 =	vor.u32 $0x8, v2;
	v1 =	vmul.u32 $0x8, v1;
	[dreg:$0xb] =	wrdreg s1;
	s25 =	simm.s32 $0x400;
	s22 =	simm.s32 $0x8400  }
.LBB2_1:
0x11: {  	s14 =	rddreg [dreg:$0x3]  }
0x12: {  	[tilespmem:s3], [sflag:$0x3] =	stream.linear.gather [hbm4b:s14+s3], $0x400, $0x38;
	[tilespmem:$0x10400] =	vst v63  }
0x13: {  	_ =	swait.ge [sflag:s5], $0x400  }
0x14: {  	[sflag:s5] =	ssyncset.done $0x0  }
0x15: {  	[sflag:s5] =	ssyncadd.s32 $0xFFFFFC00  }
0x16: {  	v3 =	vld [tilespmem:$0x0];
	_ =	sdelay $0x4  }
0x17: {  	v4 =	vshll.u32 v3, $0x1  }
0x18: {  	v3 =	vand.u32 $0x7, v3;
	v4 =	vand.u32 $0xFFFFFFF0, v4  }
0x19: {  	v3 =	vor.u32 v3, v4  }
0x1a: {  	v4 =	vperm.xlane v3, v0;
	_ =	sdelay $0x1  }
0x1b: {  	v3 =	vperm.xlane v3, v2;
	v4 =	vadd.s32 v1, v4;
	_ =	sdelay $0x1  }
0x1c: {  	v3 =	vadd.s32 v1, v3;
	_ =	sdelay $0x2  }
0x1d: {  	[tilespmem:s25], [sflag:$0x1] =	stream.indirect_vreg.gather [hbm4b:s2+s3], $0x80, v4, vm0, $0xb8;
	[tilespmem:$0x10400] =	vst v63  }
0x1e: {  	s0 =	simm.s32 $0xC00  }
0x1f: {  	[tilespmem:s0], [sflag:$0x1] =	stream.indirect_vreg.gather [hbm4b:s2+s3], $0x80, v3, vm0, $0xb8;
	[tilespmem:$0x10400] =	vst v63  }
0x20: {  	v3 =	vld [tilespmem:$0x10];
	_ =	sdelay $0x4  }
0x21: {  	v57 =	vshll.u32 v3, $0x1  }
0x22: {  	v3 =	vand.u32 $0x7, v3;
	v4 =	vand.u32 $0xFFFFFFF0, v57  }
0x23: {  	v3 =	vor.u32 v3, v4  }
0x24: {  	v4 =	vperm.xlane v3, v0;
	_ =	sdelay $0x1  }
0x25: {  	v3 =	vperm.xlane v3, v2;
	v4 =	vadd.s32 v1, v4;
	_ =	sdelay $0x1  }
0x26: {  	v3 =	vadd.s32 v1, v3;
	_ =	sdelay $0x1  }
0x27: {  	s28 =	simm.s32 $0x1400  }
0x28: {  	[tilespmem:s28], [sflag:$0x1] =	stream.indirect_vreg.gather [hbm4b:s2+s3], $0x80, v4, vm0, $0xb8;
	[tilespmem:$0x10400] =	vst v63  }
0x29: {  	s29 =	simm.s32 $0x1C00  }
0x2a: {  	[tilespmem:s29], [sflag:$0x1] =	stream.indirect_vreg.gather [hbm4b:s2+s3], $0x80, v3, vm0, $0xb8;
	[tilespmem:$0x10400] =	vst v63  }
0x2b: {  	v3 =	vld [tilespmem:$0x20];
	_ =	sdelay $0x4  }
0x2c: {  	v58 =	vshll.u32 v3, $0x1  }
0x2d: {  	v3 =	vand.u32 $0x7, v3;
	v4 =	vand.u32 $0xFFFFFFF0, v58  }
0x2e: {  	v3 =	vor.u32 v3, v4  }
0x2f: {  	v4 =	vperm.xlane v3, v0;
	_ =	sdelay $0x1  }
0x30: {  	v3 =	vperm.xlane v3, v2;
	v4 =	vadd.s32 v1, v4;
	_ =	sdelay $0x1  }
0x31: {  	v3 =	vadd.s32 v1, v3;
	_ =	sdelay $0x1  }
0x32: {  	s30 =	simm.s32 $0x2400  }
0x33: {  	[tilespmem:s30], [sflag:$0x1] =	stream.indirect_vreg.gather [hbm4b:s2+s3], $0x80, v4, vm0, $0xb8;
	[tilespmem:$0x10400] =	vst v63  }
0x34: {  	s31 =	simm.s32 $0x2C00  }
0x35: {  	[tilespmem:s31], [sflag:$0x1] =	stream.indirect_vreg.gather [hbm4b:s2+s3], $0x80, v3, vm0, $0xb8;
	[tilespmem:$0x10400] =	vst v63  }
0x36: {  	v3 =	vld [tilespmem:$0x30];
	_ =	sdelay $0x4  }
0x37: {  	v59 =	vshll.u32 v3, $0x1  }
0x38: {  	v3 =	vand.u32 $0x7, v3;
	v4 =	vand.u32 $0xFFFFFFF0, v59  }
0x39: {  	v3 =	vor.u32 v3, v4  }
0x3a: {  	v4 =	vperm.xlane v3, v0;
	_ =	sdelay $0x1  }
0x3b: {  	v3 =	vperm.xlane v3, v2;
	v4 =	vadd.s32 v1, v4;
	_ =	sdelay $0x1  }
0x3c: {  	v3 =	vadd.s32 v1, v3;
	_ =	sdelay $0x1  }
0x3d: {  	s1 =	simm.s32 $0x3400  }
0x3e: {  	[tilespmem:s1], [sflag:$0x1] =	stream.indirect_vreg.gather [hbm4b:s2+s3], $0x80, v4, vm0, $0xb8;
	[tilespmem:$0x10400] =	vst v63  }
0x3f: {  	s10 =	simm.s32 $0x3C00  }
0x40: {  	[tilespmem:s10], [sflag:$0x1] =	stream.indirect_vreg.gather [hbm4b:s2+s3], $0x80, v3, vm0, $0xb8;
	[tilespmem:$0x10400] =	vst v63  }
0x41: {  	v3 =	vld [tilespmem:$0x40];
	_ =	sdelay $0x4  }
0x42: {  	v60 =	vshll.u32 v3, $0x1  }
0x43: {  	v3 =	vand.u32 $0x7, v3;
	v4 =	vand.u32 $0xFFFFFFF0, v60  }
0x44: {  	v3 =	vor.u32 v3, v4  }
0x45: {  	v4 =	vperm.xlane v3, v0;
	_ =	sdelay $0x1  }
0x46: {  	v3 =	vperm.xlane v3, v2;
	v4 =	vadd.s32 v1, v4;
	_ =	sdelay $0x1  }
0x47: {  	v3 =	vadd.s32 v1, v3;
	_ =	sdelay $0x1  }
0x48: {  	s11 =	simm.s32 $0x4400  }
0x49: {  	[tilespmem:s11], [sflag:$0x1] =	stream.indirect_vreg.gather [hbm4b:s2+s3], $0x80, v4, vm0, $0xb8;
	[tilespmem:$0x10400] =	vst v63  }
0x4a: {  	s14 =	simm.s32 $0x4C00  }
0x4b: {  	[tilespmem:s14], [sflag:$0x1] =	stream.indirect_vreg.gather [hbm4b:s2+s3], $0x80, v3, vm0, $0xb8;
	[tilespmem:$0x10400] =	vst v63  }
0x4c: {  	v3 =	vld [tilespmem:$0x50];
	_ =	sdelay $0x4  }
0x4d: {  	v61 =	vshll.u32 v3, $0x1  }
0x4e: {  	v3 =	vand.u32 $0x7, v3;
	v4 =	vand.u32 $0xFFFFFFF0, v61  }
0x4f: {  	v3 =	vor.u32 v3, v4  }
0x50: {  	v4 =	vperm.xlane v3, v0;
	_ =	sdelay $0x1  }
0x51: {  	v3 =	vperm.xlane v3, v2;
	v4 =	vadd.s32 v1, v4;
	_ =	sdelay $0x1  }
0x52: {  	v3 =	vadd.s32 v1, v3;
	_ =	sdelay $0x1  }
0x53: {  	s15 =	simm.s32 $0x5400  }
0x54: {  	[tilespmem:s15], [sflag:$0x1] =	stream.indirect_vreg.gather [hbm4b:s2+s3], $0x80, v4, vm0, $0xb8;
	[tilespmem:$0x10400] =	vst v63  }
0x55: {  	s16 =	simm.s32 $0x5C00  }
0x56: {  	[tilespmem:s16], [sflag:$0x1] =	stream.indirect_vreg.gather [hbm4b:s2+s3], $0x80, v3, vm0, $0xb8;
	[tilespmem:$0x10400] =	vst v63  }
0x57: {  	v3 =	vld [tilespmem:$0x60];
	_ =	sdelay $0x4  }
0x58: {  	v62 =	vshll.u32 v3, $0x1  }
0x59: {  	v3 =	vand.u32 $0x7, v3;
	v4 =	vand.u32 $0xFFFFFFF0, v62  }
0x5a: {  	v3 =	vor.u32 v3, v4  }
0x5b: {  	v4 =	vperm.xlane v3, v0;
	_ =	sdelay $0x1  }
0x5c: {  	v3 =	vperm.xlane v3, v2;
	v4 =	vadd.s32 v1, v4;
	_ =	sdelay $0x1  }
0x5d: {  	v3 =	vadd.s32 v1, v3;
	_ =	sdelay $0x1  }
0x5e: {  	s17 =	simm.s32 $0x6400  }
0x5f: {  	[tilespmem:s17], [sflag:$0x1] =	stream.indirect_vreg.gather [hbm4b:s2+s3], $0x80, v4, vm0, $0xb8;
	[tilespmem:$0x10400] =	vst v63  }
0x60: {  	s18 =	simm.s32 $0x6C00  }
0x61: {  	[tilespmem:s18], [sflag:$0x1] =	stream.indirect_vreg.gather [hbm4b:s2+s3], $0x80, v3, vm0, $0xb8;
	[tilespmem:$0x10400] =	vst v63  }
0x62: {  	v3 =	vld [tilespmem:$0x70];
	_ =	sdelay $0x4  }
0x63: {  	v63 =	vshll.u32 v3, $0x1  }
0x64: {  	v3 =	vand.u32 $0x7, v3;
	v4 =	vand.u32 $0xFFFFFFF0, v63  }
0x65: {  	v3 =	vor.u32 v3, v4  }
0x66: {  	v4 =	vperm.xlane v3, v0;
	_ =	sdelay $0x1  }
0x67: {  	v3 =	vperm.xlane v3, v2;
	v4 =	vadd.s32 v1, v4;
	_ =	sdelay $0x1  }
0x68: {  	v3 =	vadd.s32 v1, v3;
	_ =	sdelay $0x1  }
0x69: {  	s19 =	simm.s32 $0x7400  }
0x6a: {  	[tilespmem:s19], [sflag:$0x1] =	stream.indirect_vreg.gather [hbm4b:s2+s3], $0x80, v4, vm0, $0xb8;
	[tilespmem:$0x10400] =	vst v63  }
0x6b: {  	s20 =	simm.s32 $0x7C00  }
0x6c: {  	[tilespmem:s20], [sflag:$0x1] =	stream.indirect_vreg.gather [hbm4b:s2+s3], $0x80, v3, vm0, $0xb8;
	[tilespmem:$0x10400] =	vst v63  }
0x6d: {  	v3 =	vld [tilespmem:$0x80];
	_ =	sdelay $0x4  }
0x6e: {  	v8 =	vshll.u32 v3, $0x1  }
0x6f: {  	v3 =	vand.u32 $0x7, v3;
	v4 =	vand.u32 $0xFFFFFFF0, v8  }
0x70: {  	v3 =	vor.u32 v3, v4  }
0x71: {  	v4 =	vperm.xlane v3, v0;
	_ =	sdelay $0x1  }
0x72: {  	v3 =	vperm.xlane v3, v2;
	v4 =	vadd.s32 v1, v4;
	_ =	sdelay $0x1  }
0x73: {  	v3 =	vadd.s32 v1, v3;
	_ =	sdelay $0x2  }
0x74: {  	[tilespmem:s22], [sflag:$0x2] =	stream.indirect_vreg.gather [hbm4b:s2+s3], $0x80, v4, vm0, $0xb8;
	[tilespmem:$0x10400] =	vst v63  }
0x75: {  	s21 =	simm.s32 $0x8C00  }
0x76: {  	[tilespmem:s21], [sflag:$0x2] =	stream.indirect_vreg.gather [hbm4b:s2+s3], $0x80, v3, vm0, $0xb8;
	[tilespmem:$0x10400] =	vst v63  }
0x77: {  	v3 =	vld [tilespmem:$0x90];
	_ =	sdelay $0x4  }
0x78: {  	v9 =	vshll.u32 v3, $0x1  }
0x79: {  	v3 =	vand.u32 $0x7, v3;
	v4 =	vand.u32 $0xFFFFFFF0, v9  }
0x7a: {  	v3 =	vor.u32 v3, v4  }
0x7b: {  	v4 =	vperm.xlane v3, v0;
	_ =	sdelay $0x1  }
0x7c: {  	v3 =	vperm.xlane v3, v2;
	v4 =	vadd.s32 v1, v4;
	_ =	sdelay $0x1  }
0x7d: {  	v3 =	vadd.s32 v1, v3;
	_ =	sdelay $0x1  }
0x7e: {  	s23 =	simm.s32 $0x9400  }
0x7f: {  	[tilespmem:s23], [sflag:$0x2] =	stream.indirect_vreg.gather [hbm4b:s2+s3], $0x80, v4, vm0, $0xb8;
	[tilespmem:$0x10400] =	vst v63  }
0x80: {  	s24 =	simm.s32 $0x9C00  }
0x81: {  	[tilespmem:s24], [sflag:$0x2] =	stream.indirect_vreg.gather [hbm4b:s2+s3], $0x80, v3, vm0, $0xb8;
	[tilespmem:$0x10400] =	vst v63  }
0x82: {  	v3 =	vld [tilespmem:$0xA0];
	_ =	sdelay $0x4  }
0x83: {  	v10 =	vshll.u32 v3, $0x1  }
0x84: {  	v3 =	vand.u32 $0x7, v3;
	v4 =	vand.u32 $0xFFFFFFF0, v10  }
0x85: {  	v3 =	vor.u32 v3, v4  }
0x86: {  	v4 =	vperm.xlane v3, v0;
	_ =	sdelay $0x1  }
0x87: {  	v3 =	vperm.xlane v3, v2;
	v4 =	vadd.s32 v1, v4;
	_ =	sdelay $0x1  }
0x88: {  	v3 =	vadd.s32 v1, v3;
	_ =	sdelay $0x1  }
0x89: {  	s26 =	simm.s32 $0xA400  }
0x8a: {  	[tilespmem:s26], [sflag:$0x2] =	stream.indirect_vreg.gather [hbm4b:s2+s3], $0x80, v4, vm0, $0xb8;
	[tilespmem:$0x10400] =	vst v63  }
0x8b: {  	s28 =	simm.s32 $0xAC00  }
0x8c: {  	[tilespmem:s28], [sflag:$0x2] =	stream.indirect_vreg.gather [hbm4b:s2+s3], $0x80, v3, vm0, $0xb8;
	[tilespmem:$0x10400] =	vst v63  }
0x8d: {  	v3 =	vld [tilespmem:$0xB0];
	_ =	sdelay $0x4  }
0x8e: {  	v11 =	vshll.u32 v3, $0x1  }
0x8f: {  	v3 =	vand.u32 $0x7, v3;
	v4 =	vand.u32 $0xFFFFFFF0, v11  }
0x90: {  	v3 =	vor.u32 v3, v4  }
0x91: {  	v4 =	vperm.xlane v3, v0;
	_ =	sdelay $0x1  }
0x92: {  	v3 =	vperm.xlane v3, v2;
	v4 =	vadd.s32 v1, v4;
	_ =	sdelay $0x1  }
0x93: {  	v3 =	vadd.s32 v1, v3;
	_ =	sdelay $0x1  }
0x94: {  	s29 =	simm.s32 $0xB400  }
0x95: {  	[tilespmem:s29], [sflag:$0x2] =	stream.indirect_vreg.gather [hbm4b:s2+s3], $0x80, v4, vm0, $0xb8;
	[tilespmem:$0x10400] =	vst v63  }
0x96: {  	s30 =	simm.s32 $0xBC00  }
0x97: {  	[tilespmem:s30], [sflag:$0x2] =	stream.indirect_vreg.gather [hbm4b:s2+s3], $0x80, v3, vm0, $0xb8;
	[tilespmem:$0x10400] =	vst v63  }
0x98: {  	v3 =	vld [tilespmem:$0xC0];
	_ =	sdelay $0x4  }
0x99: {  	v12 =	vshll.u32 v3, $0x1  }
0x9a: {  	v3 =	vand.u32 $0x7, v3;
	v4 =	vand.u32 $0xFFFFFFF0, v12  }
0x9b: {  	v3 =	vor.u32 v3, v4  }
0x9c: {  	v4 =	vperm.xlane v3, v0;
	_ =	sdelay $0x1  }
0x9d: {  	v3 =	vperm.xlane v3, v2;
	v4 =	vadd.s32 v1, v4;
	_ =	sdelay $0x1  }
0x9e: {  	v3 =	vadd.s32 v1, v3;
	_ =	sdelay $0x1  }
0x9f: {  	s31 =	simm.s32 $0xC400  }
0xa0: {  	[tilespmem:s31], [sflag:$0x2] =	stream.indirect_vreg.gather [hbm4b:s2+s3], $0x80, v4, vm0, $0xb8;
	[tilespmem:$0x10400] =	vst v63  }
0xa1: {  	s0 =	simm.s32 $0xCC00  }
0xa2: {  	[tilespmem:s0], [sflag:$0x2] =	stream.indirect_vreg.gather [hbm4b:s2+s3], $0x80, v3, vm0, $0xb8;
	[tilespmem:$0x10400] =	vst v63  }
0xa3: {  	v3 =	vld [tilespmem:$0xD0];
	_ =	sdelay $0x4  }
0xa4: {  	v13 =	vshll.u32 v3, $0x1  }
0xa5: {  	v3 =	vand.u32 $0x7, v3;
	v4 =	vand.u32 $0xFFFFFFF0, v13  }
0xa6: {  	v3 =	vor.u32 v3, v4  }
0xa7: {  	v4 =	vperm.xlane v3, v0;
	_ =	sdelay $0x1  }
0xa8: {  	v3 =	vperm.xlane v3, v2;
	v4 =	vadd.s32 v1, v4;
	_ =	sdelay $0x1  }
0xa9: {  	v3 =	vadd.s32 v1, v3;
	_ =	sdelay $0x1  }
0xaa: {  	s11 =	simm.s32 $0xD400  }
0xab: {  	[tilespmem:s11], [sflag:$0x2] =	stream.indirect_vreg.gather [hbm4b:s2+s3], $0x80, v4, vm0, $0xb8;
	[tilespmem:$0x10400] =	vst v63  }
0xac: {  	s16 =	simm.s32 $0xDC00  }
0xad: {  	[tilespmem:s16], [sflag:$0x2] =	stream.indirect_vreg.gather [hbm4b:s2+s3], $0x80, v3, vm0, $0xb8;
	[tilespmem:$0x10400] =	vst v63  }
0xae: {  	v3 =	vld [tilespmem:$0xE0];
	_ =	sdelay $0x4  }
0xaf: {  	v14 =	vshll.u32 v3, $0x1  }
0xb0: {  	v3 =	vand.u32 $0x7, v3;
	v4 =	vand.u32 $0xFFFFFFF0, v14  }
0xb1: {  	v3 =	vor.u32 v3, v4  }
0xb2: {  	v4 =	vperm.xlane v3, v0;
	_ =	sdelay $0x1  }
0xb3: {  	v3 =	vperm.xlane v3, v2;
	v4 =	vadd.s32 v1, v4;
	_ =	sdelay $0x1  }
0xb4: {  	v3 =	vadd.s32 v1, v3;
	_ =	sdelay $0x1  }
0xb5: {  	s17 =	simm.s32 $0xE400  }
0xb6: {  	[tilespmem:s17], [sflag:$0x2] =	stream.indirect_vreg.gather [hbm4b:s2+s3], $0x80, v4, vm0, $0xb8;
	[tilespmem:$0x10400] =	vst v63  }
0xb7: {  	s18 =	simm.s32 $0xEC00  }
0xb8: {  	[tilespmem:s18], [sflag:$0x2] =	stream.indirect_vreg.gather [hbm4b:s2+s3], $0x80, v3, vm0, $0xb8;
	[tilespmem:$0x10400] =	vst v63  }
0xb9: {  	v3 =	vld [tilespmem:$0xF0];
	_ =	sdelay $0x4  }
0xba: {  	v15 =	vshll.u32 v3, $0x1  }
0xbb: {  	v3 =	vand.u32 $0x7, v3;
	v4 =	vand.u32 $0xFFFFFFF0, v15  }
0xbc: {  	v3 =	vor.u32 v3, v4  }
0xbd: {  	v4 =	vperm.xlane v3, v0;
	_ =	sdelay $0x1  }
0xbe: {  	v3 =	vperm.xlane v3, v2;
	v4 =	vadd.s32 v1, v4;
	_ =	sdelay $0x1  }
0xbf: {  	v3 =	vadd.s32 v1, v3;
	_ =	sdelay $0x1  }
0xc0: {  	s19 =	simm.s32 $0xF400  }
0xc1: {  	[tilespmem:s19], [sflag:$0x2] =	stream.indirect_vreg.gather [hbm4b:s2+s3], $0x80, v4, vm0, $0xb8;
	[tilespmem:$0x10400] =	vst v63  }
0xc2: {  	s26 =	simm.s32 $0xFC00  }
0xc3: {  	[tilespmem:s26], [sflag:$0x2] =	stream.indirect_vreg.gather [hbm4b:s2+s3], $0x80, v3, vm0, $0xb8;
	[tilespmem:$0x10400] =	vst v63  }
0xc4: {  	_ =	swait.ge [sflag:s12], $0x8000  }
0xc5: {  	[sflag:s12] =	ssyncset.done $0x0  }
0xc6: {  	s0 =	rddreg [dreg:$0x4];
	[sflag:s12] =	ssyncadd.s32 $0xFFFF8000  }
0xc7: {  	[hbm4b:s0+s3] =	stream.linear.scatter [tilespmem:s25], [sflag:$0x3], $0x8000, $0x38;
	[tilespmem:$0x10400] =	vst v63  }
0xc8: {  	_ =	swait.ge [sflag:s5], $0x8000  }
0xc9: {  	[sflag:s5] =	ssyncset.done $0x0  }
0xca: {  	[sflag:s5] =	ssyncadd.s32 $0xFFFF8000  }
0xcb: {  	v3 =	vld [tilespmem:$0x100];
	_ =	sdelay $0x4  }
0xcc: {  	v16 =	vshll.u32 v3, $0x1  }
0xcd: {  	v3 =	vand.u32 $0x7, v3;
	v4 =	vand.u32 $0xFFFFFFF0, v16  }
0xce: {  	v3 =	vor.u32 v3, v4  }
0xcf: {  	v4 =	vperm.xlane v3, v0;
	_ =	sdelay $0x1  }
0xd0: {  	v3 =	vperm.xlane v3, v2;
	v4 =	vadd.s32 v1, v4;
	_ =	sdelay $0x1  }
0xd1: {  	v3 =	vadd.s32 v1, v3;
	_ =	sdelay $0x2  }
0xd2: {  	[tilespmem:s25], [sflag:$0x1] =	stream.indirect_vreg.gather [hbm4b:s2+s3], $0x80, v4, vm0, $0xb8;
	[tilespmem:$0x10400] =	vst v63  }
0xd3: {  	s8 =	simm.s32 $0xC00  }
0xd4: {  	[tilespmem:s8], [sflag:$0x1] =	stream.indirect_vreg.gather [hbm4b:s2+s3], $0x80, v3, vm0, $0xb8;
	[tilespmem:$0x10400] =	vst v63  }
0xd5: {  	v3 =	vld [tilespmem:$0x110];
	_ =	sdelay $0x4  }
0xd6: {  	v17 =	vshll.u32 v3, $0x1  }
0xd7: {  	v3 =	vand.u32 $0x7, v3;
	v4 =	vand.u32 $0xFFFFFFF0, v17  }
0xd8: {  	v3 =	vor.u32 v3, v4  }
0xd9: {  	v4 =	vperm.xlane v3, v0;
	_ =	sdelay $0x1  }
0xda: {  	v3 =	vperm.xlane v3, v2;
	v4 =	vadd.s32 v1, v4;
	_ =	sdelay $0x1  }
0xdb: {  	v3 =	vadd.s32 v1, v3;
	_ =	sdelay $0x1  }
0xdc: {  	s6 =	simm.s32 $0x1400  }
0xdd: {  	[tilespmem:s6], [sflag:$0x1] =	stream.indirect_vreg.gather [hbm4b:s2+s3], $0x80, v4, vm0, $0xb8;
	[tilespmem:$0x10400] =	vst v63  }
0xde: {  	s9 =	simm.s32 $0x1C00  }
0xdf: {  	[tilespmem:s9], [sflag:$0x1] =	stream.indirect_vreg.gather [hbm4b:s2+s3], $0x80, v3, vm0, $0xb8;
	[tilespmem:$0x10400] =	vst v63  }
0xe0: {  	v3 =	vld [tilespmem:$0x120];
	_ =	sdelay $0x4  }
0xe1: {  	v18 =	vshll.u32 v3, $0x1  }
0xe2: {  	v3 =	vand.u32 $0x7, v3;
	v4 =	vand.u32 $0xFFFFFFF0, v18  }
0xe3: {  	v3 =	vor.u32 v3, v4  }
0xe4: {  	v4 =	vperm.xlane v3, v0;
	_ =	sdelay $0x1  }
0xe5: {  	v3 =	vperm.xlane v3, v2;
	v4 =	vadd.s32 v1, v4;
	_ =	sdelay $0x1  }
0xe6: {  	v3 =	vadd.s32 v1, v3;
	_ =	sdelay $0x1  }
0xe7: {  	s7 =	simm.s32 $0x2400  }
0xe8: {  	[tilespmem:s7], [sflag:$0x1] =	stream.indirect_vreg.gather [hbm4b:s2+s3], $0x80, v4, vm0, $0xb8;
	[tilespmem:$0x10400] =	vst v63  }
0xe9: {  	s19 =	simm.s32 $0x2C00  }
0xea: {  	[tilespmem:s19], [sflag:$0x1] =	stream.indirect_vreg.gather [hbm4b:s2+s3], $0x80, v3, vm0, $0xb8;
	[tilespmem:$0x10400] =	vst v63  }
0xeb: {  	v3 =	vld [tilespmem:$0x130];
	_ =	sdelay $0x4  }
0xec: {  	v19 =	vshll.u32 v3, $0x1  }
0xed: {  	v3 =	vand.u32 $0x7, v3;
	v4 =	vand.u32 $0xFFFFFFF0, v19  }
0xee: {  	v3 =	vor.u32 v3, v4  }
0xef: {  	v4 =	vperm.xlane v3, v0;
	_ =	sdelay $0x1  }
0xf0: {  	v3 =	vperm.xlane v3, v2;
	v4 =	vadd.s32 v1, v4;
	_ =	sdelay $0x1  }
0xf1: {  	v3 =	vadd.s32 v1, v3;
	_ =	sdelay $0x1  }
0xf2: {  	s8 =	simm.s32 $0x3400  }
0xf3: {  	[tilespmem:s8], [sflag:$0x1] =	stream.indirect_vreg.gather [hbm4b:s2+s3], $0x80, v4, vm0, $0xb8;
	[tilespmem:$0x10400] =	vst v63  }
0xf4: {  	s10 =	simm.s32 $0x3C00  }
0xf5: {  	[tilespmem:s10], [sflag:$0x1] =	stream.indirect_vreg.gather [hbm4b:s2+s3], $0x80, v3, vm0, $0xb8;
	[tilespmem:$0x10400] =	vst v63  }
0xf6: {  	v3 =	vld [tilespmem:$0x140];
	_ =	sdelay $0x4  }
0xf7: {  	v20 =	vshll.u32 v3, $0x1  }
0xf8: {  	v3 =	vand.u32 $0x7, v3;
	v4 =	vand.u32 $0xFFFFFFF0, v20  }
0xf9: {  	v3 =	vor.u32 v3, v4  }
0xfa: {  	v4 =	vperm.xlane v3, v0;
	_ =	sdelay $0x1  }
0xfb: {  	v3 =	vperm.xlane v3, v2;
	v4 =	vadd.s32 v1, v4;
	_ =	sdelay $0x1  }
0xfc: {  	v3 =	vadd.s32 v1, v3;
	_ =	sdelay $0x1  }
0xfd: {  	s9 =	simm.s32 $0x4400  }
0xfe: {  	[tilespmem:s9], [sflag:$0x1] =	stream.indirect_vreg.gather [hbm4b:s2+s3], $0x80, v4, vm0, $0xb8;
	[tilespmem:$0x10400] =	vst v63  }
0xff: {  	s11 =	simm.s32 $0x4C00  }
0x100: {  	[tilespmem:s11], [sflag:$0x1] =	stream.indirect_vreg.gather [hbm4b:s2+s3], $0x80, v3, vm0, $0xb8;
	[tilespmem:$0x10400] =	vst v63  }
0x101: {  	v3 =	vld [tilespmem:$0x150];
	_ =	sdelay $0x4  }
0x102: {  	v21 =	vshll.u32 v3, $0x1  }
0x103: {  	v3 =	vand.u32 $0x7, v3;
	v4 =	vand.u32 $0xFFFFFFF0, v21  }
0x104: {  	v3 =	vor.u32 v3, v4  }
0x105: {  	v4 =	vperm.xlane v3, v0;
	_ =	sdelay $0x1  }
0x106: {  	v3 =	vperm.xlane v3, v2;
	v4 =	vadd.s32 v1, v4;
	_ =	sdelay $0x1  }
0x107: {  	v3 =	vadd.s32 v1, v3;
	_ =	sdelay $0x1  }
0x108: {  	s10 =	simm.s32 $0x5400  }
0x109: {  	[tilespmem:s10], [sflag:$0x1] =	stream.indirect_vreg.gather [hbm4b:s2+s3], $0x80, v4, vm0, $0xb8;
	[tilespmem:$0x10400] =	vst v63  }
0x10a: {  	s15 =	simm.s32 $0x5C00  }
0x10b: {  	[tilespmem:s15], [sflag:$0x1] =	stream.indirect_vreg.gather [hbm4b:s2+s3], $0x80, v3, vm0, $0xb8;
	[tilespmem:$0x10400] =	vst v63  }
0x10c: {  	v3 =	vld [tilespmem:$0x160];
	_ =	sdelay $0x4  }
0x10d: {  	v22 =	vshll.u32 v3, $0x1  }
0x10e: {  	v3 =	vand.u32 $0x7, v3;
	v4 =	vand.u32 $0xFFFFFFF0, v22  }
0x10f: {  	v3 =	vor.u32 v3, v4  }
0x110: {  	v4 =	vperm.xlane v3, v0;
	_ =	sdelay $0x1  }
0x111: {  	v3 =	vperm.xlane v3, v2;
	v4 =	vadd.s32 v1, v4;
	_ =	sdelay $0x1  }
0x112: {  	v3 =	vadd.s32 v1, v3;
	_ =	sdelay $0x1  }
0x113: {  	s15 =	simm.s32 $0x6400  }
0x114: {  	[tilespmem:s15], [sflag:$0x1] =	stream.indirect_vreg.gather [hbm4b:s2+s3], $0x80, v4, vm0, $0xb8;
	[tilespmem:$0x10400] =	vst v63  }
0x115: {  	s16 =	simm.s32 $0x6C00  }
0x116: {  	[tilespmem:s16], [sflag:$0x1] =	stream.indirect_vreg.gather [hbm4b:s2+s3], $0x80, v3, vm0, $0xb8;
	[tilespmem:$0x10400] =	vst v63  }
0x117: {  	v3 =	vld [tilespmem:$0x170];
	_ =	sdelay $0x4  }
0x118: {  	v23 =	vshll.u32 v3, $0x1  }
0x119: {  	v3 =	vand.u32 $0x7, v3;
	v4 =	vand.u32 $0xFFFFFFF0, v23  }
0x11a: {  	v3 =	vor.u32 v3, v4  }
0x11b: {  	v4 =	vperm.xlane v3, v0;
	_ =	sdelay $0x1  }
0x11c: {  	v3 =	vperm.xlane v3, v2;
	v4 =	vadd.s32 v1, v4;
	_ =	sdelay $0x1  }
0x11d: {  	v3 =	vadd.s32 v1, v3;
	_ =	sdelay $0x1  }
0x11e: {  	s17 =	simm.s32 $0x7400  }
0x11f: {  	[tilespmem:s17], [sflag:$0x1] =	stream.indirect_vreg.gather [hbm4b:s2+s3], $0x80, v4, vm0, $0xb8;
	[tilespmem:$0x10400] =	vst v63  }
0x120: {  	s18 =	simm.s32 $0x7C00  }
0x121: {  	[tilespmem:s18], [sflag:$0x1] =	stream.indirect_vreg.gather [hbm4b:s2+s3], $0x80, v3, vm0, $0xb8;
	[tilespmem:$0x10400] =	vst v63  }
0x122: {  	_ =	swait.ge [sflag:s13], $0x8000  }
0x123: {  	[sflag:s13] =	ssyncset.done $0x0  }
0x124: {  	s7 =	rddreg [dreg:$0x5];
	[sflag:s13] =	ssyncadd.s32 $0xFFFF8000  }
0x125: {  	[hbm4b:s7+s3] =	stream.linear.scatter [tilespmem:s22], [sflag:$0x3], $0x8000, $0x38;
	[tilespmem:$0x10400] =	vst v63  }
0x126: {  	_ =	swait.ge [sflag:s5], $0x8000  }
0x127: {  	[sflag:s5] =	ssyncset.done $0x0  }
0x128: {  	[sflag:s5] =	ssyncadd.s32 $0xFFFF8000  }
0x129: {  	v3 =	vld [tilespmem:$0x180];
	_ =	sdelay $0x4  }
0x12a: {  	v24 =	vshll.u32 v3, $0x1  }
0x12b: {  	v3 =	vand.u32 $0x7, v3;
	v4 =	vand.u32 $0xFFFFFFF0, v24  }
0x12c: {  	v3 =	vor.u32 v3, v4  }
0x12d: {  	v4 =	vperm.xlane v3, v0;
	_ =	sdelay $0x1  }
0x12e: {  	v3 =	vperm.xlane v3, v2;
	v4 =	vadd.s32 v1, v4;
	_ =	sdelay $0x1  }
0x12f: {  	v3 =	vadd.s32 v1, v3;
	_ =	sdelay $0x2  }
0x130: {  	[tilespmem:s22], [sflag:$0x2] =	stream.indirect_vreg.gather [hbm4b:s2+s3], $0x80, v4, vm0, $0xb8;
	[tilespmem:$0x10400] =	vst v63  }
0x131: {  	s1 =	simm.s32 $0x8C00  }
0x132: {  	[tilespmem:s1], [sflag:$0x2] =	stream.indirect_vreg.gather [hbm4b:s2+s3], $0x80, v3, vm0, $0xb8;
	[tilespmem:$0x10400] =	vst v63  }
0x133: {  	v3 =	vld [tilespmem:$0x190];
	_ =	sdelay $0x4  }
0x134: {  	v25 =	vshll.u32 v3, $0x1  }
0x135: {  	v3 =	vand.u32 $0x7, v3;
	v4 =	vand.u32 $0xFFFFFFF0, v25  }
0x136: {  	v3 =	vor.u32 v3, v4  }
0x137: {  	v4 =	vperm.xlane v3, v0;
	_ =	sdelay $0x1  }
0x138: {  	v3 =	vperm.xlane v3, v2;
	v4 =	vadd.s32 v1, v4;
	_ =	sdelay $0x1  }
0x139: {  	v3 =	vadd.s32 v1, v3;
	_ =	sdelay $0x1  }
0x13a: {  	s0 =	simm.s32 $0x9400  }
0x13b: {  	[tilespmem:s0], [sflag:$0x2] =	stream.indirect_vreg.gather [hbm4b:s2+s3], $0x80, v4, vm0, $0xb8;
	[tilespmem:$0x10400] =	vst v63  }
0x13c: {  	s6 =	simm.s32 $0x9C00  }
0x13d: {  	[tilespmem:s6], [sflag:$0x2] =	stream.indirect_vreg.gather [hbm4b:s2+s3], $0x80, v3, vm0, $0xb8;
	[tilespmem:$0x10400] =	vst v63  }
0x13e: {  	v3 =	vld [tilespmem:$0x1A0];
	_ =	sdelay $0x4  }
0x13f: {  	v26 =	vshll.u32 v3, $0x1  }
0x140: {  	v3 =	vand.u32 $0x7, v3;
	v4 =	vand.u32 $0xFFFFFFF0, v26  }
0x141: {  	v3 =	vor.u32 v3, v4  }
0x142: {  	v4 =	vperm.xlane v3, v0;
	_ =	sdelay $0x1  }
0x143: {  	v3 =	vperm.xlane v3, v2;
	v4 =	vadd.s32 v1, v4;
	_ =	sdelay $0x1  }
0x144: {  	v3 =	vadd.s32 v1, v3;
	_ =	sdelay $0x1  }
0x145: {  	s1 =	simm.s32 $0xA400  }
0x146: {  	[tilespmem:s1], [sflag:$0x2] =	stream.indirect_vreg.gather [hbm4b:s2+s3], $0x80, v4, vm0, $0xb8;
	[tilespmem:$0x10400] =	vst v63  }
0x147: {  	s7 =	simm.s32 $0xAC00  }
0x148: {  	[tilespmem:s7], [sflag:$0x2] =	stream.indirect_vreg.gather [hbm4b:s2+s3], $0x80, v3, vm0, $0xb8;
	[tilespmem:$0x10400] =	vst v63  }
0x149: {  	v3 =	vld [tilespmem:$0x1B0];
	_ =	sdelay $0x4  }
0x14a: {  	v27 =	vshll.u32 v3, $0x1  }
0x14b: {  	v3 =	vand.u32 $0x7, v3;
	v4 =	vand.u32 $0xFFFFFFF0, v27  }
0x14c: {  	v3 =	vor.u32 v3, v4  }
0x14d: {  	v4 =	vperm.xlane v3, v0;
	_ =	sdelay $0x1  }
0x14e: {  	v3 =	vperm.xlane v3, v2;
	v4 =	vadd.s32 v1, v4;
	_ =	sdelay $0x1  }
0x14f: {  	v3 =	vadd.s32 v1, v3;
	_ =	sdelay $0x1  }
0x150: {  	s28 =	simm.s32 $0xB400  }
0x151: {  	[tilespmem:s28], [sflag:$0x2] =	stream.indirect_vreg.gather [hbm4b:s2+s3], $0x80, v4, vm0, $0xb8;
	[tilespmem:$0x10400] =	vst v63  }
0x152: {  	s21 =	simm.s32 $0xBC00  }
0x153: {  	[tilespmem:s21], [sflag:$0x2] =	stream.indirect_vreg.gather [hbm4b:s2+s3], $0x80, v3, vm0, $0xb8;
	[tilespmem:$0x10400] =	vst v63  }
0x154: {  	v3 =	vld [tilespmem:$0x1C0];
	_ =	sdelay $0x4  }
0x155: {  	v28 =	vshll.u32 v3, $0x1  }
0x156: {  	v3 =	vand.u32 $0x7, v3;
	v4 =	vand.u32 $0xFFFFFFF0, v28  }
0x157: {  	v3 =	vor.u32 v3, v4  }
0x158: {  	v4 =	vperm.xlane v3, v0;
	_ =	sdelay $0x1  }
0x159: {  	v3 =	vperm.xlane v3, v2;
	v4 =	vadd.s32 v1, v4;
	_ =	sdelay $0x1  }
0x15a: {  	v3 =	vadd.s32 v1, v3;
	_ =	sdelay $0x1  }
0x15b: {  	s31 =	simm.s32 $0xC400  }
0x15c: {  	[tilespmem:s31], [sflag:$0x2] =	stream.indirect_vreg.gather [hbm4b:s2+s3], $0x80, v4, vm0, $0xb8;
	[tilespmem:$0x10400] =	vst v63  }
0x15d: {  	s20 =	simm.s32 $0xCC00  }
0x15e: {  	[tilespmem:s20], [sflag:$0x2] =	stream.indirect_vreg.gather [hbm4b:s2+s3], $0x80, v3, vm0, $0xb8;
	[tilespmem:$0x10400] =	vst v63  }
0x15f: {  	v3 =	vld [tilespmem:$0x1D0];
	_ =	sdelay $0x4  }
0x160: {  	v29 =	vshll.u32 v3, $0x1  }
0x161: {  	v3 =	vand.u32 $0x7, v3;
	v4 =	vand.u32 $0xFFFFFFF0, v29  }
0x162: {  	v3 =	vor.u32 v3, v4  }
0x163: {  	v4 =	vperm.xlane v3, v0;
	_ =	sdelay $0x1  }
0x164: {  	v3 =	vperm.xlane v3, v2;
	v4 =	vadd.s32 v1, v4;
	_ =	sdelay $0x1  }
0x165: {  	v3 =	vadd.s32 v1, v3;
	_ =	sdelay $0x1  }
0x166: {  	s29 =	simm.s32 $0xD400  }
0x167: {  	[tilespmem:s29], [sflag:$0x2] =	stream.indirect_vreg.gather [hbm4b:s2+s3], $0x80, v4, vm0, $0xb8;
	[tilespmem:$0x10400] =	vst v63  }
0x168: {  	s23 =	simm.s32 $0xDC00  }
0x169: {  	[tilespmem:s23], [sflag:$0x2] =	stream.indirect_vreg.gather [hbm4b:s2+s3], $0x80, v3, vm0, $0xb8;
	[tilespmem:$0x10400] =	vst v63  }
0x16a: {  	v3 =	vld [tilespmem:$0x1E0];
	_ =	sdelay $0x4  }
0x16b: {  	v30 =	vshll.u32 v3, $0x1  }
0x16c: {  	v3 =	vand.u32 $0x7, v3;
	v4 =	vand.u32 $0xFFFFFFF0, v30  }
0x16d: {  	v3 =	vor.u32 v3, v4  }
0x16e: {  	v4 =	vperm.xlane v3, v0;
	_ =	sdelay $0x1  }
0x16f: {  	v3 =	vperm.xlane v3, v2;
	v4 =	vadd.s32 v1, v4;
	_ =	sdelay $0x1  }
0x170: {  	v3 =	vadd.s32 v1, v3;
	_ =	sdelay $0x1  }
0x171: {  	s30 =	simm.s32 $0xE400  }
0x172: {  	[tilespmem:s30], [sflag:$0x2] =	stream.indirect_vreg.gather [hbm4b:s2+s3], $0x80, v4, vm0, $0xb8;
	[tilespmem:$0x10400] =	vst v63  }
0x173: {  	s24 =	simm.s32 $0xEC00  }
0x174: {  	[tilespmem:s24], [sflag:$0x2] =	stream.indirect_vreg.gather [hbm4b:s2+s3], $0x80, v3, vm0, $0xb8;
	[tilespmem:$0x10400] =	vst v63  }
0x175: {  	v3 =	vld [tilespmem:$0x1F0];
	_ =	sdelay $0x4  }
0x176: {  	v31 =	vshll.u32 v3, $0x1  }
0x177: {  	v3 =	vand.u32 $0x7, v3;
	v4 =	vand.u32 $0xFFFFFFF0, v31  }
0x178: {  	v3 =	vor.u32 v3, v4  }
0x179: {  	v4 =	vperm.xlane v3, v0;
	_ =	sdelay $0x1  }
0x17a: {  	v3 =	vperm.xlane v3, v2;
	v4 =	vadd.s32 v1, v4;
	_ =	sdelay $0x1  }
0x17b: {  	v3 =	vadd.s32 v1, v3;
	_ =	sdelay $0x1  }
0x17c: {  	s24 =	simm.s32 $0xF400  }
0x17d: {  	[tilespmem:s24], [sflag:$0x2] =	stream.indirect_vreg.gather [hbm4b:s2+s3], $0x80, v4, vm0, $0xb8;
	[tilespmem:$0x10400] =	vst v63  }
0x17e: {  	s26 =	simm.s32 $0xFC00  }
0x17f: {  	[tilespmem:s26], [sflag:$0x2] =	stream.indirect_vreg.gather [hbm4b:s2+s3], $0x80, v3, vm0, $0xb8;
	[tilespmem:$0x10400] =	vst v63  }
0x180: {  	_ =	swait.ge [sflag:s12], $0x8000  }
0x181: {  	[sflag:s12] =	ssyncset.done $0x0  }
0x182: {  	s26 =	rddreg [dreg:$0x6];
	[sflag:s12] =	ssyncadd.s32 $0xFFFF8000  }
0x183: {  	[hbm4b:s26+s3] =	stream.linear.scatter [tilespmem:s25], [sflag:$0x3], $0x8000, $0x38;
	[tilespmem:$0x10400] =	vst v63  }
0x184: {  	_ =	swait.ge [sflag:s5], $0x8000  }
0x185: {  	[sflag:s5] =	ssyncset.done $0x0  }
0x186: {  	[sflag:s5] =	ssyncadd.s32 $0xFFFF8000  }
0x187: {  	v3 =	vld [tilespmem:$0x200];
	_ =	sdelay $0x4  }
0x188: {  	v32 =	vshll.u32 v3, $0x1  }
0x189: {  	v3 =	vand.u32 $0x7, v3;
	v4 =	vand.u32 $0xFFFFFFF0, v32  }
0x18a: {  	v3 =	vor.u32 v3, v4  }
0x18b: {  	v4 =	vperm.xlane v3, v0;
	_ =	sdelay $0x1  }
0x18c: {  	v3 =	vperm.xlane v3, v2;
	v4 =	vadd.s32 v1, v4;
	_ =	sdelay $0x1  }
0x18d: {  	v3 =	vadd.s32 v1, v3;
	_ =	sdelay $0x2  }
0x18e: {  	[tilespmem:s25], [sflag:$0x1] =	stream.indirect_vreg.gather [hbm4b:s2+s3], $0x80, v4, vm0, $0xb8;
	[tilespmem:$0x10400] =	vst v63  }
0x18f: {  	s24 =	simm.s32 $0xC00  }
0x190: {  	[tilespmem:s24], [sflag:$0x1] =	stream.indirect_vreg.gather [hbm4b:s2+s3], $0x80, v3, vm0, $0xb8;
	[tilespmem:$0x10400] =	vst v63  }
0x191: {  	v3 =	vld [tilespmem:$0x210];
	_ =	sdelay $0x4  }
0x192: {  	v33 =	vshll.u32 v3, $0x1  }
0x193: {  	v3 =	vand.u32 $0x7, v3;
	v4 =	vand.u32 $0xFFFFFFF0, v33  }
0x194: {  	v3 =	vor.u32 v3, v4  }
0x195: {  	v4 =	vperm.xlane v3, v0;
	_ =	sdelay $0x1  }
0x196: {  	v3 =	vperm.xlane v3, v2;
	v4 =	vadd.s32 v1, v4;
	_ =	sdelay $0x1  }
0x197: {  	v3 =	vadd.s32 v1, v3;
	_ =	sdelay $0x1  }
0x198: {  	s26 =	simm.s32 $0x1400  }
0x199: {  	[tilespmem:s26], [sflag:$0x1] =	stream.indirect_vreg.gather [hbm4b:s2+s3], $0x80, v4, vm0, $0xb8;
	[tilespmem:$0x10400] =	vst v63  }
0x19a: {  	s24 =	simm.s32 $0x1C00  }
0x19b: {  	[tilespmem:s24], [sflag:$0x1] =	stream.indirect_vreg.gather [hbm4b:s2+s3], $0x80, v3, vm0, $0xb8;
	[tilespmem:$0x10400] =	vst v63  }
0x19c: {  	v3 =	vld [tilespmem:$0x220];
	_ =	sdelay $0x4  }
0x19d: {  	v34 =	vshll.u32 v3, $0x1  }
0x19e: {  	v3 =	vand.u32 $0x7, v3;
	v4 =	vand.u32 $0xFFFFFFF0, v34  }
0x19f: {  	v3 =	vor.u32 v3, v4  }
0x1a0: {  	v4 =	vperm.xlane v3, v0;
	_ =	sdelay $0x1  }
0x1a1: {  	v3 =	vperm.xlane v3, v2;
	v4 =	vadd.s32 v1, v4;
	_ =	sdelay $0x1  }
0x1a2: {  	v3 =	vadd.s32 v1, v3;
	_ =	sdelay $0x1  }
0x1a3: {  	s26 =	simm.s32 $0x2400  }
0x1a4: {  	[tilespmem:s26], [sflag:$0x1] =	stream.indirect_vreg.gather [hbm4b:s2+s3], $0x80, v4, vm0, $0xb8;
	[tilespmem:$0x10400] =	vst v63  }
0x1a5: {  	_ = 	snop  }
0x1a6: {  	[tilespmem:s19], [sflag:$0x1] =	stream.indirect_vreg.gather [hbm4b:s2+s3], $0x80, v3, vm0, $0xb8;
	[tilespmem:$0x10400] =	vst v63  }
0x1a7: {  	v3 =	vld [tilespmem:$0x230];
	_ =	sdelay $0x4  }
0x1a8: {  	v35 =	vshll.u32 v3, $0x1  }
0x1a9: {  	v3 =	vand.u32 $0x7, v3;
	v4 =	vand.u32 $0xFFFFFFF0, v35  }
0x1aa: {  	v3 =	vor.u32 v3, v4  }
0x1ab: {  	v4 =	vperm.xlane v3, v0;
	_ =	sdelay $0x1  }
0x1ac: {  	v3 =	vperm.xlane v3, v2;
	v4 =	vadd.s32 v1, v4;
	_ =	sdelay $0x1  }
0x1ad: {  	v3 =	vadd.s32 v1, v3;
	_ =	sdelay $0x2  }
0x1ae: {  	[tilespmem:s8], [sflag:$0x1] =	stream.indirect_vreg.gather [hbm4b:s2+s3], $0x80, v4, vm0, $0xb8;
	[tilespmem:$0x10400] =	vst v63  }
0x1af: {  	s24 =	simm.s32 $0x3C00  }
0x1b0: {  	[tilespmem:s24], [sflag:$0x1] =	stream.indirect_vreg.gather [hbm4b:s2+s3], $0x80, v3, vm0, $0xb8;
	[tilespmem:$0x10400] =	vst v63  }
0x1b1: {  	v3 =	vld [tilespmem:$0x240];
	_ =	sdelay $0x4  }
0x1b2: {  	v36 =	vshll.u32 v3, $0x1  }
0x1b3: {  	v3 =	vand.u32 $0x7, v3;
	v4 =	vand.u32 $0xFFFFFFF0, v36  }
0x1b4: {  	v3 =	vor.u32 v3, v4  }
0x1b5: {  	v4 =	vperm.xlane v3, v0;
	_ =	sdelay $0x1  }
0x1b6: {  	v3 =	vperm.xlane v3, v2;
	v4 =	vadd.s32 v1, v4;
	_ =	sdelay $0x1  }
0x1b7: {  	v3 =	vadd.s32 v1, v3;
	_ =	sdelay $0x2  }
0x1b8: {  	[tilespmem:s9], [sflag:$0x1] =	stream.indirect_vreg.gather [hbm4b:s2+s3], $0x80, v4, vm0, $0xb8;
	[tilespmem:$0x10400] =	vst v63  }
0x1b9: {  	_ = 	snop  }
0x1ba: {  	[tilespmem:s11], [sflag:$0x1] =	stream.indirect_vreg.gather [hbm4b:s2+s3], $0x80, v3, vm0, $0xb8;
	[tilespmem:$0x10400] =	vst v63  }
0x1bb: {  	v3 =	vld [tilespmem:$0x250];
	_ =	sdelay $0x4  }
0x1bc: {  	v37 =	vshll.u32 v3, $0x1  }
0x1bd: {  	v3 =	vand.u32 $0x7, v3;
	v4 =	vand.u32 $0xFFFFFFF0, v37  }
0x1be: {  	v3 =	vor.u32 v3, v4  }
0x1bf: {  	v4 =	vperm.xlane v3, v0;
	_ =	sdelay $0x1  }
0x1c0: {  	v3 =	vperm.xlane v3, v2;
	v4 =	vadd.s32 v1, v4;
	_ =	sdelay $0x1  }
0x1c1: {  	v3 =	vadd.s32 v1, v3;
	_ =	sdelay $0x2  }
0x1c2: {  	[tilespmem:s10], [sflag:$0x1] =	stream.indirect_vreg.gather [hbm4b:s2+s3], $0x80, v4, vm0, $0xb8;
	[tilespmem:$0x10400] =	vst v63  }
0x1c3: {  	s26 =	simm.s32 $0x5C00  }
0x1c4: {  	[tilespmem:s26], [sflag:$0x1] =	stream.indirect_vreg.gather [hbm4b:s2+s3], $0x80, v3, vm0, $0xb8;
	[tilespmem:$0x10400] =	vst v63  }
0x1c5: {  	v3 =	vld [tilespmem:$0x260];
	_ =	sdelay $0x4  }
0x1c6: {  	v38 =	vshll.u32 v3, $0x1  }
0x1c7: {  	v3 =	vand.u32 $0x7, v3;
	v4 =	vand.u32 $0xFFFFFFF0, v38  }
0x1c8: {  	v3 =	vor.u32 v3, v4  }
0x1c9: {  	v4 =	vperm.xlane v3, v0;
	_ =	sdelay $0x1  }
0x1ca: {  	v3 =	vperm.xlane v3, v2;
	v4 =	vadd.s32 v1, v4;
	_ =	sdelay $0x1  }
0x1cb: {  	v3 =	vadd.s32 v1, v3;
	_ =	sdelay $0x2  }
0x1cc: {  	[tilespmem:s15], [sflag:$0x1] =	stream.indirect_vreg.gather [hbm4b:s2+s3], $0x80, v4, vm0, $0xb8;
	[tilespmem:$0x10400] =	vst v63  }
0x1cd: {  	_ = 	snop  }
0x1ce: {  	[tilespmem:s16], [sflag:$0x1] =	stream.indirect_vreg.gather [hbm4b:s2+s3], $0x80, v3, vm0, $0xb8;
	[tilespmem:$0x10400] =	vst v63  }
0x1cf: {  	v3 =	vld [tilespmem:$0x270];
	_ =	sdelay $0x4  }
0x1d0: {  	v39 =	vshll.u32 v3, $0x1  }
0x1d1: {  	v3 =	vand.u32 $0x7, v3;
	v4 =	vand.u32 $0xFFFFFFF0, v39  }
0x1d2: {  	v3 =	vor.u32 v3, v4  }
0x1d3: {  	v4 =	vperm.xlane v3, v0;
	_ =	sdelay $0x1  }
0x1d4: {  	v3 =	vperm.xlane v3, v2;
	v4 =	vadd.s32 v1, v4;
	_ =	sdelay $0x1  }
0x1d5: {  	v3 =	vadd.s32 v1, v3;
	_ =	sdelay $0x2  }
0x1d6: {  	[tilespmem:s17], [sflag:$0x1] =	stream.indirect_vreg.gather [hbm4b:s2+s3], $0x80, v4, vm0, $0xb8;
	[tilespmem:$0x10400] =	vst v63  }
0x1d7: {  	_ = 	snop  }
0x1d8: {  	[tilespmem:s18], [sflag:$0x1] =	stream.indirect_vreg.gather [hbm4b:s2+s3], $0x80, v3, vm0, $0xb8;
	[tilespmem:$0x10400] =	vst v63  }
0x1d9: {  	_ =	swait.ge [sflag:s13], $0x8000  }
0x1da: {  	[sflag:s13] =	ssyncset.done $0x0  }
0x1db: {  	s24 =	rddreg [dreg:$0x7];
	[sflag:s13] =	ssyncadd.s32 $0xFFFF8000  }
0x1dc: {  	[hbm4b:s24+s3] =	stream.linear.scatter [tilespmem:s22], [sflag:$0x3], $0x8000, $0x38;
	[tilespmem:$0x10400] =	vst v63  }
0x1dd: {  	_ =	swait.ge [sflag:s5], $0x8000  }
0x1de: {  	[sflag:s5] =	ssyncset.done $0x0  }
0x1df: {  	[sflag:s5] =	ssyncadd.s32 $0xFFFF8000  }
0x1e0: {  	v3 =	vld [tilespmem:$0x280];
	_ =	sdelay $0x4  }
0x1e1: {  	v40 =	vshll.u32 v3, $0x1  }
0x1e2: {  	v3 =	vand.u32 $0x7, v3;
	v4 =	vand.u32 $0xFFFFFFF0, v40  }
0x1e3: {  	v3 =	vor.u32 v3, v4  }
0x1e4: {  	v4 =	vperm.xlane v3, v0;
	_ =	sdelay $0x1  }
0x1e5: {  	v3 =	vperm.xlane v3, v2;
	v4 =	vadd.s32 v1, v4;
	_ =	sdelay $0x1  }
0x1e6: {  	v3 =	vadd.s32 v1, v3;
	_ =	sdelay $0x2  }
0x1e7: {  	[tilespmem:s22], [sflag:$0x2] =	stream.indirect_vreg.gather [hbm4b:s2+s3], $0x80, v4, vm0, $0xb8;
	[tilespmem:$0x10400] =	vst v63  }
0x1e8: {  	s26 =	simm.s32 $0x8C00  }
0x1e9: {  	[tilespmem:s26], [sflag:$0x2] =	stream.indirect_vreg.gather [hbm4b:s2+s3], $0x80, v3, vm0, $0xb8;
	[tilespmem:$0x10400] =	vst v63  }
0x1ea: {  	v3 =	vld [tilespmem:$0x290];
	_ =	sdelay $0x4  }
0x1eb: {  	v41 =	vshll.u32 v3, $0x1  }
0x1ec: {  	v3 =	vand.u32 $0x7, v3;
	v4 =	vand.u32 $0xFFFFFFF0, v41  }
0x1ed: {  	v3 =	vor.u32 v3, v4  }
0x1ee: {  	v4 =	vperm.xlane v3, v0;
	_ =	sdelay $0x1  }
0x1ef: {  	v3 =	vperm.xlane v3, v2;
	v4 =	vadd.s32 v1, v4;
	_ =	sdelay $0x1  }
0x1f0: {  	v3 =	vadd.s32 v1, v3;
	_ =	sdelay $0x2  }
0x1f1: {  	[tilespmem:s0], [sflag:$0x2] =	stream.indirect_vreg.gather [hbm4b:s2+s3], $0x80, v4, vm0, $0xb8;
	[tilespmem:$0x10400] =	vst v63  }
0x1f2: {  	_ = 	snop  }
0x1f3: {  	[tilespmem:s6], [sflag:$0x2] =	stream.indirect_vreg.gather [hbm4b:s2+s3], $0x80, v3, vm0, $0xb8;
	[tilespmem:$0x10400] =	vst v63  }
0x1f4: {  	v3 =	vld [tilespmem:$0x2A0];
	_ =	sdelay $0x4  }
0x1f5: {  	v42 =	vshll.u32 v3, $0x1  }
0x1f6: {  	v3 =	vand.u32 $0x7, v3;
	v4 =	vand.u32 $0xFFFFFFF0, v42  }
0x1f7: {  	v3 =	vor.u32 v3, v4  }
0x1f8: {  	v4 =	vperm.xlane v3, v0;
	_ =	sdelay $0x1  }
0x1f9: {  	v3 =	vperm.xlane v3, v2;
	v4 =	vadd.s32 v1, v4;
	_ =	sdelay $0x1  }
0x1fa: {  	v3 =	vadd.s32 v1, v3;
	_ =	sdelay $0x2  }
0x1fb: {  	[tilespmem:s1], [sflag:$0x2] =	stream.indirect_vreg.gather [hbm4b:s2+s3], $0x80, v4, vm0, $0xb8;
	[tilespmem:$0x10400] =	vst v63  }
0x1fc: {  	_ = 	snop  }
0x1fd: {  	[tilespmem:s7], [sflag:$0x2] =	stream.indirect_vreg.gather [hbm4b:s2+s3], $0x80, v3, vm0, $0xb8;
	[tilespmem:$0x10400] =	vst v63  }
0x1fe: {  	v3 =	vld [tilespmem:$0x2B0];
	_ =	sdelay $0x4  }
0x1ff: {  	v43 =	vshll.u32 v3, $0x1  }
0x200: {  	v3 =	vand.u32 $0x7, v3;
	v4 =	vand.u32 $0xFFFFFFF0, v43  }
0x201: {  	v3 =	vor.u32 v3, v4  }
0x202: {  	v4 =	vperm.xlane v3, v0;
	_ =	sdelay $0x1  }
0x203: {  	v3 =	vperm.xlane v3, v2;
	v4 =	vadd.s32 v1, v4;
	_ =	sdelay $0x1  }
0x204: {  	v3 =	vadd.s32 v1, v3;
	_ =	sdelay $0x1  }
0x205: {  	s28 =	simm.s32 $0xB400  }
0x206: {  	[tilespmem:s28], [sflag:$0x2] =	stream.indirect_vreg.gather [hbm4b:s2+s3], $0x80, v4, vm0, $0xb8;
	[tilespmem:$0x10400] =	vst v63  }
0x207: {  	s28 =	simm.s32 $0xBC00  }
0x208: {  	[tilespmem:s28], [sflag:$0x2] =	stream.indirect_vreg.gather [hbm4b:s2+s3], $0x80, v3, vm0, $0xb8;
	[tilespmem:$0x10400] =	vst v63  }
0x209: {  	v3 =	vld [tilespmem:$0x2C0];
	_ =	sdelay $0x4  }
0x20a: {  	v44 =	vshll.u32 v3, $0x1  }
0x20b: {  	v3 =	vand.u32 $0x7, v3;
	v4 =	vand.u32 $0xFFFFFFF0, v44  }
0x20c: {  	v3 =	vor.u32 v3, v4  }
0x20d: {  	v4 =	vperm.xlane v3, v0;
	_ =	sdelay $0x1  }
0x20e: {  	v3 =	vperm.xlane v3, v2;
	v4 =	vadd.s32 v1, v4;
	_ =	sdelay $0x1  }
0x20f: {  	v3 =	vadd.s32 v1, v3;
	_ =	sdelay $0x1  }
0x210: {  	s21 =	simm.s32 $0xC400  }
0x211: {  	[tilespmem:s21], [sflag:$0x2] =	stream.indirect_vreg.gather [hbm4b:s2+s3], $0x80, v4, vm0, $0xb8;
	[tilespmem:$0x10400] =	vst v63  }
0x212: {  	s20 =	simm.s32 $0xCC00  }
0x213: {  	[tilespmem:s20], [sflag:$0x2] =	stream.indirect_vreg.gather [hbm4b:s2+s3], $0x80, v3, vm0, $0xb8;
	[tilespmem:$0x10400] =	vst v63  }
0x214: {  	v3 =	vld [tilespmem:$0x2D0];
	_ =	sdelay $0x4  }
0x215: {  	v45 =	vshll.u32 v3, $0x1  }
0x216: {  	v3 =	vand.u32 $0x7, v3;
	v4 =	vand.u32 $0xFFFFFFF0, v45  }
0x217: {  	v3 =	vor.u32 v3, v4  }
0x218: {  	v4 =	vperm.xlane v3, v0;
	_ =	sdelay $0x1  }
0x219: {  	v3 =	vperm.xlane v3, v2;
	v4 =	vadd.s32 v1, v4;
	_ =	sdelay $0x1  }
0x21a: {  	v3 =	vadd.s32 v1, v3;
	_ =	sdelay $0x1  }
0x21b: {  	s24 =	simm.s32 $0xD400  }
0x21c: {  	[tilespmem:s24], [sflag:$0x2] =	stream.indirect_vreg.gather [hbm4b:s2+s3], $0x80, v4, vm0, $0xb8;
	[tilespmem:$0x10400] =	vst v63  }
0x21d: {  	s29 =	simm.s32 $0xDC00  }
0x21e: {  	[tilespmem:s29], [sflag:$0x2] =	stream.indirect_vreg.gather [hbm4b:s2+s3], $0x80, v3, vm0, $0xb8;
	[tilespmem:$0x10400] =	vst v63  }
0x21f: {  	v3 =	vld [tilespmem:$0x2E0];
	_ =	sdelay $0x4  }
0x220: {  	v46 =	vshll.u32 v3, $0x1  }
0x221: {  	v3 =	vand.u32 $0x7, v3;
	v4 =	vand.u32 $0xFFFFFFF0, v46  }
0x222: {  	v3 =	vor.u32 v3, v4  }
0x223: {  	v4 =	vperm.xlane v3, v0;
	_ =	sdelay $0x1  }
0x224: {  	v3 =	vperm.xlane v3, v2;
	v4 =	vadd.s32 v1, v4;
	_ =	sdelay $0x1  }
0x225: {  	v3 =	vadd.s32 v1, v3;
	_ =	sdelay $0x1  }
0x226: {  	s23 =	simm.s32 $0xE400  }
0x227: {  	[tilespmem:s23], [sflag:$0x2] =	stream.indirect_vreg.gather [hbm4b:s2+s3], $0x80, v4, vm0, $0xb8;
	[tilespmem:$0x10400] =	vst v63  }
0x228: {  	s30 =	simm.s32 $0xEC00  }
0x229: {  	[tilespmem:s30], [sflag:$0x2] =	stream.indirect_vreg.gather [hbm4b:s2+s3], $0x80, v3, vm0, $0xb8;
	[tilespmem:$0x10400] =	vst v63  }
0x22a: {  	v3 =	vld [tilespmem:$0x2F0];
	_ =	sdelay $0x4  }
0x22b: {  	v47 =	vshll.u32 v3, $0x1  }
0x22c: {  	v3 =	vand.u32 $0x7, v3;
	v4 =	vand.u32 $0xFFFFFFF0, v47  }
0x22d: {  	v3 =	vor.u32 v3, v4  }
0x22e: {  	v4 =	vperm.xlane v3, v0;
	_ =	sdelay $0x1  }
0x22f: {  	v3 =	vperm.xlane v3, v2;
	v4 =	vadd.s32 v1, v4;
	_ =	sdelay $0x1  }
0x230: {  	v3 =	vadd.s32 v1, v3;
	_ =	sdelay $0x1  }
0x231: {  	s31 =	simm.s32 $0xF400  }
0x232: {  	[tilespmem:s31], [sflag:$0x2] =	stream.indirect_vreg.gather [hbm4b:s2+s3], $0x80, v4, vm0, $0xb8;
	[tilespmem:$0x10400] =	vst v63  }
0x233: {  	s30 =	simm.s32 $0xFC00  }
0x234: {  	[tilespmem:s30], [sflag:$0x2] =	stream.indirect_vreg.gather [hbm4b:s2+s3], $0x80, v3, vm0, $0xb8;
	[tilespmem:$0x10400] =	vst v63  }
0x235: {  	_ =	swait.ge [sflag:s12], $0x8000  }
0x236: {  	[sflag:s12] =	ssyncset.done $0x0  }
0x237: {  	s31 =	rddreg [dreg:$0x8];
	[sflag:s12] =	ssyncadd.s32 $0xFFFF8000  }
0x238: {  	[hbm4b:s31+s3] =	stream.linear.scatter [tilespmem:s25], [sflag:$0x3], $0x8000, $0x38;
	[tilespmem:$0x10400] =	vst v63  }
0x239: {  	_ =	swait.ge [sflag:s5], $0x8000  }
0x23a: {  	[sflag:s5] =	ssyncset.done $0x0  }
0x23b: {  	[sflag:s5] =	ssyncadd.s32 $0xFFFF8000  }
0x23c: {  	v3 =	vld [tilespmem:$0x300];
	_ =	sdelay $0x4  }
0x23d: {  	v48 =	vshll.u32 v3, $0x1  }
0x23e: {  	v3 =	vand.u32 $0x7, v3;
	v4 =	vand.u32 $0xFFFFFFF0, v48  }
0x23f: {  	v3 =	vor.u32 v3, v4  }
0x240: {  	v4 =	vperm.xlane v3, v0;
	_ =	sdelay $0x1  }
0x241: {  	v3 =	vperm.xlane v3, v2;
	v4 =	vadd.s32 v1, v4;
	_ =	sdelay $0x1  }
0x242: {  	v3 =	vadd.s32 v1, v3;
	_ =	sdelay $0x2  }
0x243: {  	[tilespmem:s25], [sflag:$0x1] =	stream.indirect_vreg.gather [hbm4b:s2+s3], $0x80, v4, vm0, $0xb8;
	[tilespmem:$0x10400] =	vst v63  }
0x244: {  	s31 =	simm.s32 $0xC00  }
0x245: {  	[tilespmem:s31], [sflag:$0x1] =	stream.indirect_vreg.gather [hbm4b:s2+s3], $0x80, v3, vm0, $0xb8;
	[tilespmem:$0x10400] =	vst v63  }
0x246: {  	v3 =	vld [tilespmem:$0x310];
	_ =	sdelay $0x4  }
0x247: {  	v49 =	vshll.u32 v3, $0x1  }
0x248: {  	v3 =	vand.u32 $0x7, v3;
	v4 =	vand.u32 $0xFFFFFFF0, v49  }
0x249: {  	v3 =	vor.u32 v3, v4  }
0x24a: {  	v4 =	vperm.xlane v3, v0;
	_ =	sdelay $0x1  }
0x24b: {  	v3 =	vperm.xlane v3, v2;
	v4 =	vadd.s32 v1, v4;
	_ =	sdelay $0x1  }
0x24c: {  	v3 =	vadd.s32 v1, v3;
	_ =	sdelay $0x1  }
0x24d: {  	s31 =	simm.s32 $0x1400  }
0x24e: {  	[tilespmem:s31], [sflag:$0x1] =	stream.indirect_vreg.gather [hbm4b:s2+s3], $0x80, v4, vm0, $0xb8;
	[tilespmem:$0x10400] =	vst v63  }
0x24f: {  	s31 =	simm.s32 $0x1C00  }
0x250: {  	[tilespmem:s31], [sflag:$0x1] =	stream.indirect_vreg.gather [hbm4b:s2+s3], $0x80, v3, vm0, $0xb8;
	[tilespmem:$0x10400] =	vst v63  }
0x251: {  	v3 =	vld [tilespmem:$0x320];
	_ =	sdelay $0x4  }
0x252: {  	v50 =	vshll.u32 v3, $0x1  }
0x253: {  	v3 =	vand.u32 $0x7, v3;
	v4 =	vand.u32 $0xFFFFFFF0, v50  }
0x254: {  	v3 =	vor.u32 v3, v4  }
0x255: {  	v4 =	vperm.xlane v3, v0;
	_ =	sdelay $0x1  }
0x256: {  	v3 =	vperm.xlane v3, v2;
	v4 =	vadd.s32 v1, v4;
	_ =	sdelay $0x1  }
0x257: {  	v3 =	vadd.s32 v1, v3;
	_ =	sdelay $0x1  }
0x258: {  	s31 =	simm.s32 $0x2400  }
0x259: {  	[tilespmem:s31], [sflag:$0x1] =	stream.indirect_vreg.gather [hbm4b:s2+s3], $0x80, v4, vm0, $0xb8;
	[tilespmem:$0x10400] =	vst v63  }
0x25a: {  	s19 =	simm.s32 $0x2C00  }
0x25b: {  	[tilespmem:s19], [sflag:$0x1] =	stream.indirect_vreg.gather [hbm4b:s2+s3], $0x80, v3, vm0, $0xb8;
	[tilespmem:$0x10400] =	vst v63  }
0x25c: {  	v3 =	vld [tilespmem:$0x330];
	_ =	sdelay $0x4  }
0x25d: {  	v51 =	vshll.u32 v3, $0x1  }
0x25e: {  	v3 =	vand.u32 $0x7, v3;
	v4 =	vand.u32 $0xFFFFFFF0, v51  }
0x25f: {  	v3 =	vor.u32 v3, v4  }
0x260: {  	v4 =	vperm.xlane v3, v0;
	_ =	sdelay $0x1  }
0x261: {  	v3 =	vperm.xlane v3, v2;
	v4 =	vadd.s32 v1, v4;
	_ =	sdelay $0x1  }
0x262: {  	v3 =	vadd.s32 v1, v3;
	_ =	sdelay $0x1  }
0x263: {  	s8 =	simm.s32 $0x3400  }
0x264: {  	[tilespmem:s8], [sflag:$0x1] =	stream.indirect_vreg.gather [hbm4b:s2+s3], $0x80, v4, vm0, $0xb8;
	[tilespmem:$0x10400] =	vst v63  }
0x265: {  	s31 =	simm.s32 $0x3C00  }
0x266: {  	[tilespmem:s31], [sflag:$0x1] =	stream.indirect_vreg.gather [hbm4b:s2+s3], $0x80, v3, vm0, $0xb8;
	[tilespmem:$0x10400] =	vst v63  }
0x267: {  	v3 =	vld [tilespmem:$0x340];
	_ =	sdelay $0x4  }
0x268: {  	v52 =	vshll.u32 v3, $0x1  }
0x269: {  	v3 =	vand.u32 $0x7, v3;
	v4 =	vand.u32 $0xFFFFFFF0, v52  }
0x26a: {  	v3 =	vor.u32 v3, v4  }
0x26b: {  	v4 =	vperm.xlane v3, v0;
	_ =	sdelay $0x1  }
0x26c: {  	v3 =	vperm.xlane v3, v2;
	v4 =	vadd.s32 v1, v4;
	_ =	sdelay $0x1  }
0x26d: {  	v3 =	vadd.s32 v1, v3;
	_ =	sdelay $0x1  }
0x26e: {  	s9 =	simm.s32 $0x4400  }
0x26f: {  	[tilespmem:s9], [sflag:$0x1] =	stream.indirect_vreg.gather [hbm4b:s2+s3], $0x80, v4, vm0, $0xb8;
	[tilespmem:$0x10400] =	vst v63  }
0x270: {  	s11 =	simm.s32 $0x4C00  }
0x271: {  	[tilespmem:s11], [sflag:$0x1] =	stream.indirect_vreg.gather [hbm4b:s2+s3], $0x80, v3, vm0, $0xb8;
	[tilespmem:$0x10400] =	vst v63  }
0x272: {  	v3 =	vld [tilespmem:$0x350];
	_ =	sdelay $0x4  }
0x273: {  	v53 =	vshll.u32 v3, $0x1  }
0x274: {  	v3 =	vand.u32 $0x7, v3;
	v4 =	vand.u32 $0xFFFFFFF0, v53  }
0x275: {  	v3 =	vor.u32 v3, v4  }
0x276: {  	v4 =	vperm.xlane v3, v0;
	_ =	sdelay $0x1  }
0x277: {  	v3 =	vperm.xlane v3, v2;
	v4 =	vadd.s32 v1, v4;
	_ =	sdelay $0x1  }
0x278: {  	v3 =	vadd.s32 v1, v3;
	_ =	sdelay $0x1  }
0x279: {  	s10 =	simm.s32 $0x5400  }
0x27a: {  	[tilespmem:s10], [sflag:$0x1] =	stream.indirect_vreg.gather [hbm4b:s2+s3], $0x80, v4, vm0, $0xb8;
	[tilespmem:$0x10400] =	vst v63  }
0x27b: {  	s14 =	simm.s32 $0x5C00  }
0x27c: {  	[tilespmem:s14], [sflag:$0x1] =	stream.indirect_vreg.gather [hbm4b:s2+s3], $0x80, v3, vm0, $0xb8;
	[tilespmem:$0x10400] =	vst v63  }
0x27d: {  	v3 =	vld [tilespmem:$0x360];
	_ =	sdelay $0x4  }
0x27e: {  	v54 =	vshll.u32 v3, $0x1  }
0x27f: {  	v3 =	vand.u32 $0x7, v3;
	v4 =	vand.u32 $0xFFFFFFF0, v54  }
0x280: {  	v3 =	vor.u32 v3, v4  }
0x281: {  	v4 =	vperm.xlane v3, v0;
	_ =	sdelay $0x1  }
0x282: {  	v3 =	vperm.xlane v3, v2;
	v4 =	vadd.s32 v1, v4;
	_ =	sdelay $0x1  }
0x283: {  	v3 =	vadd.s32 v1, v3;
	_ =	sdelay $0x1  }
0x284: {  	s15 =	simm.s32 $0x6400  }
0x285: {  	[tilespmem:s15], [sflag:$0x1] =	stream.indirect_vreg.gather [hbm4b:s2+s3], $0x80, v4, vm0, $0xb8;
	[tilespmem:$0x10400] =	vst v63  }
0x286: {  	s16 =	simm.s32 $0x6C00  }
0x287: {  	[tilespmem:s16], [sflag:$0x1] =	stream.indirect_vreg.gather [hbm4b:s2+s3], $0x80, v3, vm0, $0xb8;
	[tilespmem:$0x10400] =	vst v63  }
0x288: {  	v3 =	vld [tilespmem:$0x370];
	_ =	sdelay $0x4  }
0x289: {  	v55 =	vshll.u32 v3, $0x1  }
0x28a: {  	v3 =	vand.u32 $0x7, v3;
	v4 =	vand.u32 $0xFFFFFFF0, v55  }
0x28b: {  	v3 =	vor.u32 v3, v4  }
0x28c: {  	v4 =	vperm.xlane v3, v0;
	_ =	sdelay $0x1  }
0x28d: {  	v3 =	vperm.xlane v3, v2;
	v4 =	vadd.s32 v1, v4;
	_ =	sdelay $0x1  }
0x28e: {  	v3 =	vadd.s32 v1, v3;
	_ =	sdelay $0x1  }
0x28f: {  	s17 =	simm.s32 $0x7400  }
0x290: {  	[tilespmem:s17], [sflag:$0x1] =	stream.indirect_vreg.gather [hbm4b:s2+s3], $0x80, v4, vm0, $0xb8;
	[tilespmem:$0x10400] =	vst v63  }
0x291: {  	s18 =	simm.s32 $0x7C00  }
0x292: {  	[tilespmem:s18], [sflag:$0x1] =	stream.indirect_vreg.gather [hbm4b:s2+s3], $0x80, v3, vm0, $0xb8;
	[tilespmem:$0x10400] =	vst v63  }
0x293: {  	_ =	swait.ge [sflag:s13], $0x8000  }
0x294: {  	[sflag:s13] =	ssyncset.done $0x0  }
0x295: {  	s18 =	rddreg [dreg:$0x9];
	[sflag:s13] =	ssyncadd.s32 $0xFFFF8000  }
0x296: {  	[hbm4b:s18+s3] =	stream.linear.scatter [tilespmem:s22], [sflag:$0x3], $0x8000, $0x38;
	[tilespmem:$0x10400] =	vst v63  }
0x297: {  	_ =	swait.ge [sflag:s5], $0x8000  }
0x298: {  	[sflag:s5] =	ssyncset.done $0x0  }
0x299: {  	[sflag:s5] =	ssyncadd.s32 $0xFFFF8000  }
0x29a: {  	v3 =	vld [tilespmem:$0x380];
	_ =	sdelay $0x4  }
0x29b: {  	v56 =	vshll.u32 v3, $0x1  }
0x29c: {  	v3 =	vand.u32 $0x7, v3;
	v4 =	vand.u32 $0xFFFFFFF0, v56  }
0x29d: {  	v3 =	vor.u32 v3, v4  }
0x29e: {  	v4 =	vperm.xlane v3, v0;
	_ =	sdelay $0x1  }
0x29f: {  	v3 =	vperm.xlane v3, v2;
	v4 =	vadd.s32 v1, v4;
	_ =	sdelay $0x1  }
0x2a0: {  	v3 =	vadd.s32 v1, v3;
	_ =	sdelay $0x2  }
0x2a1: {  	[tilespmem:s22], [sflag:$0x2] =	stream.indirect_vreg.gather [hbm4b:s2+s3], $0x80, v4, vm0, $0xb8;
	[tilespmem:$0x10400] =	vst v63  }
0x2a2: {  	s19 =	simm.s32 $0x8C00  }
0x2a3: {  	[tilespmem:s19], [sflag:$0x2] =	stream.indirect_vreg.gather [hbm4b:s2+s3], $0x80, v3, vm0, $0xb8;
	[tilespmem:$0x10400] =	vst v63  }
0x2a4: {  	v3 =	vld [tilespmem:$0x390];
	_ =	sdelay $0x4  }
0x2a5: {  	v57 =	vshll.u32 v3, $0x1  }
0x2a6: {  	v3 =	vand.u32 $0x7, v3;
	v4 =	vand.u32 $0xFFFFFFF0, v57  }
0x2a7: {  	v3 =	vor.u32 v3, v4  }
0x2a8: {  	v4 =	vperm.xlane v3, v0;
	_ =	sdelay $0x1  }
0x2a9: {  	v3 =	vperm.xlane v3, v2;
	v4 =	vadd.s32 v1, v4;
	_ =	sdelay $0x1  }
0x2aa: {  	v3 =	vadd.s32 v1, v3;
	_ =	sdelay $0x1  }
0x2ab: {  	s0 =	simm.s32 $0x9400  }
0x2ac: {  	[tilespmem:s0], [sflag:$0x2] =	stream.indirect_vreg.gather [hbm4b:s2+s3], $0x80, v4, vm0, $0xb8;
	[tilespmem:$0x10400] =	vst v63  }
0x2ad: {  	s6 =	simm.s32 $0x9C00  }
0x2ae: {  	[tilespmem:s6], [sflag:$0x2] =	stream.indirect_vreg.gather [hbm4b:s2+s3], $0x80, v3, vm0, $0xb8;
	[tilespmem:$0x10400] =	vst v63  }
0x2af: {  	v3 =	vld [tilespmem:$0x3A0];
	_ =	sdelay $0x4  }
0x2b0: {  	v58 =	vshll.u32 v3, $0x1  }
0x2b1: {  	v3 =	vand.u32 $0x7, v3;
	v4 =	vand.u32 $0xFFFFFFF0, v58  }
0x2b2: {  	v3 =	vor.u32 v3, v4  }
0x2b3: {  	v4 =	vperm.xlane v3, v0;
	_ =	sdelay $0x1  }
0x2b4: {  	v3 =	vperm.xlane v3, v2;
	v4 =	vadd.s32 v1, v4;
	_ =	sdelay $0x1  }
0x2b5: {  	v3 =	vadd.s32 v1, v3;
	_ =	sdelay $0x1  }
0x2b6: {  	s1 =	simm.s32 $0xA400  }
0x2b7: {  	[tilespmem:s1], [sflag:$0x2] =	stream.indirect_vreg.gather [hbm4b:s2+s3], $0x80, v4, vm0, $0xb8;
	[tilespmem:$0x10400] =	vst v63  }
0x2b8: {  	s7 =	simm.s32 $0xAC00  }
0x2b9: {  	[tilespmem:s7], [sflag:$0x2] =	stream.indirect_vreg.gather [hbm4b:s2+s3], $0x80, v3, vm0, $0xb8;
	[tilespmem:$0x10400] =	vst v63  }
0x2ba: {  	v3 =	vld [tilespmem:$0x3B0];
	_ =	sdelay $0x4  }
0x2bb: {  	v59 =	vshll.u32 v3, $0x1  }
0x2bc: {  	v3 =	vand.u32 $0x7, v3;
	v4 =	vand.u32 $0xFFFFFFF0, v59  }
0x2bd: {  	v3 =	vor.u32 v3, v4  }
0x2be: {  	v4 =	vperm.xlane v3, v0;
	_ =	sdelay $0x1  }
0x2bf: {  	v3 =	vperm.xlane v3, v2;
	v4 =	vadd.s32 v1, v4;
	_ =	sdelay $0x1  }
0x2c0: {  	v3 =	vadd.s32 v1, v3;
	_ =	sdelay $0x1  }
0x2c1: {  	s26 =	simm.s32 $0xB400  }
0x2c2: {  	[tilespmem:s26], [sflag:$0x2] =	stream.indirect_vreg.gather [hbm4b:s2+s3], $0x80, v4, vm0, $0xb8;
	[tilespmem:$0x10400] =	vst v63  }
0x2c3: {  	s26 =	simm.s32 $0xBC00  }
0x2c4: {  	[tilespmem:s26], [sflag:$0x2] =	stream.indirect_vreg.gather [hbm4b:s2+s3], $0x80, v3, vm0, $0xb8;
	[tilespmem:$0x10400] =	vst v63  }
0x2c5: {  	v3 =	vld [tilespmem:$0x3C0];
	_ =	sdelay $0x4  }
0x2c6: {  	v60 =	vshll.u32 v3, $0x1  }
0x2c7: {  	v3 =	vand.u32 $0x7, v3;
	v4 =	vand.u32 $0xFFFFFFF0, v60  }
0x2c8: {  	v3 =	vor.u32 v3, v4  }
0x2c9: {  	v4 =	vperm.xlane v3, v0;
	_ =	sdelay $0x1  }
0x2ca: {  	v3 =	vperm.xlane v3, v2;
	v4 =	vadd.s32 v1, v4;
	_ =	sdelay $0x1  }
0x2cb: {  	v3 =	vadd.s32 v1, v3;
	_ =	sdelay $0x1  }
0x2cc: {  	s28 =	simm.s32 $0xC400  }
0x2cd: {  	[tilespmem:s28], [sflag:$0x2] =	stream.indirect_vreg.gather [hbm4b:s2+s3], $0x80, v4, vm0, $0xb8;
	[tilespmem:$0x10400] =	vst v63  }
0x2ce: {  	s21 =	simm.s32 $0xCC00  }
0x2cf: {  	[tilespmem:s21], [sflag:$0x2] =	stream.indirect_vreg.gather [hbm4b:s2+s3], $0x80, v3, vm0, $0xb8;
	[tilespmem:$0x10400] =	vst v63  }
0x2d0: {  	v3 =	vld [tilespmem:$0x3D0];
	_ =	sdelay $0x4  }
0x2d1: {  	v61 =	vshll.u32 v3, $0x1  }
0x2d2: {  	v3 =	vand.u32 $0x7, v3;
	v4 =	vand.u32 $0xFFFFFFF0, v61  }
0x2d3: {  	v3 =	vor.u32 v3, v4  }
0x2d4: {  	v4 =	vperm.xlane v3, v0;
	_ =	sdelay $0x1  }
0x2d5: {  	v3 =	vperm.xlane v3, v2;
	v4 =	vadd.s32 v1, v4;
	_ =	sdelay $0x1  }
0x2d6: {  	v3 =	vadd.s32 v1, v3;
	_ =	sdelay $0x1  }
0x2d7: {  	s28 =	simm.s32 $0xD400  }
0x2d8: {  	[tilespmem:s28], [sflag:$0x2] =	stream.indirect_vreg.gather [hbm4b:s2+s3], $0x80, v4, vm0, $0xb8;
	[tilespmem:$0x10400] =	vst v63  }
0x2d9: {  	s24 =	simm.s32 $0xDC00  }
0x2da: {  	[tilespmem:s24], [sflag:$0x2] =	stream.indirect_vreg.gather [hbm4b:s2+s3], $0x80, v3, vm0, $0xb8;
	[tilespmem:$0x10400] =	vst v63  }
0x2db: {  	v3 =	vld [tilespmem:$0x3E0];
	_ =	sdelay $0x4  }
0x2dc: {  	v62 =	vshll.u32 v3, $0x1  }
0x2dd: {  	v3 =	vand.u32 $0x7, v3;
	v4 =	vand.u32 $0xFFFFFFF0, v62  }
0x2de: {  	v3 =	vor.u32 v3, v4  }
0x2df: {  	v4 =	vperm.xlane v3, v0;
	_ =	sdelay $0x1  }
0x2e0: {  	v3 =	vperm.xlane v3, v2;
	v4 =	vadd.s32 v1, v4;
	_ =	sdelay $0x1  }
0x2e1: {  	v3 =	vadd.s32 v1, v3;
	_ =	sdelay $0x1  }
0x2e2: {  	s20 =	simm.s32 $0xE400  }
0x2e3: {  	[tilespmem:s20], [sflag:$0x2] =	stream.indirect_vreg.gather [hbm4b:s2+s3], $0x80, v4, vm0, $0xb8;
	[tilespmem:$0x10400] =	vst v63  }
0x2e4: {  	s23 =	simm.s32 $0xEC00  }
0x2e5: {  	[tilespmem:s23], [sflag:$0x2] =	stream.indirect_vreg.gather [hbm4b:s2+s3], $0x80, v3, vm0, $0xb8;
	[tilespmem:$0x10400] =	vst v63  }
0x2e6: {  	v3 =	vld [tilespmem:$0x3F0];
	_ =	sdelay $0x4  }
0x2e7: {  	v63 =	vshll.u32 v3, $0x1  }
0x2e8: {  	v3 =	vand.u32 $0x7, v3;
	v4 =	vand.u32 $0xFFFFFFF0, v63  }
0x2e9: {  	v3 =	vor.u32 v3, v4  }
0x2ea: {  	v4 =	vperm.xlane v3, v0;
	_ =	sdelay $0x1  }
0x2eb: {  	v3 =	vperm.xlane v3, v2;
	v4 =	vadd.s32 v1, v4;
	_ =	sdelay $0x1  }
0x2ec: {  	v3 =	vadd.s32 v1, v3;
	_ =	sdelay $0x1  }
0x2ed: {  	s29 =	simm.s32 $0xF400  }
0x2ee: {  	[tilespmem:s29], [sflag:$0x2] =	stream.indirect_vreg.gather [hbm4b:s2+s3], $0x80, v4, vm0, $0xb8;
	[tilespmem:$0x10400] =	vst v63  }
0x2ef: {  	s30 =	simm.s32 $0xFC00  }
0x2f0: {  	[tilespmem:s30], [sflag:$0x2] =	stream.indirect_vreg.gather [hbm4b:s2+s3], $0x80, v3, vm0, $0xb8;
	[tilespmem:$0x10400] =	vst v63  }
0x2f1: {  	_ =	swait.ge [sflag:s12], $0x8000  }
0x2f2: {  	[sflag:s12] =	ssyncset.done $0x0  }
0x2f3: {  	s30 =	rddreg [dreg:$0xa];
	[sflag:s12] =	ssyncadd.s32 $0xFFFF8000  }
0x2f4: {  	[hbm4b:s30+s3] =	stream.linear.scatter [tilespmem:s25], [sflag:$0x3], $0x8000, $0x38;
	[tilespmem:$0x10400] =	vst v63  }
0x2f5: {  	_ =	swait.ge [sflag:s5], $0x8000  }
0x2f6: {  	[sflag:s5] =	ssyncset.done $0x0  }
0x2f7: {  	[sflag:s5] =	ssyncadd.s32 $0xFFFF8000  }
0x2f8: {  	_ =	swait.ge [sflag:s13], $0x8000  }
0x2f9: {  	p0 =	sne.s32 s4, $0x1;
	[sflag:s13] =	ssyncset.done $0x0  }
.Ltmp0:
0x2fa: {  	s31 =	rddreg [dreg:$0xb];
	[sflag:s13] =	ssyncadd.s32 $0xFFFF8000;
	(pc) =	sbr.rel @p0 .LBB2_1-.Ltmp0, $4  }
0x2fb: {  	[hbm4b:s31+s3] =	stream.linear.scatter [tilespmem:s22], [sflag:$0x3], $0x8000, $0x38;
	[tilespmem:$0x10400] =	vst v63  }
0x2fc: {  	_ =	swait.ge [sflag:s5], $0x8000  }
0x2fd: {  	[sflag:s5] =	ssyncset.done $0x0  }
0x2fe: {  	s4 =	sadd.s32 $0xFFFFFFFF, s4;
	[sflag:s5] =	ssyncadd.s32 $0xFFFF8000  }
0x2ff: {  	_ =	sfence.sel $0x180000  }
0x300: {  	[bflag:$0x0] =	sbarrier.arrive $0xFFFF  }
0x301: {  	_ =	strace $0x90000047  }
0x302: {  	s0 =	stileid.u32;
	[bflag:$0x2] =	sbarrier.arrive $0xFFFF  }
0x303: {  	p0 =	sne.s32 s0, $0x0;
	s0 =	rddreg [dreg:$0x2]  }
0x304: {  	s0 =	sadd.s32 @!p0 $0x100000, s0  }
0x305: {  	[sflag:s0] =	ssyncadd.tile.s32 @!p0 $0x1;
	_ =	shalt  }
.Lfunc_end2:
_tile_overlayer_lowered:
.L_overlay_start_2:
0x306: {  	(tag) =	ssettag $0x2  }
0x307: {  	s0 =	rddreg [dreg:$0x0];
	s2 =	stileid.u32  }
0x308: {  	s1 =	rddreg [dreg:$0x1];
	p0 =	sne.s32 s2, $0x0  }
0x309: {  	s3 =	rddreg [dreg:$0x2];
	[bflag:$0x3] =	sbarrier.arrive $0xFFFF;
	s2 =	simm.s32 @!p0 $0x1C03  }
0x30a: {  	[timem:s3], [sflag:s2] =	dma.local @!p0 [hbm:s0], s1  }
0x30b: {  	s0 =	simm.s32 @!p0 $0x3  }
0x30c: {  	_ =	swait.ge @!p0 [sflag:s0], s1  }
0x30d: {  	s1 =	ssub.s32 @!p0 $0x0, s1;
	[sflag:s0] =	ssyncset.done @!p0 $0x0  }
0x30e: {  	[sflag:s0] =	ssyncadd.s32 @!p0 s1  }
0x30f: {  	[bflag:$0x3] =	sbarrier.arrive $0xFFFF  }
0x310: {  	_ =	shalt  }

</sc_bundles>
